<compile_context>
chip_gen: v7x
topology: tpu7x:2x2x1
jax: 0.10.2.dev20260603
libtpu: 0.0.44.dev20260713+nightly
codegen_flags: <defaults>
</compile_context>

<pallas_src>
import functools

import jax
import jax.numpy as jnp
from jax import lax
from jax.experimental import pallas as pl
from jax.experimental.pallas import tpu as pltpu
from jax.experimental.pallas import tpu_sc as plsc

_NC = 2
_NS = 16
_NW = _NC * _NS
_CHUNK_ROWS = 4
_EDGES_PER_STEP = _CHUNK_ROWS * 128


def _ceil_to(v, m):
    return (v + m - 1) // m * m


def _sc_aggregate(xp, srcr, dstr, csrcr, cdstr, R, CW,
                  base_split, caus_split):
    rows_sub = R // _NS

    mesh = plsc.VectorSubcoreMesh(
        core_axis_name="c", subcore_axis_name="s",
        num_cores=_NC, num_subcores=_NS)

    @functools.partial(
        pl.kernel,
        out_type=(jax.ShapeDtypeStruct((_NC, R, CW), jnp.float32),
                  jax.ShapeDtypeStruct((_NC, R, CW), jnp.float32)),
        mesh=mesh,
        compiler_params=pltpu.CompilerParams(use_tc_tiling_on_sc=False),
        scratch_types=(
            pltpu.VMEM_SHARED((R, CW), jnp.float32),
            pltpu.VMEM_SHARED((R, CW), jnp.float32),
            pltpu.VMEM((_CHUNK_ROWS, 128), jnp.int32),
            pltpu.VMEM((_CHUNK_ROWS, 128), jnp.int32),
            pltpu.VMEM((_CHUNK_ROWS, 128, CW), jnp.float32),
            pltpu.VMEM((128, CW), jnp.float32),
            pltpu.SemaphoreType.DMA,
            pltpu.SemaphoreType.DMA,
            pltpu.SemaphoreType.DMA,
        ),
    )
    def k(xp_h, src_h, dst_h, csrc_h, cdst_h, agg_h, cagg_h,
          acc, cacc, sv, dv, rows, zbuf, gsem, ssem, rsem):
        c = lax.axis_index("c")
        s = lax.axis_index("s")

        z16 = jnp.zeros((16,), jnp.float32)

        def zrow(i, carry):
            for kk in range(CW // 16):
                zbuf[i, pl.ds(kk * 16, 16)] = z16
            return carry

        lax.fori_loop(0, 128, zrow, 0)
        for t in range(rows_sub // 128):
            off = s * rows_sub + t * 128
            pltpu.sync_copy(zbuf, acc.at[pl.ds(off, 128)])
            pltpu.sync_copy(zbuf, cacc.at[pl.ds(off, 128)])
        plsc.subcore_barrier()

        def edge_pass(src_ref, dst_ref, acc_ref, split):
            s0, s1 = split
            n_steps = jnp.where(c == 0, s0, s1)
            base_row = jnp.where(
                c == 0, s * (_CHUNK_ROWS * s0),
                _NS * _CHUNK_ROWS * s0 + s * (_CHUNK_ROWS * s1))

            def step(i, carry):
                r0 = base_row + i * _CHUNK_ROWS
                pltpu.sync_copy(src_ref.at[pl.ds(r0, _CHUNK_ROWS)], sv)
                pltpu.sync_copy(dst_ref.at[pl.ds(r0, _CHUNK_ROWS)], dv)
                gh = [pltpu.async_copy(xp_h.at[sv.at[j]], rows.at[j], gsem)
                      for j in range(_CHUNK_ROWS)]
                for h in gh:
                    h.wait()
                sh = [pltpu.async_copy(rows.at[j], acc_ref.at[dv.at[j]], ssem,
                                       add=True)
                      for j in range(_CHUNK_ROWS)]
                for h in sh:
                    h.wait()
                return carry

            lax.fori_loop(0, n_steps, step, 0)

        sl = pl.ds(s * rows_sub, rows_sub)
        edge_pass(src_h, dst_h, acc, base_split)
        plsc.subcore_barrier()
        ro = pltpu.async_copy(acc.at[sl], agg_h.at[c, sl], rsem)
        edge_pass(csrc_h, cdst_h, cacc, caus_split)
        plsc.subcore_barrier()
        pltpu.sync_copy(cacc.at[sl], cagg_h.at[c, sl])
        ro.wait()

    return k(xp, srcr, dstr, csrcr, cdstr)


def _tc_dense(x2d, aggp, caggp, Wm, P, B, T, BT, OD, N, R, Nb):
    grid = (pl.cdiv(N, Nb),)

    def body(x_ref, ap_ref, cp_ref, w_ref, p_ref, f_ref, h_ref, l_ref):
        agg = ap_ref[0] + ap_ref[1]
        cagg = cp_ref[0] + cp_ref[1]
        aggT = agg.T
        caggT = cagg.T
        deg = aggT[BT:BT + 1, :]
        cdeg = caggT[BT:BT + 1, :]
        dmask = (deg > 0).astype(jnp.float32)
        cmask = (cdeg > 0).astype(jnp.float32)
        dinv = 1.0 / jnp.maximum(deg, 1.0)
        cinv = 1.0 / jnp.maximum(cdeg, 1.0)

        def ln(h, gcol, bcol):
            mu = jnp.mean(h, axis=0, keepdims=True)
            xc = h - mu
            var = jnp.mean(xc * xc, axis=0, keepdims=True)
            return gcol * xc * lax.rsqrt(var + 1e-5) + bcol

        pcol = lambda k: p_ref[:, k:k + 1]
        batt = p_ref[0:1, 14:15]

        for b in range(B):
            xb = x_ref[b * T:(b + 1) * T, :]
            maT = aggT[b * T:(b + 1) * T, :] * dinv
            caT = caggT[b * T:(b + 1) * T, :] * cinv

            F = jnp.concatenate([maT, caT, xb], axis=0)
            out = lax.dot_general(
                w_ref[...], F, (((1,), (0,)), ((), ())),
                precision=lax.Precision.HIGHEST,
                preferred_element_type=jnp.float32)

            hp = out[0:OD] + pcol(0) * dmask + pcol(1)
            hn = ln(hp, pcol(6), pcol(7))
            high = jnp.where(hn > 0, hn, 0.1 * hn)

            lp = (out[OD:2 * OD]
                  + pcol(2) * dmask + pcol(3) * cmask + pcol(4))
            lnl = ln(lp, pcol(8), pcol(9))
            low = 0.5 * lnl * (1.0 + jnp.tanh(
                0.7978845608028654 * (lnl + 0.044715 * lnl * lnl * lnl)))

            res = out[2 * OD:3 * OD] + pcol(5)
            res = ln(res, pcol(10), pcol(11))

            s = (jnp.sum(high * pcol(12), axis=0, keepdims=True)
                 + jnp.sum(low * pcol(13), axis=0, keepdims=True) + batt)
            alpha = 1.0 / (1.0 + jnp.exp(-s))
            fused = (alpha + 0.3) * high + (1.3 - alpha) * low + 0.1 * res

            f_ref[b] = fused
            h_ref[b] = high
            l_ref[b] = low

    CW = aggp.shape[2]
    out_sd = jax.ShapeDtypeStruct((B, OD, N), jnp.float32)
    return pl.pallas_call(
        body,
        grid=grid,
        in_specs=[
            pl.BlockSpec((BT, Nb), lambda i: (0, i)),
            pl.BlockSpec((_NC, Nb, CW), lambda i: (0, i, 0)),
            pl.BlockSpec((_NC, Nb, CW), lambda i: (0, i, 0)),
            pl.BlockSpec((3 * OD, 3 * T), lambda i: (0, 0)),
            pl.BlockSpec((OD, 16), lambda i: (0, 0)),
        ],
        out_specs=[
            pl.BlockSpec((B, OD, Nb), lambda i: (0, 0, i)),
            pl.BlockSpec((B, OD, Nb), lambda i: (0, 0, i)),
            pl.BlockSpec((B, OD, Nb), lambda i: (0, 0, i)),
        ],
        out_shape=(out_sd, out_sd, out_sd),
    )(x2d, aggp, caggp, Wm, P)


def kernel(x, edge_index, causal_edge_index, W_high_temp, b_high_temp,
           W_low_temp, b_low_temp, W_hg_nei, W_hg_self, b_hg, W_lg_nei,
           W_lg_self, b_lg, W_lc, W_hr, b_hr, W_lr, b_lr, g_h, be_h, g_l,
           be_l, W_att, b_att, W_gr, b_gr, g_g, be_g):
    B, T, N = x.shape
    E = edge_index.shape[1]
    EC = causal_edge_index.shape[1]
    OD = W_hg_nei.shape[1]
    BT = B * T
    CW = _ceil_to(BT + 1, 16)
    R = _ceil_to(N + 1, _NS * _EDGES_PER_STEP // 16)
    if R % (_NS * 8):
        R = _ceil_to(R, _NS * 8)
    Nb = 1024 if R % 1024 == 0 else 512

    f32 = jnp.float32

    x2d = x.reshape(BT, N)
    xp = jnp.concatenate(
        [x2d.T, jnp.ones((N, 1), f32), jnp.zeros((N, CW - BT - 1), f32)],
        axis=1)

    _F0 = 0.85

    def pack_edges(ei, ne):
        epad = _ceil_to(ne, _NS * _EDGES_PER_STEP)
        pe = epad - ne
        s = jnp.concatenate([ei[0], jnp.zeros((pe,), jnp.int32)])
        d = jnp.concatenate([ei[1], jnp.full((pe,), N, jnp.int32)])
        tot = epad // (_NS * _EDGES_PER_STEP)
        s0 = min(max(int(round(_F0 * tot)), 0), tot)
        return (s.reshape(epad // 128, 128), d.reshape(epad // 128, 128),
                (s0, tot - s0))

    srcr, dstr, base_split = pack_edges(edge_index, E)
    csrcr, cdstr, caus_split = pack_edges(causal_edge_index, EC)

    Ah = W_high_temp @ W_hg_nei
    Ch = W_high_temp @ (W_hg_self + 0.2 * W_hr)
    bAh = b_high_temp @ W_hg_nei
    ch = b_high_temp @ (W_hg_self + 0.2 * W_hr) + b_hg + 0.2 * b_hr
    Al = W_low_temp @ W_lg_nei
    Alc = W_low_temp @ W_lc
    Cl = W_low_temp @ (W_lg_self + 0.2 * W_lr)
    bAl = b_low_temp @ W_lg_nei
    bAlc = b_low_temp @ W_lc
    cl = b_low_temp @ (W_lg_self + 0.2 * W_lr) + b_lg + 0.2 * b_lr

    z = jnp.zeros((OD, T), f32)
    Wm = jnp.concatenate([
        jnp.concatenate([Ah.T, z, Ch.T], axis=1),
        jnp.concatenate([Al.T, Alc.T, Cl.T], axis=1),
        jnp.concatenate([z, z, 2.0 * W_gr.T], axis=1),
    ], axis=0)
    P = jnp.stack(
        [bAh, ch, bAl, bAlc, cl, b_gr, g_h, be_h, g_l, be_l, g_g, be_g,
         W_att[:OD], W_att[OD:], jnp.full((OD,), b_att, f32),
         jnp.zeros((OD,), f32)], axis=1)

    aggp, caggp = _sc_aggregate(xp, srcr, dstr, csrcr, cdstr,
                                R, CW, base_split, caus_split)
    fused, high, low = _tc_dense(x2d, aggp, caggp, Wm, P,
                                 B, T, BT, OD, N, R, Nb)
    return (fused, high, low)

# --- scband reference (transcript-rebuilt; emitter-appended) ---
"""Pipeline reference for scband-dwtenhanced-stgcn-40776419508517 (READ-ONLY COPY).

The authoritative reference and input builder live on the scoring server;
editing this copy changes nothing except your own understanding.
"""

import jax, jax.numpy as jnp
import numpy as np

B, T, N = 4, 12, 10000
E, EC = 320000, 160000
TD, OD = 32, 64

def setup_inputs(seed: int = 0):
    key = jax.random.key(seed)
    ks = jax.random.split(key, 20)
    s = 0.05
    inp = {
        "x": jax.random.normal(ks[0], (B, T, N), dtype=jnp.float32),
        "edge_index": jax.random.randint(ks[1], (2, E), 0, N, dtype=jnp.int32),
        "causal_edge_index": jax.random.randint(ks[2], (2, EC), 0, N, dtype=jnp.int32),
        "W_high_temp": jax.random.normal(ks[3], (T, TD), dtype=jnp.float32) * s,
        "b_high_temp": jnp.zeros((TD,), jnp.float32),
        "W_low_temp": jax.random.normal(ks[4], (T, TD), dtype=jnp.float32) * s,
        "b_low_temp": jnp.zeros((TD,), jnp.float32),
        "W_hg_nei": jax.random.normal(ks[5], (TD, OD), dtype=jnp.float32) * s,
        "W_hg_self": jax.random.normal(ks[6], (TD, OD), dtype=jnp.float32) * s,
        "b_hg": jnp.zeros((OD,), jnp.float32),
        "W_lg_nei": jax.random.normal(ks[7], (TD, OD), dtype=jnp.float32) * s,
        "W_lg_self": jax.random.normal(ks[8], (TD, OD), dtype=jnp.float32) * s,
        "b_lg": jnp.zeros((OD,), jnp.float32),
        "W_lc": jax.random.normal(ks[9], (TD, OD), dtype=jnp.float32) * s,
        "W_hr": jax.random.normal(ks[10], (TD, OD), dtype=jnp.float32) * s,
        "b_hr": jnp.zeros((OD,), jnp.float32),
        "W_lr": jax.random.normal(ks[11], (TD, OD), dtype=jnp.float32) * s,
        "b_lr": jnp.zeros((OD,), jnp.float32),
        "g_h": jnp.ones((OD,), jnp.float32), "be_h": jnp.zeros((OD,), jnp.float32),
        "g_l": jnp.ones((OD,), jnp.float32), "be_l": jnp.zeros((OD,), jnp.float32),
        "W_att": jax.random.normal(ks[12], (2 * OD,), dtype=jnp.float32) * s,
        "b_att": jnp.zeros((), jnp.float32),
        "W_gr": jax.random.normal(ks[13], (T, OD), dtype=jnp.float32) * s,
        "b_gr": jnp.zeros((OD,), jnp.float32),
        "g_g": jnp.ones((OD,), jnp.float32), "be_g": jnp.zeros((OD,), jnp.float32),
    }
    return inp

def _ln(h, g, b):
    mu = jnp.mean(h, axis=-1, keepdims=True)
    var = jnp.mean((h - mu) ** 2, axis=-1, keepdims=True)
    return g * (h - mu) / jnp.sqrt(var + 1e-5) + b

def _gcn(xf, src, dst, Wn, Ws, b, n):
    msgs = jnp.take(xf, src, axis=0)
    agg = jax.ops.segment_sum(msgs, dst, num_segments=n)
    deg = jax.ops.segment_sum(jnp.ones((src.shape[0],), xf.dtype), dst, num_segments=n)
    agg = agg / jnp.clip(deg, 1.0)[:, None]
    return agg @ Wn + xf @ Ws + b

def reference(x, edge_index, causal_edge_index, W_high_temp, b_high_temp, W_low_temp, b_low_temp, W_hg_nei, W_hg_self, b_hg, W_lg_nei, W_lg_self, b_lg, W_lc, W_hr, b_hr, W_lr, b_lr, g_h, be_h, g_l, be_l, W_att, b_att, W_gr, b_gr, g_g, be_g):
    Bx, Tx, Nx = x.shape
    Ex = edge_index.shape[1]
    ECx = causal_edge_index.shape[1]
    off = jnp.repeat(jnp.arange(Bx, dtype=edge_index.dtype) * Nx, Ex)
    bei = jnp.tile(edge_index, (1, Bx)) + off[None, :]
    offc = jnp.repeat(jnp.arange(Bx, dtype=causal_edge_index.dtype) * Nx, ECx)
    bcei = jnp.tile(causal_edge_index, (1, Bx)) + offc[None, :]
    # high-frequency branch: temporal projection + graph conv
    ht = jnp.einsum('btn,td->bdn', x, W_high_temp) + b_high_temp[None, :, None]
    hin = ht.transpose(0, 2, 1).reshape(Bx * Nx, -1)
    hg = _gcn(hin, bei[0], bei[1], W_hg_nei, W_hg_self, b_hg, Bx * Nx)
    high = hg.reshape(Bx, Nx, -1).transpose(0, 2, 1)
    hres = (ht.transpose(0, 2, 1) @ W_hr + b_hr).transpose(0, 2, 1)
    high = high + 0.2 * hres
    high = _ln(high.transpose(0, 2, 1), g_h, be_h).transpose(0, 2, 1)
    high = jnp.where(high > 0, high, 0.1 * high)
    # low-frequency branch: temporal projection + base graph conv + causal graph conv
    lt = jnp.einsum('btn,td->bdn', x, W_low_temp) + b_low_temp[None, :, None]
    lin = lt.transpose(0, 2, 1).reshape(Bx * Nx, -1)
    lg = _gcn(lin, bei[0], bei[1], W_lg_nei, W_lg_self, b_lg, Bx * Nx)
    cm = jnp.take(lin, bcei[0], axis=0)
    cagg = jax.ops.segment_sum(cm, bcei[1], num_segments=Bx * Nx)
    cdeg = jax.ops.segment_sum(jnp.ones((bcei.shape[1],), lin.dtype), bcei[1], num_segments=Bx * Nx)
    cagg = cagg / jnp.clip(cdeg, 1.0)[:, None]
    lg = lg + cagg @ W_lc
    low = lg.reshape(Bx, Nx, -1).transpose(0, 2, 1)
    lres = (lt.transpose(0, 2, 1) @ W_lr + b_lr).transpose(0, 2, 1)
    low = low + 0.2 * lres
    low = _ln(low.transpose(0, 2, 1), g_l, be_l).transpose(0, 2, 1)
    low = jax.nn.gelu(low)
    # attention fusion
    cat = jnp.concatenate([high, low], axis=1)
    alpha = jax.nn.sigmoid(jnp.einsum('bcn,c->bn', cat, W_att) + b_att)
    fused = alpha[:, None, :] * high + (1.0 - alpha)[:, None, :] * low
    fused = fused + 0.3 * high + 0.3 * low
    # global residual (low_src + high_src = 2x since both aliases of x)
    xr = 2.0 * x
    res = xr.transpose(0, 2, 1) @ W_gr + b_gr
    res = _ln(res, g_g, be_g).transpose(0, 2, 1)
    fused = fused + 0.1 * res
    return (fused, high, low)

if __name__ == "__main__":
    import jax
    _d = setup_inputs()
    print(jax.jit(kernel)(*tuple(_d.values())))

</pallas_src>

<mosaic_0001>
#map = affine_map<(d0, d1) -> (0, 0)>
#map1 = affine_map<(d0, d1) -> (0, 0, 0)>
module attributes {stable_mosaic.version = 14 : i64} {
  func.func @k(%arg0: i32, %arg1: i32, %arg2: memref<10000x64xf32, #tpu.memory_space<hbm>>, %arg3: memref<2560x128xi32, #tpu.memory_space<hbm>>, %arg4: memref<2560x128xi32, #tpu.memory_space<hbm>>, %arg5: memref<1280x128xi32, #tpu.memory_space<hbm>>, %arg6: memref<1280x128xi32, #tpu.memory_space<hbm>>, %arg7: memref<2x10240x64xf32, #tpu.memory_space<hbm>>, %arg8: memref<2x10240x64xf32, #tpu.memory_space<hbm>>, %arg9: memref<10240x64xf32, #tpu.memory_space<vmem_shared>>, %arg10: memref<10240x64xf32, #tpu.memory_space<vmem_shared>>, %arg11: memref<4x128xi32, #tpu.memory_space<vmem>>, %arg12: memref<4x128xi32, #tpu.memory_space<vmem>>, %arg13: memref<4x128x64xf32, #tpu.memory_space<vmem>>, %arg14: memref<128x64xf32, #tpu.memory_space<vmem>>, %arg15: memref<!tpu.dma_semaphore, #tpu.memory_space<semaphore_mem>>, %arg16: memref<!tpu.dma_semaphore, #tpu.memory_space<semaphore_mem>>, %arg17: memref<!tpu.dma_semaphore, #tpu.memory_space<semaphore_mem>>) attributes {dimension_semantics = [#tpu.dimension_semantics<core_parallel>, #tpu.dimension_semantics<subcore_parallel>], iteration_bounds = array<i64: 2, 16>, scalar_prefetch = 0 : i64, scratch_operands = 9 : i64, tpu.core_type = #tpu.core_type<sc_vector_subcore>, window_params = [{transform_indices = #map}, {transform_indices = #map}, {transform_indices = #map}, {transform_indices = #map}, {transform_indices = #map}, {transform_indices = #map1}, {transform_indices = #map1}]} {
    %broadcast_in_dim3A = arith.constant 0.000000e+00 : f32
    %broadcast_in_dim3A_0 = vector.broadcast %broadcast_in_dim3A : f32 to vector<16xf32>
    %scan3A = arith.constant 0 : i32
    %scan3A_1 = arith.constant 0 : i32
    %scan3A_2 = arith.constant 128 : i32
    %scan3A_3 = arith.addi %scan3A_1, %scan3A_2 : i32
    %scan3A_4 = arith.constant 1 : i32
    scf.for %scan3A_80 = %scan3A_1 to %scan3A_3 step %scan3A_4  : i32 {
      %swap3A = arith.index_cast %scan3A_80 : i32 to index
      %swap3A_81 = arith.constant 0 : index
      %swap3A_82 = tpu.vector_load %arg14[%swap3A, %swap3A_81] {strides = array<i32>} : memref<128x64xf32, #tpu.memory_space<vmem>>, vector<1x16xf32>,
      %swap3A_83 = vector.shape_cast %swap3A_82 : vector<1x16xf32> to vector<16xf32>
      %swap3A_84 = vector.shape_cast %broadcast_in_dim3A_0 : vector<16xf32> to vector<1x16xf32>
      tpu.vector_store %arg14[%swap3A, %swap3A_81], %swap3A_84 {strides = array<i32>} : memref<128x64xf32, #tpu.memory_space<vmem>>, vector<1x16xf32>,
      %swap3A_85 = arith.index_cast %scan3A_80 : i32 to index
      %swap3A_86 = arith.constant 16 : index
      %swap3A_87 = tpu.vector_load %arg14[%swap3A_85, %swap3A_86] {strides = array<i32>} : memref<128x64xf32, #tpu.memory_space<vmem>>, vector<1x16xf32>,
      %swap3A_88 = vector.shape_cast %swap3A_87 : vector<1x16xf32> to vector<16xf32>
      %swap3A_89 = vector.shape_cast %broadcast_in_dim3A_0 : vector<16xf32> to vector<1x16xf32>
      tpu.vector_store %arg14[%swap3A_85, %swap3A_86], %swap3A_89 {strides = array<i32>} : memref<128x64xf32, #tpu.memory_space<vmem>>, vector<1x16xf32>,
      %swap3A_90 = arith.index_cast %scan3A_80 : i32 to index
      %swap3A_91 = arith.constant 32 : index
      %swap3A_92 = tpu.vector_load %arg14[%swap3A_90, %swap3A_91] {strides = array<i32>} : memref<128x64xf32, #tpu.memory_space<vmem>>, vector<1x16xf32>,
      %swap3A_93 = vector.shape_cast %swap3A_92 : vector<1x16xf32> to vector<16xf32>
      %swap3A_94 = vector.shape_cast %broadcast_in_dim3A_0 : vector<16xf32> to vector<1x16xf32>
      tpu.vector_store %arg14[%swap3A_90, %swap3A_91], %swap3A_94 {strides = array<i32>} : memref<128x64xf32, #tpu.memory_space<vmem>>, vector<1x16xf32>,
      %swap3A_95 = arith.index_cast %scan3A_80 : i32 to index
      %swap3A_96 = arith.constant 48 : index
      %swap3A_97 = tpu.vector_load %arg14[%swap3A_95, %swap3A_96] {strides = array<i32>} : memref<128x64xf32, #tpu.memory_space<vmem>>, vector<1x16xf32>,
      %swap3A_98 = vector.shape_cast %swap3A_97 : vector<1x16xf32> to vector<16xf32>
      %swap3A_99 = vector.shape_cast %broadcast_in_dim3A_0 : vector<16xf32> to vector<1x16xf32>
      tpu.vector_store %arg14[%swap3A_95, %swap3A_96], %swap3A_99 {strides = array<i32>} : memref<128x64xf32, #tpu.memory_space<vmem>>, vector<1x16xf32>,
    }
    %scan3A_5 = arith.constant 128 : i32
    %mul3A = arith.constant 640 : i32
    %mul3A_6 = arith.muli %arg1, %mul3A : i32
    %add3A = arith.constant 0 : i32
    %add3A_7 = arith.addi %mul3A_6, %add3A : i32
    "tpu.region"() ({
      %run_scoped3A = tpu.sem_alloc : memref<!tpu.dma_semaphore, #tpu.memory_space<semaphore_mem>>
      %dma_start3A_80 = arith.constant 0 : i32
      %dma_start3A_81 = tpu.memref_slice %arg9[%add3A_7, %dma_start3A_80] : memref<10240x64xf32, #tpu.memory_space<vmem_shared>> -> memref<128x64xf32, #tpu.memory_space<vmem_shared>>
      %dma_start3A_82 = arith.constant 0 : i32
      %dma_start3A_83 = tpu.memref_slice %arg9[%add3A_7, %dma_start3A_82] : memref<10240x64xf32, #tpu.memory_space<vmem_shared>> -> memref<128x64xf32, #tpu.memory_space<vmem_shared>>
      tpu.enqueue_dma source(%arg14 : memref<128x64xf32, #tpu.memory_space<vmem>>) target(%dma_start3A_83 : memref<128x64xf32, #tpu.memory_space<vmem_shared>>) target_semaphore(%run_scoped3A : memref<!tpu.dma_semaphore, #tpu.memory_space<semaphore_mem>>)
      %dma_wait3A_84 = arith.constant 0 : i32
      %dma_wait3A_85 = tpu.memref_slice %arg9[%add3A_7, %dma_wait3A_84] : memref<10240x64xf32, #tpu.memory_space<vmem_shared>> -> memref<128x64xf32, #tpu.memory_space<vmem_shared>>
      %dma_wait3A_86 = arith.constant 0 : i32
      %dma_wait3A_87 = tpu.memref_slice %arg9[%add3A_7, %dma_wait3A_86] : memref<10240x64xf32, #tpu.memory_space<vmem_shared>> -> memref<128x64xf32, #tpu.memory_space<vmem_shared>>
      tpu.wait_dma2 semaphore(%run_scoped3A : memref<!tpu.dma_semaphore, #tpu.memory_space<semaphore_mem>>) src(%arg14 : memref<128x64xf32, #tpu.memory_space<vmem>>) dst(%dma_wait3A_87 : memref<128x64xf32, #tpu.memory_space<vmem_shared>>)
      tpu.yield
    }) : () -> ()
    "tpu.region"() ({
      %run_scoped3A = tpu.sem_alloc : memref<!tpu.dma_semaphore, #tpu.memory_space<semaphore_mem>>
      %dma_start3A_80 = arith.constant 0 : i32
      %dma_start3A_81 = tpu.memref_slice %arg10[%add3A_7, %dma_start3A_80] : memref<10240x64xf32, #tpu.memory_space<vmem_shared>> -> memref<128x64xf32, #tpu.memory_space<vmem_shared>>
      %dma_start3A_82 = arith.constant 0 : i32
      %dma_start3A_83 = tpu.memref_slice %arg10[%add3A_7, %dma_start3A_82] : memref<10240x64xf32, #tpu.memory_space<vmem_shared>> -> memref<128x64xf32, #tpu.memory_space<vmem_shared>>
      tpu.enqueue_dma source(%arg14 : memref<128x64xf32, #tpu.memory_space<vmem>>) target(%dma_start3A_83 : memref<128x64xf32, #tpu.memory_space<vmem_shared>>) target_semaphore(%run_scoped3A : memref<!tpu.dma_semaphore, #tpu.memory_space<semaphore_mem>>)
      %dma_wait3A_84 = arith.constant 0 : i32
      %dma_wait3A_85 = tpu.memref_slice %arg10[%add3A_7, %dma_wait3A_84] : memref<10240x64xf32, #tpu.memory_space<vmem_shared>> -> memref<128x64xf32, #tpu.memory_space<vmem_shared>>
      %dma_wait3A_86 = arith.constant 0 : i32
      %dma_wait3A_87 = tpu.memref_slice %arg10[%add3A_7, %dma_wait3A_86] : memref<10240x64xf32, #tpu.memory_space<vmem_shared>> -> memref<128x64xf32, #tpu.memory_space<vmem_shared>>
      tpu.wait_dma2 semaphore(%run_scoped3A : memref<!tpu.dma_semaphore, #tpu.memory_space<semaphore_mem>>) src(%arg14 : memref<128x64xf32, #tpu.memory_space<vmem>>) dst(%dma_wait3A_87 : memref<128x64xf32, #tpu.memory_space<vmem_shared>>)
      tpu.yield
    }) : () -> ()
    %mul3A_8 = arith.constant 640 : i32
    %mul3A_9 = arith.muli %arg1, %mul3A_8 : i32
    %add3A_10 = arith.constant 128 : i32
    %add3A_11 = arith.addi %mul3A_9, %add3A_10 : i32
    "tpu.region"() ({
      %run_scoped3A = tpu.sem_alloc : memref<!tpu.dma_semaphore, #tpu.memory_space<semaphore_mem>>
      %dma_start3A_80 = arith.constant 0 : i32
      %dma_start3A_81 = tpu.memref_slice %arg9[%add3A_11, %dma_start3A_80] : memref<10240x64xf32, #tpu.memory_space<vmem_shared>> -> memref<128x64xf32, #tpu.memory_space<vmem_shared>>
      %dma_start3A_82 = arith.constant 0 : i32
      %dma_start3A_83 = tpu.memref_slice %arg9[%add3A_11, %dma_start3A_82] : memref<10240x64xf32, #tpu.memory_space<vmem_shared>> -> memref<128x64xf32, #tpu.memory_space<vmem_shared>>
      tpu.enqueue_dma source(%arg14 : memref<128x64xf32, #tpu.memory_space<vmem>>) target(%dma_start3A_83 : memref<128x64xf32, #tpu.memory_space<vmem_shared>>) target_semaphore(%run_scoped3A : memref<!tpu.dma_semaphore, #tpu.memory_space<semaphore_mem>>)
      %dma_wait3A_84 = arith.constant 0 : i32
      %dma_wait3A_85 = tpu.memref_slice %arg9[%add3A_11, %dma_wait3A_84] : memref<10240x64xf32, #tpu.memory_space<vmem_shared>> -> memref<128x64xf32, #tpu.memory_space<vmem_shared>>
      %dma_wait3A_86 = arith.constant 0 : i32
      %dma_wait3A_87 = tpu.memref_slice %arg9[%add3A_11, %dma_wait3A_86] : memref<10240x64xf32, #tpu.memory_space<vmem_shared>> -> memref<128x64xf32, #tpu.memory_space<vmem_shared>>
      tpu.wait_dma2 semaphore(%run_scoped3A : memref<!tpu.dma_semaphore, #tpu.memory_space<semaphore_mem>>) src(%arg14 : memref<128x64xf32, #tpu.memory_space<vmem>>) dst(%dma_wait3A_87 : memref<128x64xf32, #tpu.memory_space<vmem_shared>>)
      tpu.yield
    }) : () -> ()
    "tpu.region"() ({
      %run_scoped3A = tpu.sem_alloc : memref<!tpu.dma_semaphore, #tpu.memory_space<semaphore_mem>>
      %dma_start3A_80 = arith.constant 0 : i32
      %dma_start3A_81 = tpu.memref_slice %arg10[%add3A_11, %dma_start3A_80] : memref<10240x64xf32, #tpu.memory_space<vmem_shared>> -> memref<128x64xf32, #tpu.memory_space<vmem_shared>>
      %dma_start3A_82 = arith.constant 0 : i32
      %dma_start3A_83 = tpu.memref_slice %arg10[%add3A_11, %dma_start3A_82] : memref<10240x64xf32, #tpu.memory_space<vmem_shared>> -> memref<128x64xf32, #tpu.memory_space<vmem_shared>>
      tpu.enqueue_dma source(%arg14 : memref<128x64xf32, #tpu.memory_space<vmem>>) target(%dma_start3A_83 : memref<128x64xf32, #tpu.memory_space<vmem_shared>>) target_semaphore(%run_scoped3A : memref<!tpu.dma_semaphore, #tpu.memory_space<semaphore_mem>>)
      %dma_wait3A_84 = arith.constant 0 : i32
      %dma_wait3A_85 = tpu.memref_slice %arg10[%add3A_11, %dma_wait3A_84] : memref<10240x64xf32, #tpu.memory_space<vmem_shared>> -> memref<128x64xf32, #tpu.memory_space<vmem_shared>>
      %dma_wait3A_86 = arith.constant 0 : i32
      %dma_wait3A_87 = tpu.memref_slice %arg10[%add3A_11, %dma_wait3A_86] : memref<10240x64xf32, #tpu.memory_space<vmem_shared>> -> memref<128x64xf32, #tpu.memory_space<vmem_shared>>
      tpu.wait_dma2 semaphore(%run_scoped3A : memref<!tpu.dma_semaphore, #tpu.memory_space<semaphore_mem>>) src(%arg14 : memref<128x64xf32, #tpu.memory_space<vmem>>) dst(%dma_wait3A_87 : memref<128x64xf32, #tpu.memory_space<vmem_shared>>)
      tpu.yield
    }) : () -> ()
    %mul3A_12 = arith.constant 640 : i32
    %mul3A_13 = arith.muli %arg1, %mul3A_12 : i32
    %add3A_14 = arith.constant 256 : i32
    %add3A_15 = arith.addi %mul3A_13, %add3A_14 : i32
    "tpu.region"() ({
      %run_scoped3A = tpu.sem_alloc : memref<!tpu.dma_semaphore, #tpu.memory_space<semaphore_mem>>
      %dma_start3A_80 = arith.constant 0 : i32
      %dma_start3A_81 = tpu.memref_slice %arg9[%add3A_15, %dma_start3A_80] : memref<10240x64xf32, #tpu.memory_space<vmem_shared>> -> memref<128x64xf32, #tpu.memory_space<vmem_shared>>
      %dma_start3A_82 = arith.constant 0 : i32
      %dma_start3A_83 = tpu.memref_slice %arg9[%add3A_15, %dma_start3A_82] : memref<10240x64xf32, #tpu.memory_space<vmem_shared>> -> memref<128x64xf32, #tpu.memory_space<vmem_shared>>
      tpu.enqueue_dma source(%arg14 : memref<128x64xf32, #tpu.memory_space<vmem>>) target(%dma_start3A_83 : memref<128x64xf32, #tpu.memory_space<vmem_shared>>) target_semaphore(%run_scoped3A : memref<!tpu.dma_semaphore, #tpu.memory_space<semaphore_mem>>)
      %dma_wait3A_84 = arith.constant 0 : i32
      %dma_wait3A_85 = tpu.memref_slice %arg9[%add3A_15, %dma_wait3A_84] : memref<10240x64xf32, #tpu.memory_space<vmem_shared>> -> memref<128x64xf32, #tpu.memory_space<vmem_shared>>
      %dma_wait3A_86 = arith.constant 0 : i32
      %dma_wait3A_87 = tpu.memref_slice %arg9[%add3A_15, %dma_wait3A_86] : memref<10240x64xf32, #tpu.memory_space<vmem_shared>> -> memref<128x64xf32, #tpu.memory_space<vmem_shared>>
      tpu.wait_dma2 semaphore(%run_scoped3A : memref<!tpu.dma_semaphore, #tpu.memory_space<semaphore_mem>>) src(%arg14 : memref<128x64xf32, #tpu.memory_space<vmem>>) dst(%dma_wait3A_87 : memref<128x64xf32, #tpu.memory_space<vmem_shared>>)
      tpu.yield
    }) : () -> ()
    "tpu.region"() ({
      %run_scoped3A = tpu.sem_alloc : memref<!tpu.dma_semaphore, #tpu.memory_space<semaphore_mem>>
      %dma_start3A_80 = arith.constant 0 : i32
      %dma_start3A_81 = tpu.memref_slice %arg10[%add3A_15, %dma_start3A_80] : memref<10240x64xf32, #tpu.memory_space<vmem_shared>> -> memref<128x64xf32, #tpu.memory_space<vmem_shared>>
      %dma_start3A_82 = arith.constant 0 : i32
      %dma_start3A_83 = tpu.memref_slice %arg10[%add3A_15, %dma_start3A_82] : memref<10240x64xf32, #tpu.memory_space<vmem_shared>> -> memref<128x64xf32, #tpu.memory_space<vmem_shared>>
      tpu.enqueue_dma source(%arg14 : memref<128x64xf32, #tpu.memory_space<vmem>>) target(%dma_start3A_83 : memref<128x64xf32, #tpu.memory_space<vmem_shared>>) target_semaphore(%run_scoped3A : memref<!tpu.dma_semaphore, #tpu.memory_space<semaphore_mem>>)
      %dma_wait3A_84 = arith.constant 0 : i32
      %dma_wait3A_85 = tpu.memref_slice %arg10[%add3A_15, %dma_wait3A_84] : memref<10240x64xf32, #tpu.memory_space<vmem_shared>> -> memref<128x64xf32, #tpu.memory_space<vmem_shared>>
      %dma_wait3A_86 = arith.constant 0 : i32
      %dma_wait3A_87 = tpu.memref_slice %arg10[%add3A_15, %dma_wait3A_86] : memref<10240x64xf32, #tpu.memory_space<vmem_shared>> -> memref<128x64xf32, #tpu.memory_space<vmem_shared>>
      tpu.wait_dma2 semaphore(%run_scoped3A : memref<!tpu.dma_semaphore, #tpu.memory_space<semaphore_mem>>) src(%arg14 : memref<128x64xf32, #tpu.memory_space<vmem>>) dst(%dma_wait3A_87 : memref<128x64xf32, #tpu.memory_space<vmem_shared>>)
      tpu.yield
    }) : () -> ()
    %mul3A_16 = arith.constant 640 : i32
    %mul3A_17 = arith.muli %arg1, %mul3A_16 : i32
    %add3A_18 = arith.constant 384 : i32
    %add3A_19 = arith.addi %mul3A_17, %add3A_18 : i32
    "tpu.region"() ({
      %run_scoped3A = tpu.sem_alloc : memref<!tpu.dma_semaphore, #tpu.memory_space<semaphore_mem>>
      %dma_start3A_80 = arith.constant 0 : i32
      %dma_start3A_81 = tpu.memref_slice %arg9[%add3A_19, %dma_start3A_80] : memref<10240x64xf32, #tpu.memory_space<vmem_shared>> -> memref<128x64xf32, #tpu.memory_space<vmem_shared>>
      %dma_start3A_82 = arith.constant 0 : i32
      %dma_start3A_83 = tpu.memref_slice %arg9[%add3A_19, %dma_start3A_82] : memref<10240x64xf32, #tpu.memory_space<vmem_shared>> -> memref<128x64xf32, #tpu.memory_space<vmem_shared>>
      tpu.enqueue_dma source(%arg14 : memref<128x64xf32, #tpu.memory_space<vmem>>) target(%dma_start3A_83 : memref<128x64xf32, #tpu.memory_space<vmem_shared>>) target_semaphore(%run_scoped3A : memref<!tpu.dma_semaphore, #tpu.memory_space<semaphore_mem>>)
      %dma_wait3A_84 = arith.constant 0 : i32
      %dma_wait3A_85 = tpu.memref_slice %arg9[%add3A_19, %dma_wait3A_84] : memref<10240x64xf32, #tpu.memory_space<vmem_shared>> -> memref<128x64xf32, #tpu.memory_space<vmem_shared>>
      %dma_wait3A_86 = arith.constant 0 : i32
      %dma_wait3A_87 = tpu.memref_slice %arg9[%add3A_19, %dma_wait3A_86] : memref<10240x64xf32, #tpu.memory_space<vmem_shared>> -> memref<128x64xf32, #tpu.memory_space<vmem_shared>>
      tpu.wait_dma2 semaphore(%run_scoped3A : memref<!tpu.dma_semaphore, #tpu.memory_space<semaphore_mem>>) src(%arg14 : memref<128x64xf32, #tpu.memory_space<vmem>>) dst(%dma_wait3A_87 : memref<128x64xf32, #tpu.memory_space<vmem_shared>>)
      tpu.yield
    }) : () -> ()
    "tpu.region"() ({
      %run_scoped3A = tpu.sem_alloc : memref<!tpu.dma_semaphore, #tpu.memory_space<semaphore_mem>>
      %dma_start3A_80 = arith.constant 0 : i32
      %dma_start3A_81 = tpu.memref_slice %arg10[%add3A_19, %dma_start3A_80] : memref<10240x64xf32, #tpu.memory_space<vmem_shared>> -> memref<128x64xf32, #tpu.memory_space<vmem_shared>>
      %dma_start3A_82 = arith.constant 0 : i32
      %dma_start3A_83 = tpu.memref_slice %arg10[%add3A_19, %dma_start3A_82] : memref<10240x64xf32, #tpu.memory_space<vmem_shared>> -> memref<128x64xf32, #tpu.memory_space<vmem_shared>>
      tpu.enqueue_dma source(%arg14 : memref<128x64xf32, #tpu.memory_space<vmem>>) target(%dma_start3A_83 : memref<128x64xf32, #tpu.memory_space<vmem_shared>>) target_semaphore(%run_scoped3A : memref<!tpu.dma_semaphore, #tpu.memory_space<semaphore_mem>>)
      %dma_wait3A_84 = arith.constant 0 : i32
      %dma_wait3A_85 = tpu.memref_slice %arg10[%add3A_19, %dma_wait3A_84] : memref<10240x64xf32, #tpu.memory_space<vmem_shared>> -> memref<128x64xf32, #tpu.memory_space<vmem_shared>>
      %dma_wait3A_86 = arith.constant 0 : i32
      %dma_wait3A_87 = tpu.memref_slice %arg10[%add3A_19, %dma_wait3A_86] : memref<10240x64xf32, #tpu.memory_space<vmem_shared>> -> memref<128x64xf32, #tpu.memory_space<vmem_shared>>
      tpu.wait_dma2 semaphore(%run_scoped3A : memref<!tpu.dma_semaphore, #tpu.memory_space<semaphore_mem>>) src(%arg14 : memref<128x64xf32, #tpu.memory_space<vmem>>) dst(%dma_wait3A_87 : memref<128x64xf32, #tpu.memory_space<vmem_shared>>)
      tpu.yield
    }) : () -> ()
    %mul3A_20 = arith.constant 640 : i32
    %mul3A_21 = arith.muli %arg1, %mul3A_20 : i32
    %add3A_22 = arith.constant 512 : i32
    %add3A_23 = arith.addi %mul3A_21, %add3A_22 : i32
    "tpu.region"() ({
      %run_scoped3A = tpu.sem_alloc : memref<!tpu.dma_semaphore, #tpu.memory_space<semaphore_mem>>
      %dma_start3A_80 = arith.constant 0 : i32
      %dma_start3A_81 = tpu.memref_slice %arg9[%add3A_23, %dma_start3A_80] : memref<10240x64xf32, #tpu.memory_space<vmem_shared>> -> memref<128x64xf32, #tpu.memory_space<vmem_shared>>
      %dma_start3A_82 = arith.constant 0 : i32
      %dma_start3A_83 = tpu.memref_slice %arg9[%add3A_23, %dma_start3A_82] : memref<10240x64xf32, #tpu.memory_space<vmem_shared>> -> memref<128x64xf32, #tpu.memory_space<vmem_shared>>
      tpu.enqueue_dma source(%arg14 : memref<128x64xf32, #tpu.memory_space<vmem>>) target(%dma_start3A_83 : memref<128x64xf32, #tpu.memory_space<vmem_shared>>) target_semaphore(%run_scoped3A : memref<!tpu.dma_semaphore, #tpu.memory_space<semaphore_mem>>)
      %dma_wait3A_84 = arith.constant 0 : i32
      %dma_wait3A_85 = tpu.memref_slice %arg9[%add3A_23, %dma_wait3A_84] : memref<10240x64xf32, #tpu.memory_space<vmem_shared>> -> memref<128x64xf32, #tpu.memory_space<vmem_shared>>
      %dma_wait3A_86 = arith.constant 0 : i32
      %dma_wait3A_87 = tpu.memref_slice %arg9[%add3A_23, %dma_wait3A_86] : memref<10240x64xf32, #tpu.memory_space<vmem_shared>> -> memref<128x64xf32, #tpu.memory_space<vmem_shared>>
      tpu.wait_dma2 semaphore(%run_scoped3A : memref<!tpu.dma_semaphore, #tpu.memory_space<semaphore_mem>>) src(%arg14 : memref<128x64xf32, #tpu.memory_space<vmem>>) dst(%dma_wait3A_87 : memref<128x64xf32, #tpu.memory_space<vmem_shared>>)
      tpu.yield
    }) : () -> ()
    "tpu.region"() ({
      %run_scoped3A = tpu.sem_alloc : memref<!tpu.dma_semaphore, #tpu.memory_space<semaphore_mem>>
      %dma_start3A_80 = arith.constant 0 : i32
      %dma_start3A_81 = tpu.memref_slice %arg10[%add3A_23, %dma_start3A_80] : memref<10240x64xf32, #tpu.memory_space<vmem_shared>> -> memref<128x64xf32, #tpu.memory_space<vmem_shared>>
      %dma_start3A_82 = arith.constant 0 : i32
      %dma_start3A_83 = tpu.memref_slice %arg10[%add3A_23, %dma_start3A_82] : memref<10240x64xf32, #tpu.memory_space<vmem_shared>> -> memref<128x64xf32, #tpu.memory_space<vmem_shared>>
      tpu.enqueue_dma source(%arg14 : memref<128x64xf32, #tpu.memory_space<vmem>>) target(%dma_start3A_83 : memref<128x64xf32, #tpu.memory_space<vmem_shared>>) target_semaphore(%run_scoped3A : memref<!tpu.dma_semaphore, #tpu.memory_space<semaphore_mem>>)
      %dma_wait3A_84 = arith.constant 0 : i32
      %dma_wait3A_85 = tpu.memref_slice %arg10[%add3A_23, %dma_wait3A_84] : memref<10240x64xf32, #tpu.memory_space<vmem_shared>> -> memref<128x64xf32, #tpu.memory_space<vmem_shared>>
      %dma_wait3A_86 = arith.constant 0 : i32
      %dma_wait3A_87 = tpu.memref_slice %arg10[%add3A_23, %dma_wait3A_86] : memref<10240x64xf32, #tpu.memory_space<vmem_shared>> -> memref<128x64xf32, #tpu.memory_space<vmem_shared>>
      tpu.wait_dma2 semaphore(%run_scoped3A : memref<!tpu.dma_semaphore, #tpu.memory_space<semaphore_mem>>) src(%arg14 : memref<128x64xf32, #tpu.memory_space<vmem>>) dst(%dma_wait3A_87 : memref<128x64xf32, #tpu.memory_space<vmem_shared>>)
      tpu.yield
    }) : () -> ()
    %barrier3A = arith.constant 0 : index
    tpu.barrier barrier_id(%barrier3A)
    %mul3A_24 = arith.constant 640 : i32
    %mul3A_25 = arith.muli %arg1, %mul3A_24 : i32
    %eq3A = arith.constant 0 : i32
    %eq3A_26 = arith.cmpi eq, %arg0, %eq3A : i32
    %jit3A = arith.constant 34 : i32
    %jit3A_27 = arith.constant 6 : i32
    %select_n3A = arith.select %eq3A_26, %jit3A, %jit3A_27 : i32
    %eq3A_28 = arith.constant 0 : i32
    %eq3A_29 = arith.cmpi eq, %arg0, %eq3A_28 : i32
    %mul3A_30 = arith.constant 136 : i32
    %mul3A_31 = arith.muli %arg1, %mul3A_30 : i32
    %mul3A_32 = arith.constant 24 : i32
    %mul3A_33 = arith.muli %arg1, %mul3A_32 : i32
    %add3A_34 = arith.constant 2176 : i32
    %add3A_35 = arith.addi %add3A_34, %mul3A_33 : i32
    %select_n3A_36 = arith.select %eq3A_29, %mul3A_31, %add3A_35 : i32
    %while3A = arith.constant 0 : i32
    %while3A_37 = arith.constant 0 : i32
    %while3A_38 = arith.subi %select_n3A, %while3A_37 : i32
    %while3A_39 = arith.addi %while3A_37, %while3A_38 : i32
    %while3A_40 = arith.constant 1 : i32
    %while3A_41 = arith.divsi %while3A_38, %while3A_40 : i32
    %while3A_42 = arith.muli %while3A_41, %while3A_40 : i32
    %while3A_43 = arith.addi %while3A_37, %while3A_42 : i32
    %while3A_44 = arith.constant 1 : i32
    scf.for %while3A_80 = %while3A_37 to %while3A_43 step %while3A_44  : i32 {
      %mul3A_81 = arith.constant 4 : i32
      %mul3A_82 = arith.muli %while3A_80, %mul3A_81 : i32
      %add3A_83 = arith.addi %select_n3A_36, %mul3A_82 : i32
      "tpu.region"() ({
        %run_scoped3A = tpu.sem_alloc : memref<!tpu.dma_semaphore, #tpu.memory_space<semaphore_mem>>
        %dma_start3A_276 = arith.constant 0 : i32
        %dma_start3A_277 = tpu.memref_slice %arg3[%add3A_83, %dma_start3A_276] : memref<2560x128xi32, #tpu.memory_space<hbm>> -> memref<4x128xi32, #tpu.memory_space<hbm>>
        %dma_start3A_278 = arith.constant 0 : i32
        %dma_start3A_279 = tpu.memref_slice %arg3[%add3A_83, %dma_start3A_278] : memref<2560x128xi32, #tpu.memory_space<hbm>> -> memref<4x128xi32, #tpu.memory_space<hbm>>
        tpu.enqueue_dma source(%dma_start3A_279 : memref<4x128xi32, #tpu.memory_space<hbm>>) target(%arg11 : memref<4x128xi32, #tpu.memory_space<vmem>>) target_semaphore(%run_scoped3A : memref<!tpu.dma_semaphore, #tpu.memory_space<semaphore_mem>>)
        %dma_wait3A_280 = arith.constant 0 : i32
        %dma_wait3A_281 = tpu.memref_slice %arg3[%add3A_83, %dma_wait3A_280] : memref<2560x128xi32, #tpu.memory_space<hbm>> -> memref<4x128xi32, #tpu.memory_space<hbm>>
        %dma_wait3A_282 = arith.constant 0 : i32
        %dma_wait3A_283 = tpu.memref_slice %arg3[%add3A_83, %dma_wait3A_282] : memref<2560x128xi32, #tpu.memory_space<hbm>> -> memref<4x128xi32, #tpu.memory_space<hbm>>
        tpu.wait_dma2 semaphore(%run_scoped3A : memref<!tpu.dma_semaphore, #tpu.memory_space<semaphore_mem>>) src(%dma_wait3A_283 : memref<4x128xi32, #tpu.memory_space<hbm>>) dst(%arg11 : memref<4x128xi32, #tpu.memory_space<vmem>>)
        tpu.yield
      }) : () -> ()
      "tpu.region"() ({
        %run_scoped3A = tpu.sem_alloc : memref<!tpu.dma_semaphore, #tpu.memory_space<semaphore_mem>>
        %dma_start3A_276 = arith.constant 0 : i32
        %dma_start3A_277 = tpu.memref_slice %arg4[%add3A_83, %dma_start3A_276] : memref<2560x128xi32, #tpu.memory_space<hbm>> -> memref<4x128xi32, #tpu.memory_space<hbm>>
        %dma_start3A_278 = arith.constant 0 : i32
        %dma_start3A_279 = tpu.memref_slice %arg4[%add3A_83, %dma_start3A_278] : memref<2560x128xi32, #tpu.memory_space<hbm>> -> memref<4x128xi32, #tpu.memory_space<hbm>>
        tpu.enqueue_dma source(%dma_start3A_279 : memref<4x128xi32, #tpu.memory_space<hbm>>) target(%arg12 : memref<4x128xi32, #tpu.memory_space<vmem>>) target_semaphore(%run_scoped3A : memref<!tpu.dma_semaphore, #tpu.memory_space<semaphore_mem>>)
        %dma_wait3A_280 = arith.constant 0 : i32
        %dma_wait3A_281 = tpu.memref_slice %arg4[%add3A_83, %dma_wait3A_280] : memref<2560x128xi32, #tpu.memory_space<hbm>> -> memref<4x128xi32, #tpu.memory_space<hbm>>
        %dma_wait3A_282 = arith.constant 0 : i32
        %dma_wait3A_283 = tpu.memref_slice %arg4[%add3A_83, %dma_wait3A_282] : memref<2560x128xi32, #tpu.memory_space<hbm>> -> memref<4x128xi32, #tpu.memory_space<hbm>>
        tpu.wait_dma2 semaphore(%run_scoped3A : memref<!tpu.dma_semaphore, #tpu.memory_space<semaphore_mem>>) src(%dma_wait3A_283 : memref<4x128xi32, #tpu.memory_space<hbm>>) dst(%arg12 : memref<4x128xi32, #tpu.memory_space<vmem>>)
        tpu.yield
      }) : () -> ()
      %dma_start3A_84 = arith.constant 0 : i32
      %dma_start3A_85 = arith.constant 0 : i32
      %dma_start3A_86 = arith.constant 0 : i32
      %dma_start3A_87 = arith.constant 0 : i32
      %dma_start3A_88 = tpu.memref_slice %arg13[%dma_start3A_85, %dma_start3A_86, %dma_start3A_87] : memref<4x128x64xf32, #tpu.memory_space<vmem>> -> memref<1x128x64xf32, #tpu.memory_space<vmem>>
      %dma_start3A_89 = tpu.memref_squeeze %dma_start3A_88 : memref<1x128x64xf32, #tpu.memory_space<vmem>> -> memref<128x64xf32, #tpu.memory_space<vmem>>
      %dma_start3A_90 = arith.constant 0 : i32
      %dma_start3A_91 = tpu.memref_slice %arg11[%dma_start3A_84, %dma_start3A_90] : memref<4x128xi32, #tpu.memory_space<vmem>> -> memref<1x128xi32, #tpu.memory_space<vmem>>
      %dma_start3A_92 = tpu.memref_squeeze %dma_start3A_91 : memref<1x128xi32, #tpu.memory_space<vmem>> -> memref<128xi32, #tpu.memory_space<vmem>>
      %dma_start3A_93 = arith.constant 0 : i32
      %dma_start3A_94 = arith.constant 0 : i32
      %dma_start3A_95 = tpu.memref_slice %arg2[%dma_start3A_93, %dma_start3A_94] : memref<10000x64xf32, #tpu.memory_space<hbm>> -> memref<10000x64xf32, #tpu.memory_space<hbm>>
      tpu.enqueue_indirect_dma source(%dma_start3A_95 : memref<10000x64xf32, #tpu.memory_space<hbm>>) target(%dma_start3A_89 : memref<128x64xf32, #tpu.memory_space<vmem>>) offsets(%dma_start3A_92 : memref<128xi32, #tpu.memory_space<vmem>>) semaphore(%arg15 : memref<!tpu.dma_semaphore, #tpu.memory_space<semaphore_mem>>)
      %dma_start3A_96 = arith.constant 1 : i32
      %dma_start3A_97 = arith.constant 1 : i32
      %dma_start3A_98 = arith.constant 0 : i32
      %dma_start3A_99 = arith.constant 0 : i32
      %dma_start3A_100 = tpu.memref_slice %arg13[%dma_start3A_97, %dma_start3A_98, %dma_start3A_99] : memref<4x128x64xf32, #tpu.memory_space<vmem>> -> memref<1x128x64xf32, #tpu.memory_space<vmem>>
      %dma_start3A_101 = tpu.memref_squeeze %dma_start3A_100 : memref<1x128x64xf32, #tpu.memory_space<vmem>> -> memref<128x64xf32, #tpu.memory_space<vmem>>
      %dma_start3A_102 = arith.constant 0 : i32
      %dma_start3A_103 = tpu.memref_slice %arg11[%dma_start3A_96, %dma_start3A_102] : memref<4x128xi32, #tpu.memory_space<vmem>> -> memref<1x128xi32, #tpu.memory_space<vmem>>
      %dma_start3A_104 = tpu.memref_squeeze %dma_start3A_103 : memref<1x128xi32, #tpu.memory_space<vmem>> -> memref<128xi32, #tpu.memory_space<vmem>>
      %dma_start3A_105 = arith.constant 0 : i32
      %dma_start3A_106 = arith.constant 0 : i32
      %dma_start3A_107 = tpu.memref_slice %arg2[%dma_start3A_105, %dma_start3A_106] : memref<10000x64xf32, #tpu.memory_space<hbm>> -> memref<10000x64xf32, #tpu.memory_space<hbm>>
      tpu.enqueue_indirect_dma source(%dma_start3A_107 : memref<10000x64xf32, #tpu.memory_space<hbm>>) target(%dma_start3A_101 : memref<128x64xf32, #tpu.memory_space<vmem>>) offsets(%dma_start3A_104 : memref<128xi32, #tpu.memory_space<vmem>>) semaphore(%arg15 : memref<!tpu.dma_semaphore, #tpu.memory_space<semaphore_mem>>)
      %dma_start3A_108 = arith.constant 2 : i32
      %dma_start3A_109 = arith.constant 2 : i32
      %dma_start3A_110 = arith.constant 0 : i32
      %dma_start3A_111 = arith.constant 0 : i32
      %dma_start3A_112 = tpu.memref_slice %arg13[%dma_start3A_109, %dma_start3A_110, %dma_start3A_111] : memref<4x128x64xf32, #tpu.memory_space<vmem>> -> memref<1x128x64xf32, #tpu.memory_space<vmem>>
      %dma_start3A_113 = tpu.memref_squeeze %dma_start3A_112 : memref<1x128x64xf32, #tpu.memory_space<vmem>> -> memref<128x64xf32, #tpu.memory_space<vmem>>
      %dma_start3A_114 = arith.constant 0 : i32
      %dma_start3A_115 = tpu.memref_slice %arg11[%dma_start3A_108, %dma_start3A_114] : memref<4x128xi32, #tpu.memory_space<vmem>> -> memref<1x128xi32, #tpu.memory_space<vmem>>
      %dma_start3A_116 = tpu.memref_squeeze %dma_start3A_115 : memref<1x128xi32, #tpu.memory_space<vmem>> -> memref<128xi32, #tpu.memory_space<vmem>>
      %dma_start3A_117 = arith.constant 0 : i32
      %dma_start3A_118 = arith.constant 0 : i32
      %dma_start3A_119 = tpu.memref_slice %arg2[%dma_start3A_117, %dma_start3A_118] : memref<10000x64xf32, #tpu.memory_space<hbm>> -> memref<10000x64xf32, #tpu.memory_space<hbm>>
      tpu.enqueue_indirect_dma source(%dma_start3A_119 : memref<10000x64xf32, #tpu.memory_space<hbm>>) target(%dma_start3A_113 : memref<128x64xf32, #tpu.memory_space<vmem>>) offsets(%dma_start3A_116 : memref<128xi32, #tpu.memory_space<vmem>>) semaphore(%arg15 : memref<!tpu.dma_semaphore, #tpu.memory_space<semaphore_mem>>)
      %dma_start3A_120 = arith.constant 3 : i32
      %dma_start3A_121 = arith.constant 3 : i32
      %dma_start3A_122 = arith.constant 0 : i32
      %dma_start3A_123 = arith.constant 0 : i32
      %dma_start3A_124 = tpu.memref_slice %arg13[%dma_start3A_121, %dma_start3A_122, %dma_start3A_123] : memref<4x128x64xf32, #tpu.memory_space<vmem>> -> memref<1x128x64xf32, #tpu.memory_space<vmem>>
      %dma_start3A_125 = tpu.memref_squeeze %dma_start3A_124 : memref<1x128x64xf32, #tpu.memory_space<vmem>> -> memref<128x64xf32, #tpu.memory_space<vmem>>
      %dma_start3A_126 = arith.constant 0 : i32
      %dma_start3A_127 = tpu.memref_slice %arg11[%dma_start3A_120, %dma_start3A_126] : memref<4x128xi32, #tpu.memory_space<vmem>> -> memref<1x128xi32, #tpu.memory_space<vmem>>
      %dma_start3A_128 = tpu.memref_squeeze %dma_start3A_127 : memref<1x128xi32, #tpu.memory_space<vmem>> -> memref<128xi32, #tpu.memory_space<vmem>>
      %dma_start3A_129 = arith.constant 0 : i32
      %dma_start3A_130 = arith.constant 0 : i32
      %dma_start3A_131 = tpu.memref_slice %arg2[%dma_start3A_129, %dma_start3A_130] : memref<10000x64xf32, #tpu.memory_space<hbm>> -> memref<10000x64xf32, #tpu.memory_space<hbm>>
      tpu.enqueue_indirect_dma source(%dma_start3A_131 : memref<10000x64xf32, #tpu.memory_space<hbm>>) target(%dma_start3A_125 : memref<128x64xf32, #tpu.memory_space<vmem>>) offsets(%dma_start3A_128 : memref<128xi32, #tpu.memory_space<vmem>>) semaphore(%arg15 : memref<!tpu.dma_semaphore, #tpu.memory_space<semaphore_mem>>)
      %dma_wait3A_132 = arith.constant 0 : i32
      %dma_wait3A_133 = arith.constant 0 : i32
      %dma_wait3A_134 = arith.constant 0 : i32
      %dma_wait3A_135 = arith.constant 0 : i32
      %dma_wait3A_136 = tpu.memref_slice %arg13[%dma_wait3A_133, %dma_wait3A_134, %dma_wait3A_135] : memref<4x128x64xf32, #tpu.memory_space<vmem>> -> memref<1x128x64xf32, #tpu.memory_space<vmem>>
      %dma_wait3A_137 = tpu.memref_squeeze %dma_wait3A_136 : memref<1x128x64xf32, #tpu.memory_space<vmem>> -> memref<128x64xf32, #tpu.memory_space<vmem>>
      %dma_wait3A_138 = arith.constant 0 : i32
      %dma_wait3A_139 = tpu.memref_slice %arg11[%dma_wait3A_132, %dma_wait3A_138] : memref<4x128xi32, #tpu.memory_space<vmem>> -> memref<1x128xi32, #tpu.memory_space<vmem>>
      %dma_wait3A_140 = tpu.memref_squeeze %dma_wait3A_139 : memref<1x128xi32, #tpu.memory_space<vmem>> -> memref<128xi32, #tpu.memory_space<vmem>>
      %dma_wait3A_141 = arith.constant 0 : i32
      %dma_wait3A_142 = arith.constant 0 : i32
      %dma_wait3A_143 = tpu.memref_slice %arg2[%dma_wait3A_141, %dma_wait3A_142] : memref<10000x64xf32, #tpu.memory_space<hbm>> -> memref<10000x64xf32, #tpu.memory_space<hbm>>
      tpu.wait_indirect_dma semaphore(%arg15 : memref<!tpu.dma_semaphore, #tpu.memory_space<semaphore_mem>>) src(%dma_wait3A_143 : memref<10000x64xf32, #tpu.memory_space<hbm>>) dst(%dma_wait3A_137 : memref<128x64xf32, #tpu.memory_space<vmem>>)
      %dma_wait3A_144 = arith.constant 1 : i32
      %dma_wait3A_145 = arith.constant 1 : i32
      %dma_wait3A_146 = arith.constant 0 : i32
      %dma_wait3A_147 = arith.constant 0 : i32
      %dma_wait3A_148 = tpu.memref_slice %arg13[%dma_wait3A_145, %dma_wait3A_146, %dma_wait3A_147] : memref<4x128x64xf32, #tpu.memory_space<vmem>> -> memref<1x128x64xf32, #tpu.memory_space<vmem>>
      %dma_wait3A_149 = tpu.memref_squeeze %dma_wait3A_148 : memref<1x128x64xf32, #tpu.memory_space<vmem>> -> memref<128x64xf32, #tpu.memory_space<vmem>>
      %dma_wait3A_150 = arith.constant 0 : i32
      %dma_wait3A_151 = tpu.memref_slice %arg11[%dma_wait3A_144, %dma_wait3A_150] : memref<4x128xi32, #tpu.memory_space<vmem>> -> memref<1x128xi32, #tpu.memory_space<vmem>>
      %dma_wait3A_152 = tpu.memref_squeeze %dma_wait3A_151 : memref<1x128xi32, #tpu.memory_space<vmem>> -> memref<128xi32, #tpu.memory_space<vmem>>
      %dma_wait3A_153 = arith.constant 0 : i32
      %dma_wait3A_154 = arith.constant 0 : i32
      %dma_wait3A_155 = tpu.memref_slice %arg2[%dma_wait3A_153, %dma_wait3A_154] : memref<10000x64xf32, #tpu.memory_space<hbm>> -> memref<10000x64xf32, #tpu.memory_space<hbm>>
      tpu.wait_indirect_dma semaphore(%arg15 : memref<!tpu.dma_semaphore, #tpu.memory_space<semaphore_mem>>) src(%dma_wait3A_155 : memref<10000x64xf32, #tpu.memory_space<hbm>>) dst(%dma_wait3A_149 : memref<128x64xf32, #tpu.memory_space<vmem>>)
      %dma_wait3A_156 = arith.constant 2 : i32
      %dma_wait3A_157 = arith.constant 2 : i32
      %dma_wait3A_158 = arith.constant 0 : i32
      %dma_wait3A_159 = arith.constant 0 : i32
      %dma_wait3A_160 = tpu.memref_slice %arg13[%dma_wait3A_157, %dma_wait3A_158, %dma_wait3A_159] : memref<4x128x64xf32, #tpu.memory_space<vmem>> -> memref<1x128x64xf32, #tpu.memory_space<vmem>>
      %dma_wait3A_161 = tpu.memref_squeeze %dma_wait3A_160 : memref<1x128x64xf32, #tpu.memory_space<vmem>> -> memref<128x64xf32, #tpu.memory_space<vmem>>
      %dma_wait3A_162 = arith.constant 0 : i32
      %dma_wait3A_163 = tpu.memref_slice %arg11[%dma_wait3A_156, %dma_wait3A_162] : memref<4x128xi32, #tpu.memory_space<vmem>> -> memref<1x128xi32, #tpu.memory_space<vmem>>
      %dma_wait3A_164 = tpu.memref_squeeze %dma_wait3A_163 : memref<1x128xi32, #tpu.memory_space<vmem>> -> memref<128xi32, #tpu.memory_space<vmem>>
      %dma_wait3A_165 = arith.constant 0 : i32
      %dma_wait3A_166 = arith.constant 0 : i32
      %dma_wait3A_167 = tpu.memref_slice %arg2[%dma_wait3A_165, %dma_wait3A_166] : memref<10000x64xf32, #tpu.memory_space<hbm>> -> memref<10000x64xf32, #tpu.memory_space<hbm>>
      tpu.wait_indirect_dma semaphore(%arg15 : memref<!tpu.dma_semaphore, #tpu.memory_space<semaphore_mem>>) src(%dma_wait3A_167 : memref<10000x64xf32, #tpu.memory_space<hbm>>) dst(%dma_wait3A_161 : memref<128x64xf32, #tpu.memory_space<vmem>>)
      %dma_wait3A_168 = arith.constant 3 : i32
      %dma_wait3A_169 = arith.constant 3 : i32
      %dma_wait3A_170 = arith.constant 0 : i32
      %dma_wait3A_171 = arith.constant 0 : i32
      %dma_wait3A_172 = tpu.memref_slice %arg13[%dma_wait3A_169, %dma_wait3A_170, %dma_wait3A_171] : memref<4x128x64xf32, #tpu.memory_space<vmem>> -> memref<1x128x64xf32, #tpu.memory_space<vmem>>
      %dma_wait3A_173 = tpu.memref_squeeze %dma_wait3A_172 : memref<1x128x64xf32, #tpu.memory_space<vmem>> -> memref<128x64xf32, #tpu.memory_space<vmem>>
      %dma_wait3A_174 = arith.constant 0 : i32
      %dma_wait3A_175 = tpu.memref_slice %arg11[%dma_wait3A_168, %dma_wait3A_174] : memref<4x128xi32, #tpu.memory_space<vmem>> -> memref<1x128xi32, #tpu.memory_space<vmem>>
      %dma_wait3A_176 = tpu.memref_squeeze %dma_wait3A_175 : memref<1x128xi32, #tpu.memory_space<vmem>> -> memref<128xi32, #tpu.memory_space<vmem>>
      %dma_wait3A_177 = arith.constant 0 : i32
      %dma_wait3A_178 = arith.constant 0 : i32
      %dma_wait3A_179 = tpu.memref_slice %arg2[%dma_wait3A_177, %dma_wait3A_178] : memref<10000x64xf32, #tpu.memory_space<hbm>> -> memref<10000x64xf32, #tpu.memory_space<hbm>>
      tpu.wait_indirect_dma semaphore(%arg15 : memref<!tpu.dma_semaphore, #tpu.memory_space<semaphore_mem>>) src(%dma_wait3A_179 : memref<10000x64xf32, #tpu.memory_space<hbm>>) dst(%dma_wait3A_173 : memref<128x64xf32, #tpu.memory_space<vmem>>)
      %dma_start3A_180 = arith.constant 0 : i32
      %dma_start3A_181 = arith.constant 0 : i32
      %dma_start3A_182 = arith.constant 0 : i32
      %dma_start3A_183 = arith.constant 0 : i32
      %dma_start3A_184 = tpu.memref_slice %arg13[%dma_start3A_180, %dma_start3A_182, %dma_start3A_183] : memref<4x128x64xf32, #tpu.memory_space<vmem>> -> memref<1x128x64xf32, #tpu.memory_space<vmem>>
      %dma_start3A_185 = tpu.memref_squeeze %dma_start3A_184 : memref<1x128x64xf32, #tpu.memory_space<vmem>> -> memref<128x64xf32, #tpu.memory_space<vmem>>
      %dma_start3A_186 = arith.constant 0 : i32
      %dma_start3A_187 = tpu.memref_slice %arg12[%dma_start3A_181, %dma_start3A_186] : memref<4x128xi32, #tpu.memory_space<vmem>> -> memref<1x128xi32, #tpu.memory_space<vmem>>
      %dma_start3A_188 = tpu.memref_squeeze %dma_start3A_187 : memref<1x128xi32, #tpu.memory_space<vmem>> -> memref<128xi32, #tpu.memory_space<vmem>>
      %dma_start3A_189 = arith.constant 0 : i32
      %dma_start3A_190 = arith.constant 0 : i32
      %dma_start3A_191 = tpu.memref_slice %arg9[%dma_start3A_189, %dma_start3A_190] : memref<10240x64xf32, #tpu.memory_space<vmem_shared>> -> memref<10240x64xf32, #tpu.memory_space<vmem_shared>>
      tpu.enqueue_indirect_dma source(%dma_start3A_185 : memref<128x64xf32, #tpu.memory_space<vmem>>) target(%dma_start3A_191 : memref<10240x64xf32, #tpu.memory_space<vmem_shared>>) offsets(%dma_start3A_188 : memref<128xi32, #tpu.memory_space<vmem>>) semaphore(%arg16 : memref<!tpu.dma_semaphore, #tpu.memory_space<semaphore_mem>>) {add = true}
      %dma_start3A_192 = arith.constant 1 : i32
      %dma_start3A_193 = arith.constant 1 : i32
      %dma_start3A_194 = arith.constant 0 : i32
      %dma_start3A_195 = arith.constant 0 : i32
      %dma_start3A_196 = tpu.memref_slice %arg13[%dma_start3A_192, %dma_start3A_194, %dma_start3A_195] : memref<4x128x64xf32, #tpu.memory_space<vmem>> -> memref<1x128x64xf32, #tpu.memory_space<vmem>>
      %dma_start3A_197 = tpu.memref_squeeze %dma_start3A_196 : memref<1x128x64xf32, #tpu.memory_space<vmem>> -> memref<128x64xf32, #tpu.memory_space<vmem>>
      %dma_start3A_198 = arith.constant 0 : i32
      %dma_start3A_199 = tpu.memref_slice %arg12[%dma_start3A_193, %dma_start3A_198] : memref<4x128xi32, #tpu.memory_space<vmem>> -> memref<1x128xi32, #tpu.memory_space<vmem>>
      %dma_start3A_200 = tpu.memref_squeeze %dma_start3A_199 : memref<1x128xi32, #tpu.memory_space<vmem>> -> memref<128xi32, #tpu.memory_space<vmem>>
      %dma_start3A_201 = arith.constant 0 : i32
      %dma_start3A_202 = arith.constant 0 : i32
      %dma_start3A_203 = tpu.memref_slice %arg9[%dma_start3A_201, %dma_start3A_202] : memref<10240x64xf32, #tpu.memory_space<vmem_shared>> -> memref<10240x64xf32, #tpu.memory_space<vmem_shared>>
      tpu.enqueue_indirect_dma source(%dma_start3A_197 : memref<128x64xf32, #tpu.memory_space<vmem>>) target(%dma_start3A_203 : memref<10240x64xf32, #tpu.memory_space<vmem_shared>>) offsets(%dma_start3A_200 : memref<128xi32, #tpu.memory_space<vmem>>) semaphore(%arg16 : memref<!tpu.dma_semaphore, #tpu.memory_space<semaphore_mem>>) {add = true}
      %dma_start3A_204 = arith.constant 2 : i32
      %dma_start3A_205 = arith.constant 2 : i32
      %dma_start3A_206 = arith.constant 0 : i32
      %dma_start3A_207 = arith.constant 0 : i32
      %dma_start3A_208 = tpu.memref_slice %arg13[%dma_start3A_204, %dma_start3A_206, %dma_start3A_207] : memref<4x128x64xf32, #tpu.memory_space<vmem>> -> memref<1x128x64xf32, #tpu.memory_space<vmem>>
      %dma_start3A_209 = tpu.memref_squeeze %dma_start3A_208 : memref<1x128x64xf32, #tpu.memory_space<vmem>> -> memref<128x64xf32, #tpu.memory_space<vmem>>
      %dma_start3A_210 = arith.constant 0 : i32
      %dma_start3A_211 = tpu.memref_slice %arg12[%dma_start3A_205, %dma_start3A_210] : memref<4x128xi32, #tpu.memory_space<vmem>> -> memref<1x128xi32, #tpu.memory_space<vmem>>
      %dma_start3A_212 = tpu.memref_squeeze %dma_start3A_211 : memref<1x128xi32, #tpu.memory_space<vmem>> -> memref<128xi32, #tpu.memory_space<vmem>>
      %dma_start3A_213 = arith.constant 0 : i32
      %dma_start3A_214 = arith.constant 0 : i32
      %dma_start3A_215 = tpu.memref_slice %arg9[%dma_start3A_213, %dma_start3A_214] : memref<10240x64xf32, #tpu.memory_space<vmem_shared>> -> memref<10240x64xf32, #tpu.memory_space<vmem_shared>>
      tpu.enqueue_indirect_dma source(%dma_start3A_209 : memref<128x64xf32, #tpu.memory_space<vmem>>) target(%dma_start3A_215 : memref<10240x64xf32, #tpu.memory_space<vmem_shared>>) offsets(%dma_start3A_212 : memref<128xi32, #tpu.memory_space<vmem>>) semaphore(%arg16 : memref<!tpu.dma_semaphore, #tpu.memory_space<semaphore_mem>>) {add = true}
      %dma_start3A_216 = arith.constant 3 : i32
      %dma_start3A_217 = arith.constant 3 : i32
      %dma_start3A_218 = arith.constant 0 : i32
      %dma_start3A_219 = arith.constant 0 : i32
      %dma_start3A_220 = tpu.memref_slice %arg13[%dma_start3A_216, %dma_start3A_218, %dma_start3A_219] : memref<4x128x64xf32, #tpu.memory_space<vmem>> -> memref<1x128x64xf32, #tpu.memory_space<vmem>>
      %dma_start3A_221 = tpu.memref_squeeze %dma_start3A_220 : memref<1x128x64xf32, #tpu.memory_space<vmem>> -> memref<128x64xf32, #tpu.memory_space<vmem>>
      %dma_start3A_222 = arith.constant 0 : i32
      %dma_start3A_223 = tpu.memref_slice %arg12[%dma_start3A_217, %dma_start3A_222] : memref<4x128xi32, #tpu.memory_space<vmem>> -> memref<1x128xi32, #tpu.memory_space<vmem>>
      %dma_start3A_224 = tpu.memref_squeeze %dma_start3A_223 : memref<1x128xi32, #tpu.memory_space<vmem>> -> memref<128xi32, #tpu.memory_space<vmem>>
      %dma_start3A_225 = arith.constant 0 : i32
      %dma_start3A_226 = arith.constant 0 : i32
      %dma_start3A_227 = tpu.memref_slice %arg9[%dma_start3A_225, %dma_start3A_226] : memref<10240x64xf32, #tpu.memory_space<vmem_shared>> -> memref<10240x64xf32, #tpu.memory_space<vmem_shared>>
      tpu.enqueue_indirect_dma source(%dma_start3A_221 : memref<128x64xf32, #tpu.memory_space<vmem>>) target(%dma_start3A_227 : memref<10240x64xf32, #tpu.memory_space<vmem_shared>>) offsets(%dma_start3A_224 : memref<128xi32, #tpu.memory_space<vmem>>) semaphore(%arg16 : memref<!tpu.dma_semaphore, #tpu.memory_space<semaphore_mem>>) {add = true}
      %dma_wait3A_228 = arith.constant 0 : i32
      %dma_wait3A_229 = arith.constant 0 : i32
      %dma_wait3A_230 = arith.constant 0 : i32
      %dma_wait3A_231 = arith.constant 0 : i32
      %dma_wait3A_232 = tpu.memref_slice %arg13[%dma_wait3A_228, %dma_wait3A_230, %dma_wait3A_231] : memref<4x128x64xf32, #tpu.memory_space<vmem>> -> memref<1x128x64xf32, #tpu.memory_space<vmem>>
      %dma_wait3A_233 = tpu.memref_squeeze %dma_wait3A_232 : memref<1x128x64xf32, #tpu.memory_space<vmem>> -> memref<128x64xf32, #tpu.memory_space<vmem>>
      %dma_wait3A_234 = arith.constant 0 : i32
      %dma_wait3A_235 = tpu.memref_slice %arg12[%dma_wait3A_229, %dma_wait3A_234] : memref<4x128xi32, #tpu.memory_space<vmem>> -> memref<1x128xi32, #tpu.memory_space<vmem>>
      %dma_wait3A_236 = tpu.memref_squeeze %dma_wait3A_235 : memref<1x128xi32, #tpu.memory_space<vmem>> -> memref<128xi32, #tpu.memory_space<vmem>>
      %dma_wait3A_237 = arith.constant 0 : i32
      %dma_wait3A_238 = arith.constant 0 : i32
      %dma_wait3A_239 = tpu.memref_slice %arg9[%dma_wait3A_237, %dma_wait3A_238] : memref<10240x64xf32, #tpu.memory_space<vmem_shared>> -> memref<10240x64xf32, #tpu.memory_space<vmem_shared>>
      tpu.wait_indirect_dma semaphore(%arg16 : memref<!tpu.dma_semaphore, #tpu.memory_space<semaphore_mem>>) src(%dma_wait3A_233 : memref<128x64xf32, #tpu.memory_space<vmem>>) dst(%dma_wait3A_239 : memref<10240x64xf32, #tpu.memory_space<vmem_shared>>)
      %dma_wait3A_240 = arith.constant 1 : i32
      %dma_wait3A_241 = arith.constant 1 : i32
      %dma_wait3A_242 = arith.constant 0 : i32
      %dma_wait3A_243 = arith.constant 0 : i32
      %dma_wait3A_244 = tpu.memref_slice %arg13[%dma_wait3A_240, %dma_wait3A_242, %dma_wait3A_243] : memref<4x128x64xf32, #tpu.memory_space<vmem>> -> memref<1x128x64xf32, #tpu.memory_space<vmem>>
      %dma_wait3A_245 = tpu.memref_squeeze %dma_wait3A_244 : memref<1x128x64xf32, #tpu.memory_space<vmem>> -> memref<128x64xf32, #tpu.memory_space<vmem>>
      %dma_wait3A_246 = arith.constant 0 : i32
      %dma_wait3A_247 = tpu.memref_slice %arg12[%dma_wait3A_241, %dma_wait3A_246] : memref<4x128xi32, #tpu.memory_space<vmem>> -> memref<1x128xi32, #tpu.memory_space<vmem>>
      %dma_wait3A_248 = tpu.memref_squeeze %dma_wait3A_247 : memref<1x128xi32, #tpu.memory_space<vmem>> -> memref<128xi32, #tpu.memory_space<vmem>>
      %dma_wait3A_249 = arith.constant 0 : i32
      %dma_wait3A_250 = arith.constant 0 : i32
      %dma_wait3A_251 = tpu.memref_slice %arg9[%dma_wait3A_249, %dma_wait3A_250] : memref<10240x64xf32, #tpu.memory_space<vmem_shared>> -> memref<10240x64xf32, #tpu.memory_space<vmem_shared>>
      tpu.wait_indirect_dma semaphore(%arg16 : memref<!tpu.dma_semaphore, #tpu.memory_space<semaphore_mem>>) src(%dma_wait3A_245 : memref<128x64xf32, #tpu.memory_space<vmem>>) dst(%dma_wait3A_251 : memref<10240x64xf32, #tpu.memory_space<vmem_shared>>)
      %dma_wait3A_252 = arith.constant 2 : i32
      %dma_wait3A_253 = arith.constant 2 : i32
      %dma_wait3A_254 = arith.constant 0 : i32
      %dma_wait3A_255 = arith.constant 0 : i32
      %dma_wait3A_256 = tpu.memref_slice %arg13[%dma_wait3A_252, %dma_wait3A_254, %dma_wait3A_255] : memref<4x128x64xf32, #tpu.memory_space<vmem>> -> memref<1x128x64xf32, #tpu.memory_space<vmem>>
      %dma_wait3A_257 = tpu.memref_squeeze %dma_wait3A_256 : memref<1x128x64xf32, #tpu.memory_space<vmem>> -> memref<128x64xf32, #tpu.memory_space<vmem>>
      %dma_wait3A_258 = arith.constant 0 : i32
      %dma_wait3A_259 = tpu.memref_slice %arg12[%dma_wait3A_253, %dma_wait3A_258] : memref<4x128xi32, #tpu.memory_space<vmem>> -> memref<1x128xi32, #tpu.memory_space<vmem>>
      %dma_wait3A_260 = tpu.memref_squeeze %dma_wait3A_259 : memref<1x128xi32, #tpu.memory_space<vmem>> -> memref<128xi32, #tpu.memory_space<vmem>>
      %dma_wait3A_261 = arith.constant 0 : i32
      %dma_wait3A_262 = arith.constant 0 : i32
      %dma_wait3A_263 = tpu.memref_slice %arg9[%dma_wait3A_261, %dma_wait3A_262] : memref<10240x64xf32, #tpu.memory_space<vmem_shared>> -> memref<10240x64xf32, #tpu.memory_space<vmem_shared>>
      tpu.wait_indirect_dma semaphore(%arg16 : memref<!tpu.dma_semaphore, #tpu.memory_space<semaphore_mem>>) src(%dma_wait3A_257 : memref<128x64xf32, #tpu.memory_space<vmem>>) dst(%dma_wait3A_263 : memref<10240x64xf32, #tpu.memory_space<vmem_shared>>)
      %dma_wait3A_264 = arith.constant 3 : i32
      %dma_wait3A_265 = arith.constant 3 : i32
      %dma_wait3A_266 = arith.constant 0 : i32
      %dma_wait3A_267 = arith.constant 0 : i32
      %dma_wait3A_268 = tpu.memref_slice %arg13[%dma_wait3A_264, %dma_wait3A_266, %dma_wait3A_267] : memref<4x128x64xf32, #tpu.memory_space<vmem>> -> memref<1x128x64xf32, #tpu.memory_space<vmem>>
      %dma_wait3A_269 = tpu.memref_squeeze %dma_wait3A_268 : memref<1x128x64xf32, #tpu.memory_space<vmem>> -> memref<128x64xf32, #tpu.memory_space<vmem>>
      %dma_wait3A_270 = arith.constant 0 : i32
      %dma_wait3A_271 = tpu.memref_slice %arg12[%dma_wait3A_265, %dma_wait3A_270] : memref<4x128xi32, #tpu.memory_space<vmem>> -> memref<1x128xi32, #tpu.memory_space<vmem>>
      %dma_wait3A_272 = tpu.memref_squeeze %dma_wait3A_271 : memref<1x128xi32, #tpu.memory_space<vmem>> -> memref<128xi32, #tpu.memory_space<vmem>>
      %dma_wait3A_273 = arith.constant 0 : i32
      %dma_wait3A_274 = arith.constant 0 : i32
      %dma_wait3A_275 = tpu.memref_slice %arg9[%dma_wait3A_273, %dma_wait3A_274] : memref<10240x64xf32, #tpu.memory_space<vmem_shared>> -> memref<10240x64xf32, #tpu.memory_space<vmem_shared>>
      tpu.wait_indirect_dma semaphore(%arg16 : memref<!tpu.dma_semaphore, #tpu.memory_space<semaphore_mem>>) src(%dma_wait3A_269 : memref<128x64xf32, #tpu.memory_space<vmem>>) dst(%dma_wait3A_275 : memref<10240x64xf32, #tpu.memory_space<vmem_shared>>)
    }
    %while3A_45 = arith.constant 1 : i32
    scf.for %while3A_80 = %while3A_43 to %while3A_39 step %while3A_45  : i32 {
      %mul3A_81 = arith.constant 4 : i32
      %mul3A_82 = arith.muli %while3A_80, %mul3A_81 : i32
      %add3A_83 = arith.addi %select_n3A_36, %mul3A_82 : i32
      "tpu.region"() ({
        %run_scoped3A = tpu.sem_alloc : memref<!tpu.dma_semaphore, #tpu.memory_space<semaphore_mem>>
        %dma_start3A_276 = arith.constant 0 : i32
        %dma_start3A_277 = tpu.memref_slice %arg3[%add3A_83, %dma_start3A_276] : memref<2560x128xi32, #tpu.memory_space<hbm>> -> memref<4x128xi32, #tpu.memory_space<hbm>>
        %dma_start3A_278 = arith.constant 0 : i32
        %dma_start3A_279 = tpu.memref_slice %arg3[%add3A_83, %dma_start3A_278] : memref<2560x128xi32, #tpu.memory_space<hbm>> -> memref<4x128xi32, #tpu.memory_space<hbm>>
        tpu.enqueue_dma source(%dma_start3A_279 : memref<4x128xi32, #tpu.memory_space<hbm>>) target(%arg11 : memref<4x128xi32, #tpu.memory_space<vmem>>) target_semaphore(%run_scoped3A : memref<!tpu.dma_semaphore, #tpu.memory_space<semaphore_mem>>)
        %dma_wait3A_280 = arith.constant 0 : i32
        %dma_wait3A_281 = tpu.memref_slice %arg3[%add3A_83, %dma_wait3A_280] : memref<2560x128xi32, #tpu.memory_space<hbm>> -> memref<4x128xi32, #tpu.memory_space<hbm>>
        %dma_wait3A_282 = arith.constant 0 : i32
        %dma_wait3A_283 = tpu.memref_slice %arg3[%add3A_83, %dma_wait3A_282] : memref<2560x128xi32, #tpu.memory_space<hbm>> -> memref<4x128xi32, #tpu.memory_space<hbm>>
        tpu.wait_dma2 semaphore(%run_scoped3A : memref<!tpu.dma_semaphore, #tpu.memory_space<semaphore_mem>>) src(%dma_wait3A_283 : memref<4x128xi32, #tpu.memory_space<hbm>>) dst(%arg11 : memref<4x128xi32, #tpu.memory_space<vmem>>)
        tpu.yield
      }) : () -> ()
      "tpu.region"() ({
        %run_scoped3A = tpu.sem_alloc : memref<!tpu.dma_semaphore, #tpu.memory_space<semaphore_mem>>
        %dma_start3A_276 = arith.constant 0 : i32
        %dma_start3A_277 = tpu.memref_slice %arg4[%add3A_83, %dma_start3A_276] : memref<2560x128xi32, #tpu.memory_space<hbm>> -> memref<4x128xi32, #tpu.memory_space<hbm>>
        %dma_start3A_278 = arith.constant 0 : i32
        %dma_start3A_279 = tpu.memref_slice %arg4[%add3A_83, %dma_start3A_278] : memref<2560x128xi32, #tpu.memory_space<hbm>> -> memref<4x128xi32, #tpu.memory_space<hbm>>
        tpu.enqueue_dma source(%dma_start3A_279 : memref<4x128xi32, #tpu.memory_space<hbm>>) target(%arg12 : memref<4x128xi32, #tpu.memory_space<vmem>>) target_semaphore(%run_scoped3A : memref<!tpu.dma_semaphore, #tpu.memory_space<semaphore_mem>>)
        %dma_wait3A_280 = arith.constant 0 : i32
        %dma_wait3A_281 = tpu.memref_slice %arg4[%add3A_83, %dma_wait3A_280] : memref<2560x128xi32, #tpu.memory_space<hbm>> -> memref<4x128xi32, #tpu.memory_space<hbm>>
        %dma_wait3A_282 = arith.constant 0 : i32
        %dma_wait3A_283 = tpu.memref_slice %arg4[%add3A_83, %dma_wait3A_282] : memref<2560x128xi32, #tpu.memory_space<hbm>> -> memref<4x128xi32, #tpu.memory_space<hbm>>
        tpu.wait_dma2 semaphore(%run_scoped3A : memref<!tpu.dma_semaphore, #tpu.memory_space<semaphore_mem>>) src(%dma_wait3A_283 : memref<4x128xi32, #tpu.memory_space<hbm>>) dst(%arg12 : memref<4x128xi32, #tpu.memory_space<vmem>>)
        tpu.yield
      }) : () -> ()
      %dma_start3A_84 = arith.constant 0 : i32
      %dma_start3A_85 = arith.constant 0 : i32
      %dma_start3A_86 = arith.constant 0 : i32
      %dma_start3A_87 = arith.constant 0 : i32
      %dma_start3A_88 = tpu.memref_slice %arg13[%dma_start3A_85, %dma_start3A_86, %dma_start3A_87] : memref<4x128x64xf32, #tpu.memory_space<vmem>> -> memref<1x128x64xf32, #tpu.memory_space<vmem>>
      %dma_start3A_89 = tpu.memref_squeeze %dma_start3A_88 : memref<1x128x64xf32, #tpu.memory_space<vmem>> -> memref<128x64xf32, #tpu.memory_space<vmem>>
      %dma_start3A_90 = arith.constant 0 : i32
      %dma_start3A_91 = tpu.memref_slice %arg11[%dma_start3A_84, %dma_start3A_90] : memref<4x128xi32, #tpu.memory_space<vmem>> -> memref<1x128xi32, #tpu.memory_space<vmem>>
      %dma_start3A_92 = tpu.memref_squeeze %dma_start3A_91 : memref<1x128xi32, #tpu.memory_space<vmem>> -> memref<128xi32, #tpu.memory_space<vmem>>
      %dma_start3A_93 = arith.constant 0 : i32
      %dma_start3A_94 = arith.constant 0 : i32
      %dma_start3A_95 = tpu.memref_slice %arg2[%dma_start3A_93, %dma_start3A_94] : memref<10000x64xf32, #tpu.memory_space<hbm>> -> memref<10000x64xf32, #tpu.memory_space<hbm>>
      tpu.enqueue_indirect_dma source(%dma_start3A_95 : memref<10000x64xf32, #tpu.memory_space<hbm>>) target(%dma_start3A_89 : memref<128x64xf32, #tpu.memory_space<vmem>>) offsets(%dma_start3A_92 : memref<128xi32, #tpu.memory_space<vmem>>) semaphore(%arg15 : memref<!tpu.dma_semaphore, #tpu.memory_space<semaphore_mem>>)
      %dma_start3A_96 = arith.constant 1 : i32
      %dma_start3A_97 = arith.constant 1 : i32
      %dma_start3A_98 = arith.constant 0 : i32
      %dma_start3A_99 = arith.constant 0 : i32
      %dma_start3A_100 = tpu.memref_slice %arg13[%dma_start3A_97, %dma_start3A_98, %dma_start3A_99] : memref<4x128x64xf32, #tpu.memory_space<vmem>> -> memref<1x128x64xf32, #tpu.memory_space<vmem>>
      %dma_start3A_101 = tpu.memref_squeeze %dma_start3A_100 : memref<1x128x64xf32, #tpu.memory_space<vmem>> -> memref<128x64xf32, #tpu.memory_space<vmem>>
      %dma_start3A_102 = arith.constant 0 : i32
      %dma_start3A_103 = tpu.memref_slice %arg11[%dma_start3A_96, %dma_start3A_102] : memref<4x128xi32, #tpu.memory_space<vmem>> -> memref<1x128xi32, #tpu.memory_space<vmem>>
      %dma_start3A_104 = tpu.memref_squeeze %dma_start3A_103 : memref<1x128xi32, #tpu.memory_space<vmem>> -> memref<128xi32, #tpu.memory_space<vmem>>
      %dma_start3A_105 = arith.constant 0 : i32
      %dma_start3A_106 = arith.constant 0 : i32
      %dma_start3A_107 = tpu.memref_slice %arg2[%dma_start3A_105, %dma_start3A_106] : memref<10000x64xf32, #tpu.memory_space<hbm>> -> memref<10000x64xf32, #tpu.memory_space<hbm>>
      tpu.enqueue_indirect_dma source(%dma_start3A_107 : memref<10000x64xf32, #tpu.memory_space<hbm>>) target(%dma_start3A_101 : memref<128x64xf32, #tpu.memory_space<vmem>>) offsets(%dma_start3A_104 : memref<128xi32, #tpu.memory_space<vmem>>) semaphore(%arg15 : memref<!tpu.dma_semaphore, #tpu.memory_space<semaphore_mem>>)
      %dma_start3A_108 = arith.constant 2 : i32
      %dma_start3A_109 = arith.constant 2 : i32
      %dma_start3A_110 = arith.constant 0 : i32
      %dma_start3A_111 = arith.constant 0 : i32
      %dma_start3A_112 = tpu.memref_slice %arg13[%dma_start3A_109, %dma_start3A_110, %dma_start3A_111] : memref<4x128x64xf32, #tpu.memory_space<vmem>> -> memref<1x128x64xf32, #tpu.memory_space<vmem>>
      %dma_start3A_113 = tpu.memref_squeeze %dma_start3A_112 : memref<1x128x64xf32, #tpu.memory_space<vmem>> -> memref<128x64xf32, #tpu.memory_space<vmem>>
      %dma_start3A_114 = arith.constant 0 : i32
      %dma_start3A_115 = tpu.memref_slice %arg11[%dma_start3A_108, %dma_start3A_114] : memref<4x128xi32, #tpu.memory_space<vmem>> -> memref<1x128xi32, #tpu.memory_space<vmem>>
      %dma_start3A_116 = tpu.memref_squeeze %dma_start3A_115 : memref<1x128xi32, #tpu.memory_space<vmem>> -> memref<128xi32, #tpu.memory_space<vmem>>
      %dma_start3A_117 = arith.constant 0 : i32
      %dma_start3A_118 = arith.constant 0 : i32
      %dma_start3A_119 = tpu.memref_slice %arg2[%dma_start3A_117, %dma_start3A_118] : memref<10000x64xf32, #tpu.memory_space<hbm>> -> memref<10000x64xf32, #tpu.memory_space<hbm>>
      tpu.enqueue_indirect_dma source(%dma_start3A_119 : memref<10000x64xf32, #tpu.memory_space<hbm>>) target(%dma_start3A_113 : memref<128x64xf32, #tpu.memory_space<vmem>>) offsets(%dma_start3A_116 : memref<128xi32, #tpu.memory_space<vmem>>) semaphore(%arg15 : memref<!tpu.dma_semaphore, #tpu.memory_space<semaphore_mem>>)
      %dma_start3A_120 = arith.constant 3 : i32
      %dma_start3A_121 = arith.constant 3 : i32
      %dma_start3A_122 = arith.constant 0 : i32
      %dma_start3A_123 = arith.constant 0 : i32
      %dma_start3A_124 = tpu.memref_slice %arg13[%dma_start3A_121, %dma_start3A_122, %dma_start3A_123] : memref<4x128x64xf32, #tpu.memory_space<vmem>> -> memref<1x128x64xf32, #tpu.memory_space<vmem>>
      %dma_start3A_125 = tpu.memref_squeeze %dma_start3A_124 : memref<1x128x64xf32, #tpu.memory_space<vmem>> -> memref<128x64xf32, #tpu.memory_space<vmem>>
      %dma_start3A_126 = arith.constant 0 : i32
      %dma_start3A_127 = tpu.memref_slice %arg11[%dma_start3A_120, %dma_start3A_126] : memref<4x128xi32, #tpu.memory_space<vmem>> -> memref<1x128xi32, #tpu.memory_space<vmem>>
      %dma_start3A_128 = tpu.memref_squeeze %dma_start3A_127 : memref<1x128xi32, #tpu.memory_space<vmem>> -> memref<128xi32, #tpu.memory_space<vmem>>
      %dma_start3A_129 = arith.constant 0 : i32
      %dma_start3A_130 = arith.constant 0 : i32
      %dma_start3A_131 = tpu.memref_slice %arg2[%dma_start3A_129, %dma_start3A_130] : memref<10000x64xf32, #tpu.memory_space<hbm>> -> memref<10000x64xf32, #tpu.memory_space<hbm>>
      tpu.enqueue_indirect_dma source(%dma_start3A_131 : memref<10000x64xf32, #tpu.memory_space<hbm>>) target(%dma_start3A_125 : memref<128x64xf32, #tpu.memory_space<vmem>>) offsets(%dma_start3A_128 : memref<128xi32, #tpu.memory_space<vmem>>) semaphore(%arg15 : memref<!tpu.dma_semaphore, #tpu.memory_space<semaphore_mem>>)
      %dma_wait3A_132 = arith.constant 0 : i32
      %dma_wait3A_133 = arith.constant 0 : i32
      %dma_wait3A_134 = arith.constant 0 : i32
      %dma_wait3A_135 = arith.constant 0 : i32
      %dma_wait3A_136 = tpu.memref_slice %arg13[%dma_wait3A_133, %dma_wait3A_134, %dma_wait3A_135] : memref<4x128x64xf32, #tpu.memory_space<vmem>> -> memref<1x128x64xf32, #tpu.memory_space<vmem>>
      %dma_wait3A_137 = tpu.memref_squeeze %dma_wait3A_136 : memref<1x128x64xf32, #tpu.memory_space<vmem>> -> memref<128x64xf32, #tpu.memory_space<vmem>>
      %dma_wait3A_138 = arith.constant 0 : i32
      %dma_wait3A_139 = tpu.memref_slice %arg11[%dma_wait3A_132, %dma_wait3A_138] : memref<4x128xi32, #tpu.memory_space<vmem>> -> memref<1x128xi32, #tpu.memory_space<vmem>>
      %dma_wait3A_140 = tpu.memref_squeeze %dma_wait3A_139 : memref<1x128xi32, #tpu.memory_space<vmem>> -> memref<128xi32, #tpu.memory_space<vmem>>
      %dma_wait3A_141 = arith.constant 0 : i32
      %dma_wait3A_142 = arith.constant 0 : i32
      %dma_wait3A_143 = tpu.memref_slice %arg2[%dma_wait3A_141, %dma_wait3A_142] : memref<10000x64xf32, #tpu.memory_space<hbm>> -> memref<10000x64xf32, #tpu.memory_space<hbm>>
      tpu.wait_indirect_dma semaphore(%arg15 : memref<!tpu.dma_semaphore, #tpu.memory_space<semaphore_mem>>) src(%dma_wait3A_143 : memref<10000x64xf32, #tpu.memory_space<hbm>>) dst(%dma_wait3A_137 : memref<128x64xf32, #tpu.memory_space<vmem>>)
      %dma_wait3A_144 = arith.constant 1 : i32
      %dma_wait3A_145 = arith.constant 1 : i32
      %dma_wait3A_146 = arith.constant 0 : i32
      %dma_wait3A_147 = arith.constant 0 : i32
      %dma_wait3A_148 = tpu.memref_slice %arg13[%dma_wait3A_145, %dma_wait3A_146, %dma_wait3A_147] : memref<4x128x64xf32, #tpu.memory_space<vmem>> -> memref<1x128x64xf32, #tpu.memory_space<vmem>>
      %dma_wait3A_149 = tpu.memref_squeeze %dma_wait3A_148 : memref<1x128x64xf32, #tpu.memory_space<vmem>> -> memref<128x64xf32, #tpu.memory_space<vmem>>
      %dma_wait3A_150 = arith.constant 0 : i32
      %dma_wait3A_151 = tpu.memref_slice %arg11[%dma_wait3A_144, %dma_wait3A_150] : memref<4x128xi32, #tpu.memory_space<vmem>> -> memref<1x128xi32, #tpu.memory_space<vmem>>
      %dma_wait3A_152 = tpu.memref_squeeze %dma_wait3A_151 : memref<1x128xi32, #tpu.memory_space<vmem>> -> memref<128xi32, #tpu.memory_space<vmem>>
      %dma_wait3A_153 = arith.constant 0 : i32
      %dma_wait3A_154 = arith.constant 0 : i32
      %dma_wait3A_155 = tpu.memref_slice %arg2[%dma_wait3A_153, %dma_wait3A_154] : memref<10000x64xf32, #tpu.memory_space<hbm>> -> memref<10000x64xf32, #tpu.memory_space<hbm>>
      tpu.wait_indirect_dma semaphore(%arg15 : memref<!tpu.dma_semaphore, #tpu.memory_space<semaphore_mem>>) src(%dma_wait3A_155 : memref<10000x64xf32, #tpu.memory_space<hbm>>) dst(%dma_wait3A_149 : memref<128x64xf32, #tpu.memory_space<vmem>>)
      %dma_wait3A_156 = arith.constant 2 : i32
      %dma_wait3A_157 = arith.constant 2 : i32
      %dma_wait3A_158 = arith.constant 0 : i32
      %dma_wait3A_159 = arith.constant 0 : i32
      %dma_wait3A_160 = tpu.memref_slice %arg13[%dma_wait3A_157, %dma_wait3A_158, %dma_wait3A_159] : memref<4x128x64xf32, #tpu.memory_space<vmem>> -> memref<1x128x64xf32, #tpu.memory_space<vmem>>
      %dma_wait3A_161 = tpu.memref_squeeze %dma_wait3A_160 : memref<1x128x64xf32, #tpu.memory_space<vmem>> -> memref<128x64xf32, #tpu.memory_space<vmem>>
      %dma_wait3A_162 = arith.constant 0 : i32
      %dma_wait3A_163 = tpu.memref_slice %arg11[%dma_wait3A_156, %dma_wait3A_162] : memref<4x128xi32, #tpu.memory_space<vmem>> -> memref<1x128xi32, #tpu.memory_space<vmem>>
      %dma_wait3A_164 = tpu.memref_squeeze %dma_wait3A_163 : memref<1x128xi32, #tpu.memory_space<vmem>> -> memref<128xi32, #tpu.memory_space<vmem>>
      %dma_wait3A_165 = arith.constant 0 : i32
      %dma_wait3A_166 = arith.constant 0 : i32
      %dma_wait3A_167 = tpu.memref_slice %arg2[%dma_wait3A_165, %dma_wait3A_166] : memref<10000x64xf32, #tpu.memory_space<hbm>> -> memref<10000x64xf32, #tpu.memory_space<hbm>>
      tpu.wait_indirect_dma semaphore(%arg15 : memref<!tpu.dma_semaphore, #tpu.memory_space<semaphore_mem>>) src(%dma_wait3A_167 : memref<10000x64xf32, #tpu.memory_space<hbm>>) dst(%dma_wait3A_161 : memref<128x64xf32, #tpu.memory_space<vmem>>)
      %dma_wait3A_168 = arith.constant 3 : i32
      %dma_wait3A_169 = arith.constant 3 : i32
      %dma_wait3A_170 = arith.constant 0 : i32
      %dma_wait3A_171 = arith.constant 0 : i32
      %dma_wait3A_172 = tpu.memref_slice %arg13[%dma_wait3A_169, %dma_wait3A_170, %dma_wait3A_171] : memref<4x128x64xf32, #tpu.memory_space<vmem>> -> memref<1x128x64xf32, #tpu.memory_space<vmem>>
      %dma_wait3A_173 = tpu.memref_squeeze %dma_wait3A_172 : memref<1x128x64xf32, #tpu.memory_space<vmem>> -> memref<128x64xf32, #tpu.memory_space<vmem>>
      %dma_wait3A_174 = arith.constant 0 : i32
      %dma_wait3A_175 = tpu.memref_slice %arg11[%dma_wait3A_168, %dma_wait3A_174] : memref<4x128xi32, #tpu.memory_space<vmem>> -> memref<1x128xi32, #tpu.memory_space<vmem>>
      %dma_wait3A_176 = tpu.memref_squeeze %dma_wait3A_175 : memref<1x128xi32, #tpu.memory_space<vmem>> -> memref<128xi32, #tpu.memory_space<vmem>>
      %dma_wait3A_177 = arith.constant 0 : i32
      %dma_wait3A_178 = arith.constant 0 : i32
      %dma_wait3A_179 = tpu.memref_slice %arg2[%dma_wait3A_177, %dma_wait3A_178] : memref<10000x64xf32, #tpu.memory_space<hbm>> -> memref<10000x64xf32, #tpu.memory_space<hbm>>
      tpu.wait_indirect_dma semaphore(%arg15 : memref<!tpu.dma_semaphore, #tpu.memory_space<semaphore_mem>>) src(%dma_wait3A_179 : memref<10000x64xf32, #tpu.memory_space<hbm>>) dst(%dma_wait3A_173 : memref<128x64xf32, #tpu.memory_space<vmem>>)
      %dma_start3A_180 = arith.constant 0 : i32
      %dma_start3A_181 = arith.constant 0 : i32
      %dma_start3A_182 = arith.constant 0 : i32
      %dma_start3A_183 = arith.constant 0 : i32
      %dma_start3A_184 = tpu.memref_slice %arg13[%dma_start3A_180, %dma_start3A_182, %dma_start3A_183] : memref<4x128x64xf32, #tpu.memory_space<vmem>> -> memref<1x128x64xf32, #tpu.memory_space<vmem>>
      %dma_start3A_185 = tpu.memref_squeeze %dma_start3A_184 : memref<1x128x64xf32, #tpu.memory_space<vmem>> -> memref<128x64xf32, #tpu.memory_space<vmem>>
      %dma_start3A_186 = arith.constant 0 : i32
      %dma_start3A_187 = tpu.memref_slice %arg12[%dma_start3A_181, %dma_start3A_186] : memref<4x128xi32, #tpu.memory_space<vmem>> -> memref<1x128xi32, #tpu.memory_space<vmem>>
      %dma_start3A_188 = tpu.memref_squeeze %dma_start3A_187 : memref<1x128xi32, #tpu.memory_space<vmem>> -> memref<128xi32, #tpu.memory_space<vmem>>
      %dma_start3A_189 = arith.constant 0 : i32
      %dma_start3A_190 = arith.constant 0 : i32
      %dma_start3A_191 = tpu.memref_slice %arg9[%dma_start3A_189, %dma_start3A_190] : memref<10240x64xf32, #tpu.memory_space<vmem_shared>> -> memref<10240x64xf32, #tpu.memory_space<vmem_shared>>
      tpu.enqueue_indirect_dma source(%dma_start3A_185 : memref<128x64xf32, #tpu.memory_space<vmem>>) target(%dma_start3A_191 : memref<10240x64xf32, #tpu.memory_space<vmem_shared>>) offsets(%dma_start3A_188 : memref<128xi32, #tpu.memory_space<vmem>>) semaphore(%arg16 : memref<!tpu.dma_semaphore, #tpu.memory_space<semaphore_mem>>) {add = true}
      %dma_start3A_192 = arith.constant 1 : i32
      %dma_start3A_193 = arith.constant 1 : i32
      %dma_start3A_194 = arith.constant 0 : i32
      %dma_start3A_195 = arith.constant 0 : i32
      %dma_start3A_196 = tpu.memref_slice %arg13[%dma_start3A_192, %dma_start3A_194, %dma_start3A_195] : memref<4x128x64xf32, #tpu.memory_space<vmem>> -> memref<1x128x64xf32, #tpu.memory_space<vmem>>
      %dma_start3A_197 = tpu.memref_squeeze %dma_start3A_196 : memref<1x128x64xf32, #tpu.memory_space<vmem>> -> memref<128x64xf32, #tpu.memory_space<vmem>>
      %dma_start3A_198 = arith.constant 0 : i32
      %dma_start3A_199 = tpu.memref_slice %arg12[%dma_start3A_193, %dma_start3A_198] : memref<4x128xi32, #tpu.memory_space<vmem>> -> memref<1x128xi32, #tpu.memory_space<vmem>>
      %dma_start3A_200 = tpu.memref_squeeze %dma_start3A_199 : memref<1x128xi32, #tpu.memory_space<vmem>> -> memref<128xi32, #tpu.memory_space<vmem>>
      %dma_start3A_201 = arith.constant 0 : i32
      %dma_start3A_202 = arith.constant 0 : i32
      %dma_start3A_203 = tpu.memref_slice %arg9[%dma_start3A_201, %dma_start3A_202] : memref<10240x64xf32, #tpu.memory_space<vmem_shared>> -> memref<10240x64xf32, #tpu.memory_space<vmem_shared>>
      tpu.enqueue_indirect_dma source(%dma_start3A_197 : memref<128x64xf32, #tpu.memory_space<vmem>>) target(%dma_start3A_203 : memref<10240x64xf32, #tpu.memory_space<vmem_shared>>) offsets(%dma_start3A_200 : memref<128xi32, #tpu.memory_space<vmem>>) semaphore(%arg16 : memref<!tpu.dma_semaphore, #tpu.memory_space<semaphore_mem>>) {add = true}
      %dma_start3A_204 = arith.constant 2 : i32
      %dma_start3A_205 = arith.constant 2 : i32
      %dma_start3A_206 = arith.constant 0 : i32
      %dma_start3A_207 = arith.constant 0 : i32
      %dma_start3A_208 = tpu.memref_slice %arg13[%dma_start3A_204, %dma_start3A_206, %dma_start3A_207] : memref<4x128x64xf32, #tpu.memory_space<vmem>> -> memref<1x128x64xf32, #tpu.memory_space<vmem>>
      %dma_start3A_209 = tpu.memref_squeeze %dma_start3A_208 : memref<1x128x64xf32, #tpu.memory_space<vmem>> -> memref<128x64xf32, #tpu.memory_space<vmem>>
      %dma_start3A_210 = arith.constant 0 : i32
      %dma_start3A_211 = tpu.memref_slice %arg12[%dma_start3A_205, %dma_start3A_210] : memref<4x128xi32, #tpu.memory_space<vmem>> -> memref<1x128xi32, #tpu.memory_space<vmem>>
      %dma_start3A_212 = tpu.memref_squeeze %dma_start3A_211 : memref<1x128xi32, #tpu.memory_space<vmem>> -> memref<128xi32, #tpu.memory_space<vmem>>
      %dma_start3A_213 = arith.constant 0 : i32
      %dma_start3A_214 = arith.constant 0 : i32
      %dma_start3A_215 = tpu.memref_slice %arg9[%dma_start3A_213, %dma_start3A_214] : memref<10240x64xf32, #tpu.memory_space<vmem_shared>> -> memref<10240x64xf32, #tpu.memory_space<vmem_shared>>
      tpu.enqueue_indirect_dma source(%dma_start3A_209 : memref<128x64xf32, #tpu.memory_space<vmem>>) target(%dma_start3A_215 : memref<10240x64xf32, #tpu.memory_space<vmem_shared>>) offsets(%dma_start3A_212 : memref<128xi32, #tpu.memory_space<vmem>>) semaphore(%arg16 : memref<!tpu.dma_semaphore, #tpu.memory_space<semaphore_mem>>) {add = true}
      %dma_start3A_216 = arith.constant 3 : i32
      %dma_start3A_217 = arith.constant 3 : i32
      %dma_start3A_218 = arith.constant 0 : i32
      %dma_start3A_219 = arith.constant 0 : i32
      %dma_start3A_220 = tpu.memref_slice %arg13[%dma_start3A_216, %dma_start3A_218, %dma_start3A_219] : memref<4x128x64xf32, #tpu.memory_space<vmem>> -> memref<1x128x64xf32, #tpu.memory_space<vmem>>
      %dma_start3A_221 = tpu.memref_squeeze %dma_start3A_220 : memref<1x128x64xf32, #tpu.memory_space<vmem>> -> memref<128x64xf32, #tpu.memory_space<vmem>>
      %dma_start3A_222 = arith.constant 0 : i32
      %dma_start3A_223 = tpu.memref_slice %arg12[%dma_start3A_217, %dma_start3A_222] : memref<4x128xi32, #tpu.memory_space<vmem>> -> memref<1x128xi32, #tpu.memory_space<vmem>>
      %dma_start3A_224 = tpu.memref_squeeze %dma_start3A_223 : memref<1x128xi32, #tpu.memory_space<vmem>> -> memref<128xi32, #tpu.memory_space<vmem>>
      %dma_start3A_225 = arith.constant 0 : i32
      %dma_start3A_226 = arith.constant 0 : i32
      %dma_start3A_227 = tpu.memref_slice %arg9[%dma_start3A_225, %dma_start3A_226] : memref<10240x64xf32, #tpu.memory_space<vmem_shared>> -> memref<10240x64xf32, #tpu.memory_space<vmem_shared>>
      tpu.enqueue_indirect_dma source(%dma_start3A_221 : memref<128x64xf32, #tpu.memory_space<vmem>>) target(%dma_start3A_227 : memref<10240x64xf32, #tpu.memory_space<vmem_shared>>) offsets(%dma_start3A_224 : memref<128xi32, #tpu.memory_space<vmem>>) semaphore(%arg16 : memref<!tpu.dma_semaphore, #tpu.memory_space<semaphore_mem>>) {add = true}
      %dma_wait3A_228 = arith.constant 0 : i32
      %dma_wait3A_229 = arith.constant 0 : i32
      %dma_wait3A_230 = arith.constant 0 : i32
      %dma_wait3A_231 = arith.constant 0 : i32
      %dma_wait3A_232 = tpu.memref_slice %arg13[%dma_wait3A_228, %dma_wait3A_230, %dma_wait3A_231] : memref<4x128x64xf32, #tpu.memory_space<vmem>> -> memref<1x128x64xf32, #tpu.memory_space<vmem>>
      %dma_wait3A_233 = tpu.memref_squeeze %dma_wait3A_232 : memref<1x128x64xf32, #tpu.memory_space<vmem>> -> memref<128x64xf32, #tpu.memory_space<vmem>>
      %dma_wait3A_234 = arith.constant 0 : i32
      %dma_wait3A_235 = tpu.memref_slice %arg12[%dma_wait3A_229, %dma_wait3A_234] : memref<4x128xi32, #tpu.memory_space<vmem>> -> memref<1x128xi32, #tpu.memory_space<vmem>>
      %dma_wait3A_236 = tpu.memref_squeeze %dma_wait3A_235 : memref<1x128xi32, #tpu.memory_space<vmem>> -> memref<128xi32, #tpu.memory_space<vmem>>
      %dma_wait3A_237 = arith.constant 0 : i32
      %dma_wait3A_238 = arith.constant 0 : i32
      %dma_wait3A_239 = tpu.memref_slice %arg9[%dma_wait3A_237, %dma_wait3A_238] : memref<10240x64xf32, #tpu.memory_space<vmem_shared>> -> memref<10240x64xf32, #tpu.memory_space<vmem_shared>>
      tpu.wait_indirect_dma semaphore(%arg16 : memref<!tpu.dma_semaphore, #tpu.memory_space<semaphore_mem>>) src(%dma_wait3A_233 : memref<128x64xf32, #tpu.memory_space<vmem>>) dst(%dma_wait3A_239 : memref<10240x64xf32, #tpu.memory_space<vmem_shared>>)
      %dma_wait3A_240 = arith.constant 1 : i32
      %dma_wait3A_241 = arith.constant 1 : i32
      %dma_wait3A_242 = arith.constant 0 : i32
      %dma_wait3A_243 = arith.constant 0 : i32
      %dma_wait3A_244 = tpu.memref_slice %arg13[%dma_wait3A_240, %dma_wait3A_242, %dma_wait3A_243] : memref<4x128x64xf32, #tpu.memory_space<vmem>> -> memref<1x128x64xf32, #tpu.memory_space<vmem>>
      %dma_wait3A_245 = tpu.memref_squeeze %dma_wait3A_244 : memref<1x128x64xf32, #tpu.memory_space<vmem>> -> memref<128x64xf32, #tpu.memory_space<vmem>>
      %dma_wait3A_246 = arith.constant 0 : i32
      %dma_wait3A_247 = tpu.memref_slice %arg12[%dma_wait3A_241, %dma_wait3A_246] : memref<4x128xi32, #tpu.memory_space<vmem>> -> memref<1x128xi32, #tpu.memory_space<vmem>>
      %dma_wait3A_248 = tpu.memref_squeeze %dma_wait3A_247 : memref<1x128xi32, #tpu.memory_space<vmem>> -> memref<128xi32, #tpu.memory_space<vmem>>
      %dma_wait3A_249 = arith.constant 0 : i32
      %dma_wait3A_250 = arith.constant 0 : i32
      %dma_wait3A_251 = tpu.memref_slice %arg9[%dma_wait3A_249, %dma_wait3A_250] : memref<10240x64xf32, #tpu.memory_space<vmem_shared>> -> memref<10240x64xf32, #tpu.memory_space<vmem_shared>>
      tpu.wait_indirect_dma semaphore(%arg16 : memref<!tpu.dma_semaphore, #tpu.memory_space<semaphore_mem>>) src(%dma_wait3A_245 : memref<128x64xf32, #tpu.memory_space<vmem>>) dst(%dma_wait3A_251 : memref<10240x64xf32, #tpu.memory_space<vmem_shared>>)
      %dma_wait3A_252 = arith.constant 2 : i32
      %dma_wait3A_253 = arith.constant 2 : i32
      %dma_wait3A_254 = arith.constant 0 : i32
      %dma_wait3A_255 = arith.constant 0 : i32
      %dma_wait3A_256 = tpu.memref_slice %arg13[%dma_wait3A_252, %dma_wait3A_254, %dma_wait3A_255] : memref<4x128x64xf32, #tpu.memory_space<vmem>> -> memref<1x128x64xf32, #tpu.memory_space<vmem>>
      %dma_wait3A_257 = tpu.memref_squeeze %dma_wait3A_256 : memref<1x128x64xf32, #tpu.memory_space<vmem>> -> memref<128x64xf32, #tpu.memory_space<vmem>>
      %dma_wait3A_258 = arith.constant 0 : i32
      %dma_wait3A_259 = tpu.memref_slice %arg12[%dma_wait3A_253, %dma_wait3A_258] : memref<4x128xi32, #tpu.memory_space<vmem>> -> memref<1x128xi32, #tpu.memory_space<vmem>>
      %dma_wait3A_260 = tpu.memref_squeeze %dma_wait3A_259 : memref<1x128xi32, #tpu.memory_space<vmem>> -> memref<128xi32, #tpu.memory_space<vmem>>
      %dma_wait3A_261 = arith.constant 0 : i32
      %dma_wait3A_262 = arith.constant 0 : i32
      %dma_wait3A_263 = tpu.memref_slice %arg9[%dma_wait3A_261, %dma_wait3A_262] : memref<10240x64xf32, #tpu.memory_space<vmem_shared>> -> memref<10240x64xf32, #tpu.memory_space<vmem_shared>>
      tpu.wait_indirect_dma semaphore(%arg16 : memref<!tpu.dma_semaphore, #tpu.memory_space<semaphore_mem>>) src(%dma_wait3A_257 : memref<128x64xf32, #tpu.memory_space<vmem>>) dst(%dma_wait3A_263 : memref<10240x64xf32, #tpu.memory_space<vmem_shared>>)
      %dma_wait3A_264 = arith.constant 3 : i32
      %dma_wait3A_265 = arith.constant 3 : i32
      %dma_wait3A_266 = arith.constant 0 : i32
      %dma_wait3A_267 = arith.constant 0 : i32
      %dma_wait3A_268 = tpu.memref_slice %arg13[%dma_wait3A_264, %dma_wait3A_266, %dma_wait3A_267] : memref<4x128x64xf32, #tpu.memory_space<vmem>> -> memref<1x128x64xf32, #tpu.memory_space<vmem>>
      %dma_wait3A_269 = tpu.memref_squeeze %dma_wait3A_268 : memref<1x128x64xf32, #tpu.memory_space<vmem>> -> memref<128x64xf32, #tpu.memory_space<vmem>>
      %dma_wait3A_270 = arith.constant 0 : i32
      %dma_wait3A_271 = tpu.memref_slice %arg12[%dma_wait3A_265, %dma_wait3A_270] : memref<4x128xi32, #tpu.memory_space<vmem>> -> memref<1x128xi32, #tpu.memory_space<vmem>>
      %dma_wait3A_272 = tpu.memref_squeeze %dma_wait3A_271 : memref<1x128xi32, #tpu.memory_space<vmem>> -> memref<128xi32, #tpu.memory_space<vmem>>
      %dma_wait3A_273 = arith.constant 0 : i32
      %dma_wait3A_274 = arith.constant 0 : i32
      %dma_wait3A_275 = tpu.memref_slice %arg9[%dma_wait3A_273, %dma_wait3A_274] : memref<10240x64xf32, #tpu.memory_space<vmem_shared>> -> memref<10240x64xf32, #tpu.memory_space<vmem_shared>>
      tpu.wait_indirect_dma semaphore(%arg16 : memref<!tpu.dma_semaphore, #tpu.memory_space<semaphore_mem>>) src(%dma_wait3A_269 : memref<128x64xf32, #tpu.memory_space<vmem>>) dst(%dma_wait3A_275 : memref<10240x64xf32, #tpu.memory_space<vmem_shared>>)
    }
    %barrier3A_46 = arith.constant 0 : index
    tpu.barrier barrier_id(%barrier3A_46)
    %dma_start3A = arith.constant 0 : i32
    %dma_start3A_47 = tpu.memref_slice %arg7[%arg0, %mul3A_25, %dma_start3A] : memref<2x10240x64xf32, #tpu.memory_space<hbm>> -> memref<1x640x64xf32, #tpu.memory_space<hbm>>
    %dma_start3A_48 = tpu.memref_squeeze %dma_start3A_47 : memref<1x640x64xf32, #tpu.memory_space<hbm>> -> memref<640x64xf32, #tpu.memory_space<hbm>>
    %dma_start3A_49 = arith.constant 0 : i32
    %dma_start3A_50 = tpu.memref_slice %arg9[%mul3A_25, %dma_start3A_49] : memref<10240x64xf32, #tpu.memory_space<vmem_shared>> -> memref<640x64xf32, #tpu.memory_space<vmem_shared>>
    tpu.enqueue_dma source(%dma_start3A_50 : memref<640x64xf32, #tpu.memory_space<vmem_shared>>) target(%dma_start3A_48 : memref<640x64xf32, #tpu.memory_space<hbm>>) target_semaphore(%arg17 : memref<!tpu.dma_semaphore, #tpu.memory_space<semaphore_mem>>)
    %eq3A_51 = arith.constant 0 : i32
    %eq3A_52 = arith.cmpi eq, %arg0, %eq3A_51 : i32
    %jit3A_53 = arith.constant 17 : i32
    %jit3A_54 = arith.constant 3 : i32
    %select_n3A_55 = arith.select %eq3A_52, %jit3A_53, %jit3A_54 : i32
    %eq3A_56 = arith.constant 0 : i32
    %eq3A_57 = arith.cmpi eq, %arg0, %eq3A_56 : i32
    %mul3A_58 = arith.constant 68 : i32
    %mul3A_59 = arith.muli %arg1, %mul3A_58 : i32
    %mul3A_60 = arith.constant 12 : i32
    %mul3A_61 = arith.muli %arg1, %mul3A_60 : i32
    %add3A_62 = arith.constant 1088 : i32
    %add3A_63 = arith.addi %add3A_62, %mul3A_61 : i32
    %select_n3A_64 = arith.select %eq3A_57, %mul3A_59, %add3A_63 : i32
    %while3A_65 = arith.constant 0 : i32
    %while3A_66 = arith.constant 0 : i32
    %while3A_67 = arith.subi %select_n3A_55, %while3A_66 : i32
    %while3A_68 = arith.addi %while3A_66, %while3A_67 : i32
    %while3A_69 = arith.constant 1 : i32
    %while3A_70 = arith.divsi %while3A_67, %while3A_69 : i32
    %while3A_71 = arith.muli %while3A_70, %while3A_69 : i32
    %while3A_72 = arith.addi %while3A_66, %while3A_71 : i32
    %while3A_73 = arith.constant 1 : i32
    scf.for %while3A_80 = %while3A_66 to %while3A_72 step %while3A_73  : i32 {
      %mul3A_81 = arith.constant 4 : i32
      %mul3A_82 = arith.muli %while3A_80, %mul3A_81 : i32
      %add3A_83 = arith.addi %select_n3A_64, %mul3A_82 : i32
      "tpu.region"() ({
        %run_scoped3A = tpu.sem_alloc : memref<!tpu.dma_semaphore, #tpu.memory_space<semaphore_mem>>
        %dma_start3A_276 = arith.constant 0 : i32
        %dma_start3A_277 = tpu.memref_slice %arg5[%add3A_83, %dma_start3A_276] : memref<1280x128xi32, #tpu.memory_space<hbm>> -> memref<4x128xi32, #tpu.memory_space<hbm>>
        %dma_start3A_278 = arith.constant 0 : i32
        %dma_start3A_279 = tpu.memref_slice %arg5[%add3A_83, %dma_start3A_278] : memref<1280x128xi32, #tpu.memory_space<hbm>> -> memref<4x128xi32, #tpu.memory_space<hbm>>
        tpu.enqueue_dma source(%dma_start3A_279 : memref<4x128xi32, #tpu.memory_space<hbm>>) target(%arg11 : memref<4x128xi32, #tpu.memory_space<vmem>>) target_semaphore(%run_scoped3A : memref<!tpu.dma_semaphore, #tpu.memory_space<semaphore_mem>>)
        %dma_wait3A_280 = arith.constant 0 : i32
        %dma_wait3A_281 = tpu.memref_slice %arg5[%add3A_83, %dma_wait3A_280] : memref<1280x128xi32, #tpu.memory_space<hbm>> -> memref<4x128xi32, #tpu.memory_space<hbm>>
        %dma_wait3A_282 = arith.constant 0 : i32
        %dma_wait3A_283 = tpu.memref_slice %arg5[%add3A_83, %dma_wait3A_282] : memref<1280x128xi32, #tpu.memory_space<hbm>> -> memref<4x128xi32, #tpu.memory_space<hbm>>
        tpu.wait_dma2 semaphore(%run_scoped3A : memref<!tpu.dma_semaphore, #tpu.memory_space<semaphore_mem>>) src(%dma_wait3A_283 : memref<4x128xi32, #tpu.memory_space<hbm>>) dst(%arg11 : memref<4x128xi32, #tpu.memory_space<vmem>>)
        tpu.yield
      }) : () -> ()
      "tpu.region"() ({
        %run_scoped3A = tpu.sem_alloc : memref<!tpu.dma_semaphore, #tpu.memory_space<semaphore_mem>>
        %dma_start3A_276 = arith.constant 0 : i32
        %dma_start3A_277 = tpu.memref_slice %arg6[%add3A_83, %dma_start3A_276] : memref<1280x128xi32, #tpu.memory_space<hbm>> -> memref<4x128xi32, #tpu.memory_space<hbm>>
        %dma_start3A_278 = arith.constant 0 : i32
        %dma_start3A_279 = tpu.memref_slice %arg6[%add3A_83, %dma_start3A_278] : memref<1280x128xi32, #tpu.memory_space<hbm>> -> memref<4x128xi32, #tpu.memory_space<hbm>>
        tpu.enqueue_dma source(%dma_start3A_279 : memref<4x128xi32, #tpu.memory_space<hbm>>) target(%arg12 : memref<4x128xi32, #tpu.memory_space<vmem>>) target_semaphore(%run_scoped3A : memref<!tpu.dma_semaphore, #tpu.memory_space<semaphore_mem>>)
        %dma_wait3A_280 = arith.constant 0 : i32
        %dma_wait3A_281 = tpu.memref_slice %arg6[%add3A_83, %dma_wait3A_280] : memref<1280x128xi32, #tpu.memory_space<hbm>> -> memref<4x128xi32, #tpu.memory_space<hbm>>
        %dma_wait3A_282 = arith.constant 0 : i32
        %dma_wait3A_283 = tpu.memref_slice %arg6[%add3A_83, %dma_wait3A_282] : memref<1280x128xi32, #tpu.memory_space<hbm>> -> memref<4x128xi32, #tpu.memory_space<hbm>>
        tpu.wait_dma2 semaphore(%run_scoped3A : memref<!tpu.dma_semaphore, #tpu.memory_space<semaphore_mem>>) src(%dma_wait3A_283 : memref<4x128xi32, #tpu.memory_space<hbm>>) dst(%arg12 : memref<4x128xi32, #tpu.memory_space<vmem>>)
        tpu.yield
      }) : () -> ()
      %dma_start3A_84 = arith.constant 0 : i32
      %dma_start3A_85 = arith.constant 0 : i32
      %dma_start3A_86 = arith.constant 0 : i32
      %dma_start3A_87 = arith.constant 0 : i32
      %dma_start3A_88 = tpu.memref_slice %arg13[%dma_start3A_85, %dma_start3A_86, %dma_start3A_87] : memref<4x128x64xf32, #tpu.memory_space<vmem>> -> memref<1x128x64xf32, #tpu.memory_space<vmem>>
      %dma_start3A_89 = tpu.memref_squeeze %dma_start3A_88 : memref<1x128x64xf32, #tpu.memory_space<vmem>> -> memref<128x64xf32, #tpu.memory_space<vmem>>
      %dma_start3A_90 = arith.constant 0 : i32
      %dma_start3A_91 = tpu.memref_slice %arg11[%dma_start3A_84, %dma_start3A_90] : memref<4x128xi32, #tpu.memory_space<vmem>> -> memref<1x128xi32, #tpu.memory_space<vmem>>
      %dma_start3A_92 = tpu.memref_squeeze %dma_start3A_91 : memref<1x128xi32, #tpu.memory_space<vmem>> -> memref<128xi32, #tpu.memory_space<vmem>>
      %dma_start3A_93 = arith.constant 0 : i32
      %dma_start3A_94 = arith.constant 0 : i32
      %dma_start3A_95 = tpu.memref_slice %arg2[%dma_start3A_93, %dma_start3A_94] : memref<10000x64xf32, #tpu.memory_space<hbm>> -> memref<10000x64xf32, #tpu.memory_space<hbm>>
      tpu.enqueue_indirect_dma source(%dma_start3A_95 : memref<10000x64xf32, #tpu.memory_space<hbm>>) target(%dma_start3A_89 : memref<128x64xf32, #tpu.memory_space<vmem>>) offsets(%dma_start3A_92 : memref<128xi32, #tpu.memory_space<vmem>>) semaphore(%arg15 : memref<!tpu.dma_semaphore, #tpu.memory_space<semaphore_mem>>)
      %dma_start3A_96 = arith.constant 1 : i32
      %dma_start3A_97 = arith.constant 1 : i32
      %dma_start3A_98 = arith.constant 0 : i32
      %dma_start3A_99 = arith.constant 0 : i32
      %dma_start3A_100 = tpu.memref_slice %arg13[%dma_start3A_97, %dma_start3A_98, %dma_start3A_99] : memref<4x128x64xf32, #tpu.memory_space<vmem>> -> memref<1x128x64xf32, #tpu.memory_space<vmem>>
      %dma_start3A_101 = tpu.memref_squeeze %dma_start3A_100 : memref<1x128x64xf32, #tpu.memory_space<vmem>> -> memref<128x64xf32, #tpu.memory_space<vmem>>
      %dma_start3A_102 = arith.constant 0 : i32
      %dma_start3A_103 = tpu.memref_slice %arg11[%dma_start3A_96, %dma_start3A_102] : memref<4x128xi32, #tpu.memory_space<vmem>> -> memref<1x128xi32, #tpu.memory_space<vmem>>
      %dma_start3A_104 = tpu.memref_squeeze %dma_start3A_103 : memref<1x128xi32, #tpu.memory_space<vmem>> -> memref<128xi32, #tpu.memory_space<vmem>>
      %dma_start3A_105 = arith.constant 0 : i32
      %dma_start3A_106 = arith.constant 0 : i32
      %dma_start3A_107 = tpu.memref_slice %arg2[%dma_start3A_105, %dma_start3A_106] : memref<10000x64xf32, #tpu.memory_space<hbm>> -> memref<10000x64xf32, #tpu.memory_space<hbm>>
      tpu.enqueue_indirect_dma source(%dma_start3A_107 : memref<10000x64xf32, #tpu.memory_space<hbm>>) target(%dma_start3A_101 : memref<128x64xf32, #tpu.memory_space<vmem>>) offsets(%dma_start3A_104 : memref<128xi32, #tpu.memory_space<vmem>>) semaphore(%arg15 : memref<!tpu.dma_semaphore, #tpu.memory_space<semaphore_mem>>)
      %dma_start3A_108 = arith.constant 2 : i32
      %dma_start3A_109 = arith.constant 2 : i32
      %dma_start3A_110 = arith.constant 0 : i32
      %dma_start3A_111 = arith.constant 0 : i32
      %dma_start3A_112 = tpu.memref_slice %arg13[%dma_start3A_109, %dma_start3A_110, %dma_start3A_111] : memref<4x128x64xf32, #tpu.memory_space<vmem>> -> memref<1x128x64xf32, #tpu.memory_space<vmem>>
      %dma_start3A_113 = tpu.memref_squeeze %dma_start3A_112 : memref<1x128x64xf32, #tpu.memory_space<vmem>> -> memref<128x64xf32, #tpu.memory_space<vmem>>
      %dma_start3A_114 = arith.constant 0 : i32
      %dma_start3A_115 = tpu.memref_slice %arg11[%dma_start3A_108, %dma_start3A_114] : memref<4x128xi32, #tpu.memory_space<vmem>> -> memref<1x128xi32, #tpu.memory_space<vmem>>
      %dma_start3A_116 = tpu.memref_squeeze %dma_start3A_115 : memref<1x128xi32, #tpu.memory_space<vmem>> -> memref<128xi32, #tpu.memory_space<vmem>>
      %dma_start3A_117 = arith.constant 0 : i32
      %dma_start3A_118 = arith.constant 0 : i32
      %dma_start3A_119 = tpu.memref_slice %arg2[%dma_start3A_117, %dma_start3A_118] : memref<10000x64xf32, #tpu.memory_space<hbm>> -> memref<10000x64xf32, #tpu.memory_space<hbm>>
      tpu.enqueue_indirect_dma source(%dma_start3A_119 : memref<10000x64xf32, #tpu.memory_space<hbm>>) target(%dma_start3A_113 : memref<128x64xf32, #tpu.memory_space<vmem>>) offsets(%dma_start3A_116 : memref<128xi32, #tpu.memory_space<vmem>>) semaphore(%arg15 : memref<!tpu.dma_semaphore, #tpu.memory_space<semaphore_mem>>)
      %dma_start3A_120 = arith.constant 3 : i32
      %dma_start3A_121 = arith.constant 3 : i32
      %dma_start3A_122 = arith.constant 0 : i32
      %dma_start3A_123 = arith.constant 0 : i32
      %dma_start3A_124 = tpu.memref_slice %arg13[%dma_start3A_121, %dma_start3A_122, %dma_start3A_123] : memref<4x128x64xf32, #tpu.memory_space<vmem>> -> memref<1x128x64xf32, #tpu.memory_space<vmem>>
      %dma_start3A_125 = tpu.memref_squeeze %dma_start3A_124 : memref<1x128x64xf32, #tpu.memory_space<vmem>> -> memref<128x64xf32, #tpu.memory_space<vmem>>
      %dma_start3A_126 = arith.constant 0 : i32
      %dma_start3A_127 = tpu.memref_slice %arg11[%dma_start3A_120, %dma_start3A_126] : memref<4x128xi32, #tpu.memory_space<vmem>> -> memref<1x128xi32, #tpu.memory_space<vmem>>
      %dma_start3A_128 = tpu.memref_squeeze %dma_start3A_127 : memref<1x128xi32, #tpu.memory_space<vmem>> -> memref<128xi32, #tpu.memory_space<vmem>>
      %dma_start3A_129 = arith.constant 0 : i32
      %dma_start3A_130 = arith.constant 0 : i32
      %dma_start3A_131 = tpu.memref_slice %arg2[%dma_start3A_129, %dma_start3A_130] : memref<10000x64xf32, #tpu.memory_space<hbm>> -> memref<10000x64xf32, #tpu.memory_space<hbm>>
      tpu.enqueue_indirect_dma source(%dma_start3A_131 : memref<10000x64xf32, #tpu.memory_space<hbm>>) target(%dma_start3A_125 : memref<128x64xf32, #tpu.memory_space<vmem>>) offsets(%dma_start3A_128 : memref<128xi32, #tpu.memory_space<vmem>>) semaphore(%arg15 : memref<!tpu.dma_semaphore, #tpu.memory_space<semaphore_mem>>)
      %dma_wait3A_132 = arith.constant 0 : i32
      %dma_wait3A_133 = arith.constant 0 : i32
      %dma_wait3A_134 = arith.constant 0 : i32
      %dma_wait3A_135 = arith.constant 0 : i32
      %dma_wait3A_136 = tpu.memref_slice %arg13[%dma_wait3A_133, %dma_wait3A_134, %dma_wait3A_135] : memref<4x128x64xf32, #tpu.memory_space<vmem>> -> memref<1x128x64xf32, #tpu.memory_space<vmem>>
      %dma_wait3A_137 = tpu.memref_squeeze %dma_wait3A_136 : memref<1x128x64xf32, #tpu.memory_space<vmem>> -> memref<128x64xf32, #tpu.memory_space<vmem>>
      %dma_wait3A_138 = arith.constant 0 : i32
      %dma_wait3A_139 = tpu.memref_slice %arg11[%dma_wait3A_132, %dma_wait3A_138] : memref<4x128xi32, #tpu.memory_space<vmem>> -> memref<1x128xi32, #tpu.memory_space<vmem>>
      %dma_wait3A_140 = tpu.memref_squeeze %dma_wait3A_139 : memref<1x128xi32, #tpu.memory_space<vmem>> -> memref<128xi32, #tpu.memory_space<vmem>>
      %dma_wait3A_141 = arith.constant 0 : i32
      %dma_wait3A_142 = arith.constant 0 : i32
      %dma_wait3A_143 = tpu.memref_slice %arg2[%dma_wait3A_141, %dma_wait3A_142] : memref<10000x64xf32, #tpu.memory_space<hbm>> -> memref<10000x64xf32, #tpu.memory_space<hbm>>
      tpu.wait_indirect_dma semaphore(%arg15 : memref<!tpu.dma_semaphore, #tpu.memory_space<semaphore_mem>>) src(%dma_wait3A_143 : memref<10000x64xf32, #tpu.memory_space<hbm>>) dst(%dma_wait3A_137 : memref<128x64xf32, #tpu.memory_space<vmem>>)
      %dma_wait3A_144 = arith.constant 1 : i32
      %dma_wait3A_145 = arith.constant 1 : i32
      %dma_wait3A_146 = arith.constant 0 : i32
      %dma_wait3A_147 = arith.constant 0 : i32
      %dma_wait3A_148 = tpu.memref_slice %arg13[%dma_wait3A_145, %dma_wait3A_146, %dma_wait3A_147] : memref<4x128x64xf32, #tpu.memory_space<vmem>> -> memref<1x128x64xf32, #tpu.memory_space<vmem>>
      %dma_wait3A_149 = tpu.memref_squeeze %dma_wait3A_148 : memref<1x128x64xf32, #tpu.memory_space<vmem>> -> memref<128x64xf32, #tpu.memory_space<vmem>>
      %dma_wait3A_150 = arith.constant 0 : i32
      %dma_wait3A_151 = tpu.memref_slice %arg11[%dma_wait3A_144, %dma_wait3A_150] : memref<4x128xi32, #tpu.memory_space<vmem>> -> memref<1x128xi32, #tpu.memory_space<vmem>>
      %dma_wait3A_152 = tpu.memref_squeeze %dma_wait3A_151 : memref<1x128xi32, #tpu.memory_space<vmem>> -> memref<128xi32, #tpu.memory_space<vmem>>
      %dma_wait3A_153 = arith.constant 0 : i32
      %dma_wait3A_154 = arith.constant 0 : i32
      %dma_wait3A_155 = tpu.memref_slice %arg2[%dma_wait3A_153, %dma_wait3A_154] : memref<10000x64xf32, #tpu.memory_space<hbm>> -> memref<10000x64xf32, #tpu.memory_space<hbm>>
      tpu.wait_indirect_dma semaphore(%arg15 : memref<!tpu.dma_semaphore, #tpu.memory_space<semaphore_mem>>) src(%dma_wait3A_155 : memref<10000x64xf32, #tpu.memory_space<hbm>>) dst(%dma_wait3A_149 : memref<128x64xf32, #tpu.memory_space<vmem>>)
      %dma_wait3A_156 = arith.constant 2 : i32
      %dma_wait3A_157 = arith.constant 2 : i32
      %dma_wait3A_158 = arith.constant 0 : i32
      %dma_wait3A_159 = arith.constant 0 : i32
      %dma_wait3A_160 = tpu.memref_slice %arg13[%dma_wait3A_157, %dma_wait3A_158, %dma_wait3A_159] : memref<4x128x64xf32, #tpu.memory_space<vmem>> -> memref<1x128x64xf32, #tpu.memory_space<vmem>>
      %dma_wait3A_161 = tpu.memref_squeeze %dma_wait3A_160 : memref<1x128x64xf32, #tpu.memory_space<vmem>> -> memref<128x64xf32, #tpu.memory_space<vmem>>
      %dma_wait3A_162 = arith.constant 0 : i32
      %dma_wait3A_163 = tpu.memref_slice %arg11[%dma_wait3A_156, %dma_wait3A_162] : memref<4x128xi32, #tpu.memory_space<vmem>> -> memref<1x128xi32, #tpu.memory_space<vmem>>
      %dma_wait3A_164 = tpu.memref_squeeze %dma_wait3A_163 : memref<1x128xi32, #tpu.memory_space<vmem>> -> memref<128xi32, #tpu.memory_space<vmem>>
      %dma_wait3A_165 = arith.constant 0 : i32
      %dma_wait3A_166 = arith.constant 0 : i32
      %dma_wait3A_167 = tpu.memref_slice %arg2[%dma_wait3A_165, %dma_wait3A_166] : memref<10000x64xf32, #tpu.memory_space<hbm>> -> memref<10000x64xf32, #tpu.memory_space<hbm>>
      tpu.wait_indirect_dma semaphore(%arg15 : memref<!tpu.dma_semaphore, #tpu.memory_space<semaphore_mem>>) src(%dma_wait3A_167 : memref<10000x64xf32, #tpu.memory_space<hbm>>) dst(%dma_wait3A_161 : memref<128x64xf32, #tpu.memory_space<vmem>>)
      %dma_wait3A_168 = arith.constant 3 : i32
      %dma_wait3A_169 = arith.constant 3 : i32
      %dma_wait3A_170 = arith.constant 0 : i32
      %dma_wait3A_171 = arith.constant 0 : i32
      %dma_wait3A_172 = tpu.memref_slice %arg13[%dma_wait3A_169, %dma_wait3A_170, %dma_wait3A_171] : memref<4x128x64xf32, #tpu.memory_space<vmem>> -> memref<1x128x64xf32, #tpu.memory_space<vmem>>
      %dma_wait3A_173 = tpu.memref_squeeze %dma_wait3A_172 : memref<1x128x64xf32, #tpu.memory_space<vmem>> -> memref<128x64xf32, #tpu.memory_space<vmem>>
      %dma_wait3A_174 = arith.constant 0 : i32
      %dma_wait3A_175 = tpu.memref_slice %arg11[%dma_wait3A_168, %dma_wait3A_174] : memref<4x128xi32, #tpu.memory_space<vmem>> -> memref<1x128xi32, #tpu.memory_space<vmem>>
      %dma_wait3A_176 = tpu.memref_squeeze %dma_wait3A_175 : memref<1x128xi32, #tpu.memory_space<vmem>> -> memref<128xi32, #tpu.memory_space<vmem>>
      %dma_wait3A_177 = arith.constant 0 : i32
      %dma_wait3A_178 = arith.constant 0 : i32
      %dma_wait3A_179 = tpu.memref_slice %arg2[%dma_wait3A_177, %dma_wait3A_178] : memref<10000x64xf32, #tpu.memory_space<hbm>> -> memref<10000x64xf32, #tpu.memory_space<hbm>>
      tpu.wait_indirect_dma semaphore(%arg15 : memref<!tpu.dma_semaphore, #tpu.memory_space<semaphore_mem>>) src(%dma_wait3A_179 : memref<10000x64xf32, #tpu.memory_space<hbm>>) dst(%dma_wait3A_173 : memref<128x64xf32, #tpu.memory_space<vmem>>)
      %dma_start3A_180 = arith.constant 0 : i32
      %dma_start3A_181 = arith.constant 0 : i32
      %dma_start3A_182 = arith.constant 0 : i32
      %dma_start3A_183 = arith.constant 0 : i32
      %dma_start3A_184 = tpu.memref_slice %arg13[%dma_start3A_180, %dma_start3A_182, %dma_start3A_183] : memref<4x128x64xf32, #tpu.memory_space<vmem>> -> memref<1x128x64xf32, #tpu.memory_space<vmem>>
      %dma_start3A_185 = tpu.memref_squeeze %dma_start3A_184 : memref<1x128x64xf32, #tpu.memory_space<vmem>> -> memref<128x64xf32, #tpu.memory_space<vmem>>
      %dma_start3A_186 = arith.constant 0 : i32
      %dma_start3A_187 = tpu.memref_slice %arg12[%dma_start3A_181, %dma_start3A_186] : memref<4x128xi32, #tpu.memory_space<vmem>> -> memref<1x128xi32, #tpu.memory_space<vmem>>
      %dma_start3A_188 = tpu.memref_squeeze %dma_start3A_187 : memref<1x128xi32, #tpu.memory_space<vmem>> -> memref<128xi32, #tpu.memory_space<vmem>>
      %dma_start3A_189 = arith.constant 0 : i32
      %dma_start3A_190 = arith.constant 0 : i32
      %dma_start3A_191 = tpu.memref_slice %arg10[%dma_start3A_189, %dma_start3A_190] : memref<10240x64xf32, #tpu.memory_space<vmem_shared>> -> memref<10240x64xf32, #tpu.memory_space<vmem_shared>>
      tpu.enqueue_indirect_dma source(%dma_start3A_185 : memref<128x64xf32, #tpu.memory_space<vmem>>) target(%dma_start3A_191 : memref<10240x64xf32, #tpu.memory_space<vmem_shared>>) offsets(%dma_start3A_188 : memref<128xi32, #tpu.memory_space<vmem>>) semaphore(%arg16 : memref<!tpu.dma_semaphore, #tpu.memory_space<semaphore_mem>>) {add = true}
      %dma_start3A_192 = arith.constant 1 : i32
      %dma_start3A_193 = arith.constant 1 : i32
      %dma_start3A_194 = arith.constant 0 : i32
      %dma_start3A_195 = arith.constant 0 : i32
      %dma_start3A_196 = tpu.memref_slice %arg13[%dma_start3A_192, %dma_start3A_194, %dma_start3A_195] : memref<4x128x64xf32, #tpu.memory_space<vmem>> -> memref<1x128x64xf32, #tpu.memory_space<vmem>>
      %dma_start3A_197 = tpu.memref_squeeze %dma_start3A_196 : memref<1x128x64xf32, #tpu.memory_space<vmem>> -> memref<128x64xf32, #tpu.memory_space<vmem>>
      %dma_start3A_198 = arith.constant 0 : i32
      %dma_start3A_199 = tpu.memref_slice %arg12[%dma_start3A_193, %dma_start3A_198] : memref<4x128xi32, #tpu.memory_space<vmem>> -> memref<1x128xi32, #tpu.memory_space<vmem>>
      %dma_start3A_200 = tpu.memref_squeeze %dma_start3A_199 : memref<1x128xi32, #tpu.memory_space<vmem>> -> memref<128xi32, #tpu.memory_space<vmem>>
      %dma_start3A_201 = arith.constant 0 : i32
      %dma_start3A_202 = arith.constant 0 : i32
      %dma_start3A_203 = tpu.memref_slice %arg10[%dma_start3A_201, %dma_start3A_202] : memref<10240x64xf32, #tpu.memory_space<vmem_shared>> -> memref<10240x64xf32, #tpu.memory_space<vmem_shared>>
      tpu.enqueue_indirect_dma source(%dma_start3A_197 : memref<128x64xf32, #tpu.memory_space<vmem>>) target(%dma_start3A_203 : memref<10240x64xf32, #tpu.memory_space<vmem_shared>>) offsets(%dma_start3A_200 : memref<128xi32, #tpu.memory_space<vmem>>) semaphore(%arg16 : memref<!tpu.dma_semaphore, #tpu.memory_space<semaphore_mem>>) {add = true}
      %dma_start3A_204 = arith.constant 2 : i32
      %dma_start3A_205 = arith.constant 2 : i32
      %dma_start3A_206 = arith.constant 0 : i32
      %dma_start3A_207 = arith.constant 0 : i32
      %dma_start3A_208 = tpu.memref_slice %arg13[%dma_start3A_204, %dma_start3A_206, %dma_start3A_207] : memref<4x128x64xf32, #tpu.memory_space<vmem>> -> memref<1x128x64xf32, #tpu.memory_space<vmem>>
      %dma_start3A_209 = tpu.memref_squeeze %dma_start3A_208 : memref<1x128x64xf32, #tpu.memory_space<vmem>> -> memref<128x64xf32, #tpu.memory_space<vmem>>
      %dma_start3A_210 = arith.constant 0 : i32
      %dma_start3A_211 = tpu.memref_slice %arg12[%dma_start3A_205, %dma_start3A_210] : memref<4x128xi32, #tpu.memory_space<vmem>> -> memref<1x128xi32, #tpu.memory_space<vmem>>
      %dma_start3A_212 = tpu.memref_squeeze %dma_start3A_211 : memref<1x128xi32, #tpu.memory_space<vmem>> -> memref<128xi32, #tpu.memory_space<vmem>>
      %dma_start3A_213 = arith.constant 0 : i32
      %dma_start3A_214 = arith.constant 0 : i32
      %dma_start3A_215 = tpu.memref_slice %arg10[%dma_start3A_213, %dma_start3A_214] : memref<10240x64xf32, #tpu.memory_space<vmem_shared>> -> memref<10240x64xf32, #tpu.memory_space<vmem_shared>>
      tpu.enqueue_indirect_dma source(%dma_start3A_209 : memref<128x64xf32, #tpu.memory_space<vmem>>) target(%dma_start3A_215 : memref<10240x64xf32, #tpu.memory_space<vmem_shared>>) offsets(%dma_start3A_212 : memref<128xi32, #tpu.memory_space<vmem>>) semaphore(%arg16 : memref<!tpu.dma_semaphore, #tpu.memory_space<semaphore_mem>>) {add = true}
      %dma_start3A_216 = arith.constant 3 : i32
      %dma_start3A_217 = arith.constant 3 : i32
      %dma_start3A_218 = arith.constant 0 : i32
      %dma_start3A_219 = arith.constant 0 : i32
      %dma_start3A_220 = tpu.memref_slice %arg13[%dma_start3A_216, %dma_start3A_218, %dma_start3A_219] : memref<4x128x64xf32, #tpu.memory_space<vmem>> -> memref<1x128x64xf32, #tpu.memory_space<vmem>>
      %dma_start3A_221 = tpu.memref_squeeze %dma_start3A_220 : memref<1x128x64xf32, #tpu.memory_space<vmem>> -> memref<128x64xf32, #tpu.memory_space<vmem>>
      %dma_start3A_222 = arith.constant 0 : i32
      %dma_start3A_223 = tpu.memref_slice %arg12[%dma_start3A_217, %dma_start3A_222] : memref<4x128xi32, #tpu.memory_space<vmem>> -> memref<1x128xi32, #tpu.memory_space<vmem>>
      %dma_start3A_224 = tpu.memref_squeeze %dma_start3A_223 : memref<1x128xi32, #tpu.memory_space<vmem>> -> memref<128xi32, #tpu.memory_space<vmem>>
      %dma_start3A_225 = arith.constant 0 : i32
      %dma_start3A_226 = arith.constant 0 : i32
      %dma_start3A_227 = tpu.memref_slice %arg10[%dma_start3A_225, %dma_start3A_226] : memref<10240x64xf32, #tpu.memory_space<vmem_shared>> -> memref<10240x64xf32, #tpu.memory_space<vmem_shared>>
      tpu.enqueue_indirect_dma source(%dma_start3A_221 : memref<128x64xf32, #tpu.memory_space<vmem>>) target(%dma_start3A_227 : memref<10240x64xf32, #tpu.memory_space<vmem_shared>>) offsets(%dma_start3A_224 : memref<128xi32, #tpu.memory_space<vmem>>) semaphore(%arg16 : memref<!tpu.dma_semaphore, #tpu.memory_space<semaphore_mem>>) {add = true}
      %dma_wait3A_228 = arith.constant 0 : i32
      %dma_wait3A_229 = arith.constant 0 : i32
      %dma_wait3A_230 = arith.constant 0 : i32
      %dma_wait3A_231 = arith.constant 0 : i32
      %dma_wait3A_232 = tpu.memref_slice %arg13[%dma_wait3A_228, %dma_wait3A_230, %dma_wait3A_231] : memref<4x128x64xf32, #tpu.memory_space<vmem>> -> memref<1x128x64xf32, #tpu.memory_space<vmem>>
      %dma_wait3A_233 = tpu.memref_squeeze %dma_wait3A_232 : memref<1x128x64xf32, #tpu.memory_space<vmem>> -> memref<128x64xf32, #tpu.memory_space<vmem>>
      %dma_wait3A_234 = arith.constant 0 : i32
      %dma_wait3A_235 = tpu.memref_slice %arg12[%dma_wait3A_229, %dma_wait3A_234] : memref<4x128xi32, #tpu.memory_space<vmem>> -> memref<1x128xi32, #tpu.memory_space<vmem>>
      %dma_wait3A_236 = tpu.memref_squeeze %dma_wait3A_235 : memref<1x128xi32, #tpu.memory_space<vmem>> -> memref<128xi32, #tpu.memory_space<vmem>>
      %dma_wait3A_237 = arith.constant 0 : i32
      %dma_wait3A_238 = arith.constant 0 : i32
      %dma_wait3A_239 = tpu.memref_slice %arg10[%dma_wait3A_237, %dma_wait3A_238] : memref<10240x64xf32, #tpu.memory_space<vmem_shared>> -> memref<10240x64xf32, #tpu.memory_space<vmem_shared>>
      tpu.wait_indirect_dma semaphore(%arg16 : memref<!tpu.dma_semaphore, #tpu.memory_space<semaphore_mem>>) src(%dma_wait3A_233 : memref<128x64xf32, #tpu.memory_space<vmem>>) dst(%dma_wait3A_239 : memref<10240x64xf32, #tpu.memory_space<vmem_shared>>)
      %dma_wait3A_240 = arith.constant 1 : i32
      %dma_wait3A_241 = arith.constant 1 : i32
      %dma_wait3A_242 = arith.constant 0 : i32
      %dma_wait3A_243 = arith.constant 0 : i32
      %dma_wait3A_244 = tpu.memref_slice %arg13[%dma_wait3A_240, %dma_wait3A_242, %dma_wait3A_243] : memref<4x128x64xf32, #tpu.memory_space<vmem>> -> memref<1x128x64xf32, #tpu.memory_space<vmem>>
      %dma_wait3A_245 = tpu.memref_squeeze %dma_wait3A_244 : memref<1x128x64xf32, #tpu.memory_space<vmem>> -> memref<128x64xf32, #tpu.memory_space<vmem>>
      %dma_wait3A_246 = arith.constant 0 : i32
      %dma_wait3A_247 = tpu.memref_slice %arg12[%dma_wait3A_241, %dma_wait3A_246] : memref<4x128xi32, #tpu.memory_space<vmem>> -> memref<1x128xi32, #tpu.memory_space<vmem>>
      %dma_wait3A_248 = tpu.memref_squeeze %dma_wait3A_247 : memref<1x128xi32, #tpu.memory_space<vmem>> -> memref<128xi32, #tpu.memory_space<vmem>>
      %dma_wait3A_249 = arith.constant 0 : i32
      %dma_wait3A_250 = arith.constant 0 : i32
      %dma_wait3A_251 = tpu.memref_slice %arg10[%dma_wait3A_249, %dma_wait3A_250] : memref<10240x64xf32, #tpu.memory_space<vmem_shared>> -> memref<10240x64xf32, #tpu.memory_space<vmem_shared>>
      tpu.wait_indirect_dma semaphore(%arg16 : memref<!tpu.dma_semaphore, #tpu.memory_space<semaphore_mem>>) src(%dma_wait3A_245 : memref<128x64xf32, #tpu.memory_space<vmem>>) dst(%dma_wait3A_251 : memref<10240x64xf32, #tpu.memory_space<vmem_shared>>)
      %dma_wait3A_252 = arith.constant 2 : i32
      %dma_wait3A_253 = arith.constant 2 : i32
      %dma_wait3A_254 = arith.constant 0 : i32
      %dma_wait3A_255 = arith.constant 0 : i32
      %dma_wait3A_256 = tpu.memref_slice %arg13[%dma_wait3A_252, %dma_wait3A_254, %dma_wait3A_255] : memref<4x128x64xf32, #tpu.memory_space<vmem>> -> memref<1x128x64xf32, #tpu.memory_space<vmem>>
      %dma_wait3A_257 = tpu.memref_squeeze %dma_wait3A_256 : memref<1x128x64xf32, #tpu.memory_space<vmem>> -> memref<128x64xf32, #tpu.memory_space<vmem>>
      %dma_wait3A_258 = arith.constant 0 : i32
      %dma_wait3A_259 = tpu.memref_slice %arg12[%dma_wait3A_253, %dma_wait3A_258] : memref<4x128xi32, #tpu.memory_space<vmem>> -> memref<1x128xi32, #tpu.memory_space<vmem>>
      %dma_wait3A_260 = tpu.memref_squeeze %dma_wait3A_259 : memref<1x128xi32, #tpu.memory_space<vmem>> -> memref<128xi32, #tpu.memory_space<vmem>>
      %dma_wait3A_261 = arith.constant 0 : i32
      %dma_wait3A_262 = arith.constant 0 : i32
      %dma_wait3A_263 = tpu.memref_slice %arg10[%dma_wait3A_261, %dma_wait3A_262] : memref<10240x64xf32, #tpu.memory_space<vmem_shared>> -> memref<10240x64xf32, #tpu.memory_space<vmem_shared>>
      tpu.wait_indirect_dma semaphore(%arg16 : memref<!tpu.dma_semaphore, #tpu.memory_space<semaphore_mem>>) src(%dma_wait3A_257 : memref<128x64xf32, #tpu.memory_space<vmem>>) dst(%dma_wait3A_263 : memref<10240x64xf32, #tpu.memory_space<vmem_shared>>)
      %dma_wait3A_264 = arith.constant 3 : i32
      %dma_wait3A_265 = arith.constant 3 : i32
      %dma_wait3A_266 = arith.constant 0 : i32
      %dma_wait3A_267 = arith.constant 0 : i32
      %dma_wait3A_268 = tpu.memref_slice %arg13[%dma_wait3A_264, %dma_wait3A_266, %dma_wait3A_267] : memref<4x128x64xf32, #tpu.memory_space<vmem>> -> memref<1x128x64xf32, #tpu.memory_space<vmem>>
      %dma_wait3A_269 = tpu.memref_squeeze %dma_wait3A_268 : memref<1x128x64xf32, #tpu.memory_space<vmem>> -> memref<128x64xf32, #tpu.memory_space<vmem>>
      %dma_wait3A_270 = arith.constant 0 : i32
      %dma_wait3A_271 = tpu.memref_slice %arg12[%dma_wait3A_265, %dma_wait3A_270] : memref<4x128xi32, #tpu.memory_space<vmem>> -> memref<1x128xi32, #tpu.memory_space<vmem>>
      %dma_wait3A_272 = tpu.memref_squeeze %dma_wait3A_271 : memref<1x128xi32, #tpu.memory_space<vmem>> -> memref<128xi32, #tpu.memory_space<vmem>>
      %dma_wait3A_273 = arith.constant 0 : i32
      %dma_wait3A_274 = arith.constant 0 : i32
      %dma_wait3A_275 = tpu.memref_slice %arg10[%dma_wait3A_273, %dma_wait3A_274] : memref<10240x64xf32, #tpu.memory_space<vmem_shared>> -> memref<10240x64xf32, #tpu.memory_space<vmem_shared>>
      tpu.wait_indirect_dma semaphore(%arg16 : memref<!tpu.dma_semaphore, #tpu.memory_space<semaphore_mem>>) src(%dma_wait3A_269 : memref<128x64xf32, #tpu.memory_space<vmem>>) dst(%dma_wait3A_275 : memref<10240x64xf32, #tpu.memory_space<vmem_shared>>)
    }
    %while3A_74 = arith.constant 1 : i32
    scf.for %while3A_80 = %while3A_72 to %while3A_68 step %while3A_74  : i32 {
      %mul3A_81 = arith.constant 4 : i32
      %mul3A_82 = arith.muli %while3A_80, %mul3A_81 : i32
      %add3A_83 = arith.addi %select_n3A_64, %mul3A_82 : i32
      "tpu.region"() ({
        %run_scoped3A = tpu.sem_alloc : memref<!tpu.dma_semaphore, #tpu.memory_space<semaphore_mem>>
        %dma_start3A_276 = arith.constant 0 : i32
        %dma_start3A_277 = tpu.memref_slice %arg5[%add3A_83, %dma_start3A_276] : memref<1280x128xi32, #tpu.memory_space<hbm>> -> memref<4x128xi32, #tpu.memory_space<hbm>>
        %dma_start3A_278 = arith.constant 0 : i32
        %dma_start3A_279 = tpu.memref_slice %arg5[%add3A_83, %dma_start3A_278] : memref<1280x128xi32, #tpu.memory_space<hbm>> -> memref<4x128xi32, #tpu.memory_space<hbm>>
        tpu.enqueue_dma source(%dma_start3A_279 : memref<4x128xi32, #tpu.memory_space<hbm>>) target(%arg11 : memref<4x128xi32, #tpu.memory_space<vmem>>) target_semaphore(%run_scoped3A : memref<!tpu.dma_semaphore, #tpu.memory_space<semaphore_mem>>)
        %dma_wait3A_280 = arith.constant 0 : i32
        %dma_wait3A_281 = tpu.memref_slice %arg5[%add3A_83, %dma_wait3A_280] : memref<1280x128xi32, #tpu.memory_space<hbm>> -> memref<4x128xi32, #tpu.memory_space<hbm>>
        %dma_wait3A_282 = arith.constant 0 : i32
        %dma_wait3A_283 = tpu.memref_slice %arg5[%add3A_83, %dma_wait3A_282] : memref<1280x128xi32, #tpu.memory_space<hbm>> -> memref<4x128xi32, #tpu.memory_space<hbm>>
        tpu.wait_dma2 semaphore(%run_scoped3A : memref<!tpu.dma_semaphore, #tpu.memory_space<semaphore_mem>>) src(%dma_wait3A_283 : memref<4x128xi32, #tpu.memory_space<hbm>>) dst(%arg11 : memref<4x128xi32, #tpu.memory_space<vmem>>)
        tpu.yield
      }) : () -> ()
      "tpu.region"() ({
        %run_scoped3A = tpu.sem_alloc : memref<!tpu.dma_semaphore, #tpu.memory_space<semaphore_mem>>
        %dma_start3A_276 = arith.constant 0 : i32
        %dma_start3A_277 = tpu.memref_slice %arg6[%add3A_83, %dma_start3A_276] : memref<1280x128xi32, #tpu.memory_space<hbm>> -> memref<4x128xi32, #tpu.memory_space<hbm>>
        %dma_start3A_278 = arith.constant 0 : i32
        %dma_start3A_279 = tpu.memref_slice %arg6[%add3A_83, %dma_start3A_278] : memref<1280x128xi32, #tpu.memory_space<hbm>> -> memref<4x128xi32, #tpu.memory_space<hbm>>
        tpu.enqueue_dma source(%dma_start3A_279 : memref<4x128xi32, #tpu.memory_space<hbm>>) target(%arg12 : memref<4x128xi32, #tpu.memory_space<vmem>>) target_semaphore(%run_scoped3A : memref<!tpu.dma_semaphore, #tpu.memory_space<semaphore_mem>>)
        %dma_wait3A_280 = arith.constant 0 : i32
        %dma_wait3A_281 = tpu.memref_slice %arg6[%add3A_83, %dma_wait3A_280] : memref<1280x128xi32, #tpu.memory_space<hbm>> -> memref<4x128xi32, #tpu.memory_space<hbm>>
        %dma_wait3A_282 = arith.constant 0 : i32
        %dma_wait3A_283 = tpu.memref_slice %arg6[%add3A_83, %dma_wait3A_282] : memref<1280x128xi32, #tpu.memory_space<hbm>> -> memref<4x128xi32, #tpu.memory_space<hbm>>
        tpu.wait_dma2 semaphore(%run_scoped3A : memref<!tpu.dma_semaphore, #tpu.memory_space<semaphore_mem>>) src(%dma_wait3A_283 : memref<4x128xi32, #tpu.memory_space<hbm>>) dst(%arg12 : memref<4x128xi32, #tpu.memory_space<vmem>>)
        tpu.yield
      }) : () -> ()
      %dma_start3A_84 = arith.constant 0 : i32
      %dma_start3A_85 = arith.constant 0 : i32
      %dma_start3A_86 = arith.constant 0 : i32
      %dma_start3A_87 = arith.constant 0 : i32
      %dma_start3A_88 = tpu.memref_slice %arg13[%dma_start3A_85, %dma_start3A_86, %dma_start3A_87] : memref<4x128x64xf32, #tpu.memory_space<vmem>> -> memref<1x128x64xf32, #tpu.memory_space<vmem>>
      %dma_start3A_89 = tpu.memref_squeeze %dma_start3A_88 : memref<1x128x64xf32, #tpu.memory_space<vmem>> -> memref<128x64xf32, #tpu.memory_space<vmem>>
      %dma_start3A_90 = arith.constant 0 : i32
      %dma_start3A_91 = tpu.memref_slice %arg11[%dma_start3A_84, %dma_start3A_90] : memref<4x128xi32, #tpu.memory_space<vmem>> -> memref<1x128xi32, #tpu.memory_space<vmem>>
      %dma_start3A_92 = tpu.memref_squeeze %dma_start3A_91 : memref<1x128xi32, #tpu.memory_space<vmem>> -> memref<128xi32, #tpu.memory_space<vmem>>
      %dma_start3A_93 = arith.constant 0 : i32
      %dma_start3A_94 = arith.constant 0 : i32
      %dma_start3A_95 = tpu.memref_slice %arg2[%dma_start3A_93, %dma_start3A_94] : memref<10000x64xf32, #tpu.memory_space<hbm>> -> memref<10000x64xf32, #tpu.memory_space<hbm>>
      tpu.enqueue_indirect_dma source(%dma_start3A_95 : memref<10000x64xf32, #tpu.memory_space<hbm>>) target(%dma_start3A_89 : memref<128x64xf32, #tpu.memory_space<vmem>>) offsets(%dma_start3A_92 : memref<128xi32, #tpu.memory_space<vmem>>) semaphore(%arg15 : memref<!tpu.dma_semaphore, #tpu.memory_space<semaphore_mem>>)
      %dma_start3A_96 = arith.constant 1 : i32
      %dma_start3A_97 = arith.constant 1 : i32
      %dma_start3A_98 = arith.constant 0 : i32
      %dma_start3A_99 = arith.constant 0 : i32
      %dma_start3A_100 = tpu.memref_slice %arg13[%dma_start3A_97, %dma_start3A_98, %dma_start3A_99] : memref<4x128x64xf32, #tpu.memory_space<vmem>> -> memref<1x128x64xf32, #tpu.memory_space<vmem>>
      %dma_start3A_101 = tpu.memref_squeeze %dma_start3A_100 : memref<1x128x64xf32, #tpu.memory_space<vmem>> -> memref<128x64xf32, #tpu.memory_space<vmem>>
      %dma_start3A_102 = arith.constant 0 : i32
      %dma_start3A_103 = tpu.memref_slice %arg11[%dma_start3A_96, %dma_start3A_102] : memref<4x128xi32, #tpu.memory_space<vmem>> -> memref<1x128xi32, #tpu.memory_space<vmem>>
      %dma_start3A_104 = tpu.memref_squeeze %dma_start3A_103 : memref<1x128xi32, #tpu.memory_space<vmem>> -> memref<128xi32, #tpu.memory_space<vmem>>
      %dma_start3A_105 = arith.constant 0 : i32
      %dma_start3A_106 = arith.constant 0 : i32
      %dma_start3A_107 = tpu.memref_slice %arg2[%dma_start3A_105, %dma_start3A_106] : memref<10000x64xf32, #tpu.memory_space<hbm>> -> memref<10000x64xf32, #tpu.memory_space<hbm>>
      tpu.enqueue_indirect_dma source(%dma_start3A_107 : memref<10000x64xf32, #tpu.memory_space<hbm>>) target(%dma_start3A_101 : memref<128x64xf32, #tpu.memory_space<vmem>>) offsets(%dma_start3A_104 : memref<128xi32, #tpu.memory_space<vmem>>) semaphore(%arg15 : memref<!tpu.dma_semaphore, #tpu.memory_space<semaphore_mem>>)
      %dma_start3A_108 = arith.constant 2 : i32
      %dma_start3A_109 = arith.constant 2 : i32
      %dma_start3A_110 = arith.constant 0 : i32
      %dma_start3A_111 = arith.constant 0 : i32
      %dma_start3A_112 = tpu.memref_slice %arg13[%dma_start3A_109, %dma_start3A_110, %dma_start3A_111] : memref<4x128x64xf32, #tpu.memory_space<vmem>> -> memref<1x128x64xf32, #tpu.memory_space<vmem>>
      %dma_start3A_113 = tpu.memref_squeeze %dma_start3A_112 : memref<1x128x64xf32, #tpu.memory_space<vmem>> -> memref<128x64xf32, #tpu.memory_space<vmem>>
      %dma_start3A_114 = arith.constant 0 : i32
      %dma_start3A_115 = tpu.memref_slice %arg11[%dma_start3A_108, %dma_start3A_114] : memref<4x128xi32, #tpu.memory_space<vmem>> -> memref<1x128xi32, #tpu.memory_space<vmem>>
      %dma_start3A_116 = tpu.memref_squeeze %dma_start3A_115 : memref<1x128xi32, #tpu.memory_space<vmem>> -> memref<128xi32, #tpu.memory_space<vmem>>
      %dma_start3A_117 = arith.constant 0 : i32
      %dma_start3A_118 = arith.constant 0 : i32
      %dma_start3A_119 = tpu.memref_slice %arg2[%dma_start3A_117, %dma_start3A_118] : memref<10000x64xf32, #tpu.memory_space<hbm>> -> memref<10000x64xf32, #tpu.memory_space<hbm>>
      tpu.enqueue_indirect_dma source(%dma_start3A_119 : memref<10000x64xf32, #tpu.memory_space<hbm>>) target(%dma_start3A_113 : memref<128x64xf32, #tpu.memory_space<vmem>>) offsets(%dma_start3A_116 : memref<128xi32, #tpu.memory_space<vmem>>) semaphore(%arg15 : memref<!tpu.dma_semaphore, #tpu.memory_space<semaphore_mem>>)
      %dma_start3A_120 = arith.constant 3 : i32
      %dma_start3A_121 = arith.constant 3 : i32
      %dma_start3A_122 = arith.constant 0 : i32
      %dma_start3A_123 = arith.constant 0 : i32
      %dma_start3A_124 = tpu.memref_slice %arg13[%dma_start3A_121, %dma_start3A_122, %dma_start3A_123] : memref<4x128x64xf32, #tpu.memory_space<vmem>> -> memref<1x128x64xf32, #tpu.memory_space<vmem>>
      %dma_start3A_125 = tpu.memref_squeeze %dma_start3A_124 : memref<1x128x64xf32, #tpu.memory_space<vmem>> -> memref<128x64xf32, #tpu.memory_space<vmem>>
      %dma_start3A_126 = arith.constant 0 : i32
      %dma_start3A_127 = tpu.memref_slice %arg11[%dma_start3A_120, %dma_start3A_126] : memref<4x128xi32, #tpu.memory_space<vmem>> -> memref<1x128xi32, #tpu.memory_space<vmem>>
      %dma_start3A_128 = tpu.memref_squeeze %dma_start3A_127 : memref<1x128xi32, #tpu.memory_space<vmem>> -> memref<128xi32, #tpu.memory_space<vmem>>
      %dma_start3A_129 = arith.constant 0 : i32
      %dma_start3A_130 = arith.constant 0 : i32
      %dma_start3A_131 = tpu.memref_slice %arg2[%dma_start3A_129, %dma_start3A_130] : memref<10000x64xf32, #tpu.memory_space<hbm>> -> memref<10000x64xf32, #tpu.memory_space<hbm>>
      tpu.enqueue_indirect_dma source(%dma_start3A_131 : memref<10000x64xf32, #tpu.memory_space<hbm>>) target(%dma_start3A_125 : memref<128x64xf32, #tpu.memory_space<vmem>>) offsets(%dma_start3A_128 : memref<128xi32, #tpu.memory_space<vmem>>) semaphore(%arg15 : memref<!tpu.dma_semaphore, #tpu.memory_space<semaphore_mem>>)
      %dma_wait3A_132 = arith.constant 0 : i32
      %dma_wait3A_133 = arith.constant 0 : i32
      %dma_wait3A_134 = arith.constant 0 : i32
      %dma_wait3A_135 = arith.constant 0 : i32
      %dma_wait3A_136 = tpu.memref_slice %arg13[%dma_wait3A_133, %dma_wait3A_134, %dma_wait3A_135] : memref<4x128x64xf32, #tpu.memory_space<vmem>> -> memref<1x128x64xf32, #tpu.memory_space<vmem>>
      %dma_wait3A_137 = tpu.memref_squeeze %dma_wait3A_136 : memref<1x128x64xf32, #tpu.memory_space<vmem>> -> memref<128x64xf32, #tpu.memory_space<vmem>>
      %dma_wait3A_138 = arith.constant 0 : i32
      %dma_wait3A_139 = tpu.memref_slice %arg11[%dma_wait3A_132, %dma_wait3A_138] : memref<4x128xi32, #tpu.memory_space<vmem>> -> memref<1x128xi32, #tpu.memory_space<vmem>>
      %dma_wait3A_140 = tpu.memref_squeeze %dma_wait3A_139 : memref<1x128xi32, #tpu.memory_space<vmem>> -> memref<128xi32, #tpu.memory_space<vmem>>
      %dma_wait3A_141 = arith.constant 0 : i32
      %dma_wait3A_142 = arith.constant 0 : i32
      %dma_wait3A_143 = tpu.memref_slice %arg2[%dma_wait3A_141, %dma_wait3A_142] : memref<10000x64xf32, #tpu.memory_space<hbm>> -> memref<10000x64xf32, #tpu.memory_space<hbm>>
      tpu.wait_indirect_dma semaphore(%arg15 : memref<!tpu.dma_semaphore, #tpu.memory_space<semaphore_mem>>) src(%dma_wait3A_143 : memref<10000x64xf32, #tpu.memory_space<hbm>>) dst(%dma_wait3A_137 : memref<128x64xf32, #tpu.memory_space<vmem>>)
      %dma_wait3A_144 = arith.constant 1 : i32
      %dma_wait3A_145 = arith.constant 1 : i32
      %dma_wait3A_146 = arith.constant 0 : i32
      %dma_wait3A_147 = arith.constant 0 : i32
      %dma_wait3A_148 = tpu.memref_slice %arg13[%dma_wait3A_145, %dma_wait3A_146, %dma_wait3A_147] : memref<4x128x64xf32, #tpu.memory_space<vmem>> -> memref<1x128x64xf32, #tpu.memory_space<vmem>>
      %dma_wait3A_149 = tpu.memref_squeeze %dma_wait3A_148 : memref<1x128x64xf32, #tpu.memory_space<vmem>> -> memref<128x64xf32, #tpu.memory_space<vmem>>
      %dma_wait3A_150 = arith.constant 0 : i32
      %dma_wait3A_151 = tpu.memref_slice %arg11[%dma_wait3A_144, %dma_wait3A_150] : memref<4x128xi32, #tpu.memory_space<vmem>> -> memref<1x128xi32, #tpu.memory_space<vmem>>
      %dma_wait3A_152 = tpu.memref_squeeze %dma_wait3A_151 : memref<1x128xi32, #tpu.memory_space<vmem>> -> memref<128xi32, #tpu.memory_space<vmem>>
      %dma_wait3A_153 = arith.constant 0 : i32
      %dma_wait3A_154 = arith.constant 0 : i32
      %dma_wait3A_155 = tpu.memref_slice %arg2[%dma_wait3A_153, %dma_wait3A_154] : memref<10000x64xf32, #tpu.memory_space<hbm>> -> memref<10000x64xf32, #tpu.memory_space<hbm>>
      tpu.wait_indirect_dma semaphore(%arg15 : memref<!tpu.dma_semaphore, #tpu.memory_space<semaphore_mem>>) src(%dma_wait3A_155 : memref<10000x64xf32, #tpu.memory_space<hbm>>) dst(%dma_wait3A_149 : memref<128x64xf32, #tpu.memory_space<vmem>>)
      %dma_wait3A_156 = arith.constant 2 : i32
      %dma_wait3A_157 = arith.constant 2 : i32
      %dma_wait3A_158 = arith.constant 0 : i32
      %dma_wait3A_159 = arith.constant 0 : i32
      %dma_wait3A_160 = tpu.memref_slice %arg13[%dma_wait3A_157, %dma_wait3A_158, %dma_wait3A_159] : memref<4x128x64xf32, #tpu.memory_space<vmem>> -> memref<1x128x64xf32, #tpu.memory_space<vmem>>
      %dma_wait3A_161 = tpu.memref_squeeze %dma_wait3A_160 : memref<1x128x64xf32, #tpu.memory_space<vmem>> -> memref<128x64xf32, #tpu.memory_space<vmem>>
      %dma_wait3A_162 = arith.constant 0 : i32
      %dma_wait3A_163 = tpu.memref_slice %arg11[%dma_wait3A_156, %dma_wait3A_162] : memref<4x128xi32, #tpu.memory_space<vmem>> -> memref<1x128xi32, #tpu.memory_space<vmem>>
      %dma_wait3A_164 = tpu.memref_squeeze %dma_wait3A_163 : memref<1x128xi32, #tpu.memory_space<vmem>> -> memref<128xi32, #tpu.memory_space<vmem>>
      %dma_wait3A_165 = arith.constant 0 : i32
      %dma_wait3A_166 = arith.constant 0 : i32
      %dma_wait3A_167 = tpu.memref_slice %arg2[%dma_wait3A_165, %dma_wait3A_166] : memref<10000x64xf32, #tpu.memory_space<hbm>> -> memref<10000x64xf32, #tpu.memory_space<hbm>>
      tpu.wait_indirect_dma semaphore(%arg15 : memref<!tpu.dma_semaphore, #tpu.memory_space<semaphore_mem>>) src(%dma_wait3A_167 : memref<10000x64xf32, #tpu.memory_space<hbm>>) dst(%dma_wait3A_161 : memref<128x64xf32, #tpu.memory_space<vmem>>)
      %dma_wait3A_168 = arith.constant 3 : i32
      %dma_wait3A_169 = arith.constant 3 : i32
      %dma_wait3A_170 = arith.constant 0 : i32
      %dma_wait3A_171 = arith.constant 0 : i32
      %dma_wait3A_172 = tpu.memref_slice %arg13[%dma_wait3A_169, %dma_wait3A_170, %dma_wait3A_171] : memref<4x128x64xf32, #tpu.memory_space<vmem>> -> memref<1x128x64xf32, #tpu.memory_space<vmem>>
      %dma_wait3A_173 = tpu.memref_squeeze %dma_wait3A_172 : memref<1x128x64xf32, #tpu.memory_space<vmem>> -> memref<128x64xf32, #tpu.memory_space<vmem>>
      %dma_wait3A_174 = arith.constant 0 : i32
      %dma_wait3A_175 = tpu.memref_slice %arg11[%dma_wait3A_168, %dma_wait3A_174] : memref<4x128xi32, #tpu.memory_space<vmem>> -> memref<1x128xi32, #tpu.memory_space<vmem>>
      %dma_wait3A_176 = tpu.memref_squeeze %dma_wait3A_175 : memref<1x128xi32, #tpu.memory_space<vmem>> -> memref<128xi32, #tpu.memory_space<vmem>>
      %dma_wait3A_177 = arith.constant 0 : i32
      %dma_wait3A_178 = arith.constant 0 : i32
      %dma_wait3A_179 = tpu.memref_slice %arg2[%dma_wait3A_177, %dma_wait3A_178] : memref<10000x64xf32, #tpu.memory_space<hbm>> -> memref<10000x64xf32, #tpu.memory_space<hbm>>
      tpu.wait_indirect_dma semaphore(%arg15 : memref<!tpu.dma_semaphore, #tpu.memory_space<semaphore_mem>>) src(%dma_wait3A_179 : memref<10000x64xf32, #tpu.memory_space<hbm>>) dst(%dma_wait3A_173 : memref<128x64xf32, #tpu.memory_space<vmem>>)
      %dma_start3A_180 = arith.constant 0 : i32
      %dma_start3A_181 = arith.constant 0 : i32
      %dma_start3A_182 = arith.constant 0 : i32
      %dma_start3A_183 = arith.constant 0 : i32
      %dma_start3A_184 = tpu.memref_slice %arg13[%dma_start3A_180, %dma_start3A_182, %dma_start3A_183] : memref<4x128x64xf32, #tpu.memory_space<vmem>> -> memref<1x128x64xf32, #tpu.memory_space<vmem>>
      %dma_start3A_185 = tpu.memref_squeeze %dma_start3A_184 : memref<1x128x64xf32, #tpu.memory_space<vmem>> -> memref<128x64xf32, #tpu.memory_space<vmem>>
      %dma_start3A_186 = arith.constant 0 : i32
      %dma_start3A_187 = tpu.memref_slice %arg12[%dma_start3A_181, %dma_start3A_186] : memref<4x128xi32, #tpu.memory_space<vmem>> -> memref<1x128xi32, #tpu.memory_space<vmem>>
      %dma_start3A_188 = tpu.memref_squeeze %dma_start3A_187 : memref<1x128xi32, #tpu.memory_space<vmem>> -> memref<128xi32, #tpu.memory_space<vmem>>
      %dma_start3A_189 = arith.constant 0 : i32
      %dma_start3A_190 = arith.constant 0 : i32
      %dma_start3A_191 = tpu.memref_slice %arg10[%dma_start3A_189, %dma_start3A_190] : memref<10240x64xf32, #tpu.memory_space<vmem_shared>> -> memref<10240x64xf32, #tpu.memory_space<vmem_shared>>
      tpu.enqueue_indirect_dma source(%dma_start3A_185 : memref<128x64xf32, #tpu.memory_space<vmem>>) target(%dma_start3A_191 : memref<10240x64xf32, #tpu.memory_space<vmem_shared>>) offsets(%dma_start3A_188 : memref<128xi32, #tpu.memory_space<vmem>>) semaphore(%arg16 : memref<!tpu.dma_semaphore, #tpu.memory_space<semaphore_mem>>) {add = true}
      %dma_start3A_192 = arith.constant 1 : i32
      %dma_start3A_193 = arith.constant 1 : i32
      %dma_start3A_194 = arith.constant 0 : i32
      %dma_start3A_195 = arith.constant 0 : i32
      %dma_start3A_196 = tpu.memref_slice %arg13[%dma_start3A_192, %dma_start3A_194, %dma_start3A_195] : memref<4x128x64xf32, #tpu.memory_space<vmem>> -> memref<1x128x64xf32, #tpu.memory_space<vmem>>
      %dma_start3A_197 = tpu.memref_squeeze %dma_start3A_196 : memref<1x128x64xf32, #tpu.memory_space<vmem>> -> memref<128x64xf32, #tpu.memory_space<vmem>>
      %dma_start3A_198 = arith.constant 0 : i32
      %dma_start3A_199 = tpu.memref_slice %arg12[%dma_start3A_193, %dma_start3A_198] : memref<4x128xi32, #tpu.memory_space<vmem>> -> memref<1x128xi32, #tpu.memory_space<vmem>>
      %dma_start3A_200 = tpu.memref_squeeze %dma_start3A_199 : memref<1x128xi32, #tpu.memory_space<vmem>> -> memref<128xi32, #tpu.memory_space<vmem>>
      %dma_start3A_201 = arith.constant 0 : i32
      %dma_start3A_202 = arith.constant 0 : i32
      %dma_start3A_203 = tpu.memref_slice %arg10[%dma_start3A_201, %dma_start3A_202] : memref<10240x64xf32, #tpu.memory_space<vmem_shared>> -> memref<10240x64xf32, #tpu.memory_space<vmem_shared>>
      tpu.enqueue_indirect_dma source(%dma_start3A_197 : memref<128x64xf32, #tpu.memory_space<vmem>>) target(%dma_start3A_203 : memref<10240x64xf32, #tpu.memory_space<vmem_shared>>) offsets(%dma_start3A_200 : memref<128xi32, #tpu.memory_space<vmem>>) semaphore(%arg16 : memref<!tpu.dma_semaphore, #tpu.memory_space<semaphore_mem>>) {add = true}
      %dma_start3A_204 = arith.constant 2 : i32
      %dma_start3A_205 = arith.constant 2 : i32
      %dma_start3A_206 = arith.constant 0 : i32
      %dma_start3A_207 = arith.constant 0 : i32
      %dma_start3A_208 = tpu.memref_slice %arg13[%dma_start3A_204, %dma_start3A_206, %dma_start3A_207] : memref<4x128x64xf32, #tpu.memory_space<vmem>> -> memref<1x128x64xf32, #tpu.memory_space<vmem>>
      %dma_start3A_209 = tpu.memref_squeeze %dma_start3A_208 : memref<1x128x64xf32, #tpu.memory_space<vmem>> -> memref<128x64xf32, #tpu.memory_space<vmem>>
      %dma_start3A_210 = arith.constant 0 : i32
      %dma_start3A_211 = tpu.memref_slice %arg12[%dma_start3A_205, %dma_start3A_210] : memref<4x128xi32, #tpu.memory_space<vmem>> -> memref<1x128xi32, #tpu.memory_space<vmem>>
      %dma_start3A_212 = tpu.memref_squeeze %dma_start3A_211 : memref<1x128xi32, #tpu.memory_space<vmem>> -> memref<128xi32, #tpu.memory_space<vmem>>
      %dma_start3A_213 = arith.constant 0 : i32
      %dma_start3A_214 = arith.constant 0 : i32
      %dma_start3A_215 = tpu.memref_slice %arg10[%dma_start3A_213, %dma_start3A_214] : memref<10240x64xf32, #tpu.memory_space<vmem_shared>> -> memref<10240x64xf32, #tpu.memory_space<vmem_shared>>
      tpu.enqueue_indirect_dma source(%dma_start3A_209 : memref<128x64xf32, #tpu.memory_space<vmem>>) target(%dma_start3A_215 : memref<10240x64xf32, #tpu.memory_space<vmem_shared>>) offsets(%dma_start3A_212 : memref<128xi32, #tpu.memory_space<vmem>>) semaphore(%arg16 : memref<!tpu.dma_semaphore, #tpu.memory_space<semaphore_mem>>) {add = true}
      %dma_start3A_216 = arith.constant 3 : i32
      %dma_start3A_217 = arith.constant 3 : i32
      %dma_start3A_218 = arith.constant 0 : i32
      %dma_start3A_219 = arith.constant 0 : i32
      %dma_start3A_220 = tpu.memref_slice %arg13[%dma_start3A_216, %dma_start3A_218, %dma_start3A_219] : memref<4x128x64xf32, #tpu.memory_space<vmem>> -> memref<1x128x64xf32, #tpu.memory_space<vmem>>
      %dma_start3A_221 = tpu.memref_squeeze %dma_start3A_220 : memref<1x128x64xf32, #tpu.memory_space<vmem>> -> memref<128x64xf32, #tpu.memory_space<vmem>>
      %dma_start3A_222 = arith.constant 0 : i32
      %dma_start3A_223 = tpu.memref_slice %arg12[%dma_start3A_217, %dma_start3A_222] : memref<4x128xi32, #tpu.memory_space<vmem>> -> memref<1x128xi32, #tpu.memory_space<vmem>>
      %dma_start3A_224 = tpu.memref_squeeze %dma_start3A_223 : memref<1x128xi32, #tpu.memory_space<vmem>> -> memref<128xi32, #tpu.memory_space<vmem>>
      %dma_start3A_225 = arith.constant 0 : i32
      %dma_start3A_226 = arith.constant 0 : i32
      %dma_start3A_227 = tpu.memref_slice %arg10[%dma_start3A_225, %dma_start3A_226] : memref<10240x64xf32, #tpu.memory_space<vmem_shared>> -> memref<10240x64xf32, #tpu.memory_space<vmem_shared>>
      tpu.enqueue_indirect_dma source(%dma_start3A_221 : memref<128x64xf32, #tpu.memory_space<vmem>>) target(%dma_start3A_227 : memref<10240x64xf32, #tpu.memory_space<vmem_shared>>) offsets(%dma_start3A_224 : memref<128xi32, #tpu.memory_space<vmem>>) semaphore(%arg16 : memref<!tpu.dma_semaphore, #tpu.memory_space<semaphore_mem>>) {add = true}
      %dma_wait3A_228 = arith.constant 0 : i32
      %dma_wait3A_229 = arith.constant 0 : i32
      %dma_wait3A_230 = arith.constant 0 : i32
      %dma_wait3A_231 = arith.constant 0 : i32
      %dma_wait3A_232 = tpu.memref_slice %arg13[%dma_wait3A_228, %dma_wait3A_230, %dma_wait3A_231] : memref<4x128x64xf32, #tpu.memory_space<vmem>> -> memref<1x128x64xf32, #tpu.memory_space<vmem>>
      %dma_wait3A_233 = tpu.memref_squeeze %dma_wait3A_232 : memref<1x128x64xf32, #tpu.memory_space<vmem>> -> memref<128x64xf32, #tpu.memory_space<vmem>>
      %dma_wait3A_234 = arith.constant 0 : i32
      %dma_wait3A_235 = tpu.memref_slice %arg12[%dma_wait3A_229, %dma_wait3A_234] : memref<4x128xi32, #tpu.memory_space<vmem>> -> memref<1x128xi32, #tpu.memory_space<vmem>>
      %dma_wait3A_236 = tpu.memref_squeeze %dma_wait3A_235 : memref<1x128xi32, #tpu.memory_space<vmem>> -> memref<128xi32, #tpu.memory_space<vmem>>
      %dma_wait3A_237 = arith.constant 0 : i32
      %dma_wait3A_238 = arith.constant 0 : i32
      %dma_wait3A_239 = tpu.memref_slice %arg10[%dma_wait3A_237, %dma_wait3A_238] : memref<10240x64xf32, #tpu.memory_space<vmem_shared>> -> memref<10240x64xf32, #tpu.memory_space<vmem_shared>>
      tpu.wait_indirect_dma semaphore(%arg16 : memref<!tpu.dma_semaphore, #tpu.memory_space<semaphore_mem>>) src(%dma_wait3A_233 : memref<128x64xf32, #tpu.memory_space<vmem>>) dst(%dma_wait3A_239 : memref<10240x64xf32, #tpu.memory_space<vmem_shared>>)
      %dma_wait3A_240 = arith.constant 1 : i32
      %dma_wait3A_241 = arith.constant 1 : i32
      %dma_wait3A_242 = arith.constant 0 : i32
      %dma_wait3A_243 = arith.constant 0 : i32
      %dma_wait3A_244 = tpu.memref_slice %arg13[%dma_wait3A_240, %dma_wait3A_242, %dma_wait3A_243] : memref<4x128x64xf32, #tpu.memory_space<vmem>> -> memref<1x128x64xf32, #tpu.memory_space<vmem>>
      %dma_wait3A_245 = tpu.memref_squeeze %dma_wait3A_244 : memref<1x128x64xf32, #tpu.memory_space<vmem>> -> memref<128x64xf32, #tpu.memory_space<vmem>>
      %dma_wait3A_246 = arith.constant 0 : i32
      %dma_wait3A_247 = tpu.memref_slice %arg12[%dma_wait3A_241, %dma_wait3A_246] : memref<4x128xi32, #tpu.memory_space<vmem>> -> memref<1x128xi32, #tpu.memory_space<vmem>>
      %dma_wait3A_248 = tpu.memref_squeeze %dma_wait3A_247 : memref<1x128xi32, #tpu.memory_space<vmem>> -> memref<128xi32, #tpu.memory_space<vmem>>
      %dma_wait3A_249 = arith.constant 0 : i32
      %dma_wait3A_250 = arith.constant 0 : i32
      %dma_wait3A_251 = tpu.memref_slice %arg10[%dma_wait3A_249, %dma_wait3A_250] : memref<10240x64xf32, #tpu.memory_space<vmem_shared>> -> memref<10240x64xf32, #tpu.memory_space<vmem_shared>>
      tpu.wait_indirect_dma semaphore(%arg16 : memref<!tpu.dma_semaphore, #tpu.memory_space<semaphore_mem>>) src(%dma_wait3A_245 : memref<128x64xf32, #tpu.memory_space<vmem>>) dst(%dma_wait3A_251 : memref<10240x64xf32, #tpu.memory_space<vmem_shared>>)
      %dma_wait3A_252 = arith.constant 2 : i32
      %dma_wait3A_253 = arith.constant 2 : i32
      %dma_wait3A_254 = arith.constant 0 : i32
      %dma_wait3A_255 = arith.constant 0 : i32
      %dma_wait3A_256 = tpu.memref_slice %arg13[%dma_wait3A_252, %dma_wait3A_254, %dma_wait3A_255] : memref<4x128x64xf32, #tpu.memory_space<vmem>> -> memref<1x128x64xf32, #tpu.memory_space<vmem>>
      %dma_wait3A_257 = tpu.memref_squeeze %dma_wait3A_256 : memref<1x128x64xf32, #tpu.memory_space<vmem>> -> memref<128x64xf32, #tpu.memory_space<vmem>>
      %dma_wait3A_258 = arith.constant 0 : i32
      %dma_wait3A_259 = tpu.memref_slice %arg12[%dma_wait3A_253, %dma_wait3A_258] : memref<4x128xi32, #tpu.memory_space<vmem>> -> memref<1x128xi32, #tpu.memory_space<vmem>>
      %dma_wait3A_260 = tpu.memref_squeeze %dma_wait3A_259 : memref<1x128xi32, #tpu.memory_space<vmem>> -> memref<128xi32, #tpu.memory_space<vmem>>
      %dma_wait3A_261 = arith.constant 0 : i32
      %dma_wait3A_262 = arith.constant 0 : i32
      %dma_wait3A_263 = tpu.memref_slice %arg10[%dma_wait3A_261, %dma_wait3A_262] : memref<10240x64xf32, #tpu.memory_space<vmem_shared>> -> memref<10240x64xf32, #tpu.memory_space<vmem_shared>>
      tpu.wait_indirect_dma semaphore(%arg16 : memref<!tpu.dma_semaphore, #tpu.memory_space<semaphore_mem>>) src(%dma_wait3A_257 : memref<128x64xf32, #tpu.memory_space<vmem>>) dst(%dma_wait3A_263 : memref<10240x64xf32, #tpu.memory_space<vmem_shared>>)
      %dma_wait3A_264 = arith.constant 3 : i32
      %dma_wait3A_265 = arith.constant 3 : i32
      %dma_wait3A_266 = arith.constant 0 : i32
      %dma_wait3A_267 = arith.constant 0 : i32
      %dma_wait3A_268 = tpu.memref_slice %arg13[%dma_wait3A_264, %dma_wait3A_266, %dma_wait3A_267] : memref<4x128x64xf32, #tpu.memory_space<vmem>> -> memref<1x128x64xf32, #tpu.memory_space<vmem>>
      %dma_wait3A_269 = tpu.memref_squeeze %dma_wait3A_268 : memref<1x128x64xf32, #tpu.memory_space<vmem>> -> memref<128x64xf32, #tpu.memory_space<vmem>>
      %dma_wait3A_270 = arith.constant 0 : i32
      %dma_wait3A_271 = tpu.memref_slice %arg12[%dma_wait3A_265, %dma_wait3A_270] : memref<4x128xi32, #tpu.memory_space<vmem>> -> memref<1x128xi32, #tpu.memory_space<vmem>>
      %dma_wait3A_272 = tpu.memref_squeeze %dma_wait3A_271 : memref<1x128xi32, #tpu.memory_space<vmem>> -> memref<128xi32, #tpu.memory_space<vmem>>
      %dma_wait3A_273 = arith.constant 0 : i32
      %dma_wait3A_274 = arith.constant 0 : i32
      %dma_wait3A_275 = tpu.memref_slice %arg10[%dma_wait3A_273, %dma_wait3A_274] : memref<10240x64xf32, #tpu.memory_space<vmem_shared>> -> memref<10240x64xf32, #tpu.memory_space<vmem_shared>>
      tpu.wait_indirect_dma semaphore(%arg16 : memref<!tpu.dma_semaphore, #tpu.memory_space<semaphore_mem>>) src(%dma_wait3A_269 : memref<128x64xf32, #tpu.memory_space<vmem>>) dst(%dma_wait3A_275 : memref<10240x64xf32, #tpu.memory_space<vmem_shared>>)
    }
    %barrier3A_75 = arith.constant 0 : index
    tpu.barrier barrier_id(%barrier3A_75)
    "tpu.region"() ({
      %run_scoped3A = tpu.sem_alloc : memref<!tpu.dma_semaphore, #tpu.memory_space<semaphore_mem>>
      %dma_start3A_80 = arith.constant 0 : i32
      %dma_start3A_81 = tpu.memref_slice %arg8[%arg0, %mul3A_25, %dma_start3A_80] : memref<2x10240x64xf32, #tpu.memory_space<hbm>> -> memref<1x640x64xf32, #tpu.memory_space<hbm>>
      %dma_start3A_82 = tpu.memref_squeeze %dma_start3A_81 : memref<1x640x64xf32, #tpu.memory_space<hbm>> -> memref<640x64xf32, #tpu.memory_space<hbm>>
      %dma_start3A_83 = arith.constant 0 : i32
      %dma_start3A_84 = tpu.memref_slice %arg10[%mul3A_25, %dma_start3A_83] : memref<10240x64xf32, #tpu.memory_space<vmem_shared>> -> memref<640x64xf32, #tpu.memory_space<vmem_shared>>
      tpu.enqueue_dma source(%dma_start3A_84 : memref<640x64xf32, #tpu.memory_space<vmem_shared>>) target(%dma_start3A_82 : memref<640x64xf32, #tpu.memory_space<hbm>>) target_semaphore(%run_scoped3A : memref<!tpu.dma_semaphore, #tpu.memory_space<semaphore_mem>>)
      %dma_wait3A_85 = arith.constant 0 : i32
      %dma_wait3A_86 = tpu.memref_slice %arg8[%arg0, %mul3A_25, %dma_wait3A_85] : memref<2x10240x64xf32, #tpu.memory_space<hbm>> -> memref<1x640x64xf32, #tpu.memory_space<hbm>>
      %dma_wait3A_87 = tpu.memref_squeeze %dma_wait3A_86 : memref<1x640x64xf32, #tpu.memory_space<hbm>> -> memref<640x64xf32, #tpu.memory_space<hbm>>
      %dma_wait3A_88 = arith.constant 0 : i32
      %dma_wait3A_89 = tpu.memref_slice %arg10[%mul3A_25, %dma_wait3A_88] : memref<10240x64xf32, #tpu.memory_space<vmem_shared>> -> memref<640x64xf32, #tpu.memory_space<vmem_shared>>
      tpu.wait_dma2 semaphore(%run_scoped3A : memref<!tpu.dma_semaphore, #tpu.memory_space<semaphore_mem>>) src(%dma_wait3A_89 : memref<640x64xf32, #tpu.memory_space<vmem_shared>>) dst(%dma_wait3A_87 : memref<640x64xf32, #tpu.memory_space<hbm>>)
      tpu.yield
    }) : () -> ()
    %dma_wait3A = arith.constant 0 : i32
    %dma_wait3A_76 = tpu.memref_slice %arg7[%arg0, %mul3A_25, %dma_wait3A] : memref<2x10240x64xf32, #tpu.memory_space<hbm>> -> memref<1x640x64xf32, #tpu.memory_space<hbm>>
    %dma_wait3A_77 = tpu.memref_squeeze %dma_wait3A_76 : memref<1x640x64xf32, #tpu.memory_space<hbm>> -> memref<640x64xf32, #tpu.memory_space<hbm>>
    %dma_wait3A_78 = arith.constant 0 : i32
    %dma_wait3A_79 = tpu.memref_slice %arg9[%mul3A_25, %dma_wait3A_78] : memref<10240x64xf32, #tpu.memory_space<vmem_shared>> -> memref<640x64xf32, #tpu.memory_space<vmem_shared>>
    tpu.wait_dma2 semaphore(%arg17 : memref<!tpu.dma_semaphore, #tpu.memory_space<semaphore_mem>>) src(%dma_wait3A_79 : memref<640x64xf32, #tpu.memory_space<vmem_shared>>) dst(%dma_wait3A_77 : memref<640x64xf32, #tpu.memory_space<hbm>>)
    return
  }
}

module attributes {stable_mosaic.version = 14 : i64} {
  func.func @body(%arg0: i32, %arg1: memref<48x1024xf32, #tpu.memory_space<vmem>>, %arg2: memref<2x1024x64xf32, #tpu.memory_space<vmem>>, %arg3: memref<2x1024x64xf32, #tpu.memory_space<vmem>>, %arg4: memref<192x36xf32, #tpu.memory_space<vmem>>, %arg5: memref<64x16xf32, #tpu.memory_space<vmem>>, %arg6: memref<4x64x1024xf32, #tpu.memory_space<vmem>>, %arg7: memref<4x64x1024xf32, #tpu.memory_space<vmem>>, %arg8: memref<4x64x1024xf32, #tpu.memory_space<vmem>>) attributes {dimension_semantics = [#tpu.dimension_semantics<arbitrary>], iteration_bounds = array<i64: 10>, scalar_prefetch = 0 : i64, scratch_operands = 0 : i64, tpu.core_type = #tpu.core_type<tc>, window_params = [{transform_indices = @transform_0, window_bounds = array<i64: 48, 1024>}, {transform_indices = @transform_1, window_bounds = array<i64: 2, 1024, 64>}, {transform_indices = @transform_2, window_bounds = array<i64: 2, 1024, 64>}, {pipeline_mode = #tpu.pipeline_mode<synchronous>, transform_indices = @transform_3, window_bounds = array<i64: 192, 36>}, {pipeline_mode = #tpu.pipeline_mode<synchronous>, transform_indices = @transform_4, window_bounds = array<i64: 64, 16>}, {transform_indices = @transform_5, window_bounds = array<i64: 4, 64, 1024>}, {transform_indices = @transform_6, window_bounds = array<i64: 4, 64, 1024>}, {transform_indices = @transform_7, window_bounds = array<i64: 4, 64, 1024>}]} {
    %get3A = arith.constant 0 : index
    %get3A_0 = arith.constant 0 : index
    %get3A_1 = arith.constant 0 : index
    %get3A_2 = vector.load %arg2[%get3A, %get3A_0, %get3A_1] : memref<2x1024x64xf32, #tpu.memory_space<vmem>>, vector<1x1024x64xf32>
    %get3A_3 = vector.shape_cast %get3A_2 : vector<1x1024x64xf32> to vector<1024x64xf32>
    %get3A_4 = arith.constant 1 : index
    %get3A_5 = arith.constant 0 : index
    %get3A_6 = arith.constant 0 : index
    %get3A_7 = vector.load %arg2[%get3A_4, %get3A_5, %get3A_6] : memref<2x1024x64xf32, #tpu.memory_space<vmem>>, vector<1x1024x64xf32>
    %get3A_8 = vector.shape_cast %get3A_7 : vector<1x1024x64xf32> to vector<1024x64xf32>
    %add3A = arith.addf %get3A_3, %get3A_8 : vector<1024x64xf32>
    %get3A_9 = arith.constant 0 : index
    %get3A_10 = arith.constant 0 : index
    %get3A_11 = arith.constant 0 : index
    %get3A_12 = vector.load %arg3[%get3A_9, %get3A_10, %get3A_11] : memref<2x1024x64xf32, #tpu.memory_space<vmem>>, vector<1x1024x64xf32>
    %get3A_13 = vector.shape_cast %get3A_12 : vector<1x1024x64xf32> to vector<1024x64xf32>
    %get3A_14 = arith.constant 1 : index
    %get3A_15 = arith.constant 0 : index
    %get3A_16 = arith.constant 0 : index
    %get3A_17 = vector.load %arg3[%get3A_14, %get3A_15, %get3A_16] : memref<2x1024x64xf32, #tpu.memory_space<vmem>>, vector<1x1024x64xf32>
    %get3A_18 = vector.shape_cast %get3A_17 : vector<1x1024x64xf32> to vector<1024x64xf32>
    %add3A_19 = arith.addf %get3A_13, %get3A_18 : vector<1024x64xf32>
    %transpose3A = tpu.transpose %add3A, [1, 0] : vector<1024x64xf32> -> vector<64x1024xf32>
    %transpose3A_20 = tpu.transpose %add3A_19, [1, 0] : vector<1024x64xf32> -> vector<64x1024xf32>
    %slice3A = vector.extract_strided_slice %transpose3A {offsets = [48, 0], sizes = [1, 1024], strides = [1, 1]} : vector<64x1024xf32> to vector<1x1024xf32>
    %slice3A_21 = vector.extract_strided_slice %transpose3A_20 {offsets = [48, 0], sizes = [1, 1024], strides = [1, 1]} : vector<64x1024xf32> to vector<1x1024xf32>
    %gt3A = arith.constant 0.000000e+00 : f32
    %gt3A_22 = vector.broadcast %gt3A : f32 to vector<1x1024xf32>
    %gt3A_23 = arith.cmpf ogt, %slice3A, %gt3A_22 : vector<1x1024xf32>
    %convert_element_type3A = arith.extui %gt3A_23 : vector<1x1024xi1> to vector<1x1024xi32>
    %convert_element_type3A_24 = arith.sitofp %convert_element_type3A : vector<1x1024xi32> to vector<1x1024xf32>
    %gt3A_25 = arith.constant 0.000000e+00 : f32
    %gt3A_26 = vector.broadcast %gt3A_25 : f32 to vector<1x1024xf32>
    %gt3A_27 = arith.cmpf ogt, %slice3A_21, %gt3A_26 : vector<1x1024xf32>
    %convert_element_type3A_28 = arith.extui %gt3A_27 : vector<1x1024xi1> to vector<1x1024xi32>
    %convert_element_type3A_29 = arith.sitofp %convert_element_type3A_28 : vector<1x1024xi32> to vector<1x1024xf32>
    %max3A = arith.constant 1.000000e+00 : f32
    %max3A_30 = vector.broadcast %max3A : f32 to vector<1x1024xf32>
    %max3A_31 = arith.maximumf %slice3A, %max3A_30 : vector<1x1024xf32>
    %div3A = arith.constant 1.000000e+00 : f32
    %div3A_32 = vector.broadcast %div3A : f32 to vector<1x1024xf32>
    %div3A_33 = arith.divf %div3A_32, %max3A_31 : vector<1x1024xf32>
    %max3A_34 = arith.constant 1.000000e+00 : f32
    %max3A_35 = vector.broadcast %max3A_34 : f32 to vector<1x1024xf32>
    %max3A_36 = arith.maximumf %slice3A_21, %max3A_35 : vector<1x1024xf32>
    %div3A_37 = arith.constant 1.000000e+00 : f32
    %div3A_38 = vector.broadcast %div3A_37 : f32 to vector<1x1024xf32>
    %div3A_39 = arith.divf %div3A_38, %max3A_36 : vector<1x1024xf32>
    %get3A_40 = arith.constant 0 : index
    %get3A_41 = arith.constant 14 : index
    %get3A_42 = vector.load %arg5[%get3A_40, %get3A_41] : memref<64x16xf32, #tpu.memory_space<vmem>>, vector<1x1xf32>
    %get3A_43 = arith.constant 0 : index
    %get3A_44 = arith.constant 0 : index
    %get3A_45 = vector.load %arg1[%get3A_43, %get3A_44] : memref<48x1024xf32, #tpu.memory_space<vmem>>, vector<12x1024xf32>
    %slice3A_46 = vector.extract_strided_slice %transpose3A {offsets = [0, 0], sizes = [12, 1024], strides = [1, 1]} : vector<64x1024xf32> to vector<12x1024xf32>
    %mul3A = vector.broadcast %div3A_33 : vector<1x1024xf32> to vector<12x1024xf32>
    %mul3A_47 = arith.mulf %slice3A_46, %mul3A : vector<12x1024xf32>
    %slice3A_48 = vector.extract_strided_slice %transpose3A_20 {offsets = [0, 0], sizes = [12, 1024], strides = [1, 1]} : vector<64x1024xf32> to vector<12x1024xf32>
    %mul3A_49 = vector.broadcast %div3A_39 : vector<1x1024xf32> to vector<12x1024xf32>
    %mul3A_50 = arith.mulf %slice3A_48, %mul3A_49 : vector<12x1024xf32>
    %concatenate3A = tpu.concatenate %mul3A_47, %mul3A_50, %get3A_45 in 0 : vector<12x1024xf32>, vector<12x1024xf32>, vector<12x1024xf32> -> vector<36x1024xf32>
    %get3A_51 = arith.constant 0 : index
    %get3A_52 = arith.constant 0 : index
    %get3A_53 = vector.load %arg4[%get3A_51, %get3A_52] : memref<192x36xf32, #tpu.memory_space<vmem>>, vector<192x36xf32>
    %dot_general3A = arith.constant dense<0.000000e+00> : vector<192x1024xf32>
    %dot_general3A_54 = tpu.matmul %get3A_53, %concatenate3A, %dot_general3A {dimension_numbers = #tpu.dot_dimension_numbers<[1], [0], [0], [1], [0, 0, 1, 1], [], []>, precision = #tpu.contract_precision<fp32>, transpose_lhs_hint = false} : vector<192x36xf32>, vector<36x1024xf32>, vector<192x1024xf32> -> vector<192x1024xf32>
    %slice3A_55 = vector.extract_strided_slice %dot_general3A_54 {offsets = [0, 0], sizes = [64, 1024], strides = [1, 1]} : vector<192x1024xf32> to vector<64x1024xf32>
    %get3A_56 = arith.constant 0 : index
    %get3A_57 = arith.constant 0 : index
    %get3A_58 = vector.load %arg5[%get3A_56, %get3A_57] : memref<64x16xf32, #tpu.memory_space<vmem>>, vector<64x1xf32>
    %mul3A_59 = vector.broadcast %get3A_58 : vector<64x1xf32> to vector<64x1024xf32>
    %mul3A_60 = vector.broadcast %convert_element_type3A_24 : vector<1x1024xf32> to vector<64x1024xf32>
    %mul3A_61 = arith.mulf %mul3A_59, %mul3A_60 : vector<64x1024xf32>
    %add3A_62 = arith.addf %slice3A_55, %mul3A_61 : vector<64x1024xf32>
    %get3A_63 = arith.constant 0 : index
    %get3A_64 = arith.constant 1 : index
    %get3A_65 = vector.load %arg5[%get3A_63, %get3A_64] : memref<64x16xf32, #tpu.memory_space<vmem>>, vector<64x1xf32>
    %add3A_66 = vector.broadcast %get3A_65 : vector<64x1xf32> to vector<64x1024xf32>
    %add3A_67 = arith.addf %add3A_62, %add3A_66 : vector<64x1024xf32>
    %get3A_68 = arith.constant 0 : index
    %get3A_69 = arith.constant 6 : index
    %get3A_70 = vector.load %arg5[%get3A_68, %get3A_69] : memref<64x16xf32, #tpu.memory_space<vmem>>, vector<64x1xf32>
    %get3A_71 = arith.constant 0 : index
    %get3A_72 = arith.constant 7 : index
    %get3A_73 = vector.load %arg5[%get3A_71, %get3A_72] : memref<64x16xf32, #tpu.memory_space<vmem>>, vector<64x1xf32>
    %reduce_sum3A = arith.constant dense<0.000000e+00> : vector<1024xf32>
    %reduce_sum3A_74 = vector.multi_reduction <add>, %add3A_67, %reduce_sum3A [0] : vector<64x1024xf32> to vector<1024xf32>
    %broadcast_in_dim3A = vector.shape_cast %reduce_sum3A_74 : vector<1024xf32> to vector<1x1024xf32>
    %div3A_75 = arith.constant 6.400000e+01 : f32
    %div3A_76 = vector.broadcast %div3A_75 : f32 to vector<1x1024xf32>
    %div3A_77 = arith.divf %broadcast_in_dim3A, %div3A_76 : vector<1x1024xf32>
    %sub3A = vector.broadcast %div3A_77 : vector<1x1024xf32> to vector<64x1024xf32>
    %sub3A_78 = arith.subf %add3A_67, %sub3A : vector<64x1024xf32>
    %mul3A_79 = arith.mulf %sub3A_78, %sub3A_78 : vector<64x1024xf32>
    %reduce_sum3A_80 = arith.constant dense<0.000000e+00> : vector<1024xf32>
    %reduce_sum3A_81 = vector.multi_reduction <add>, %mul3A_79, %reduce_sum3A_80 [0] : vector<64x1024xf32> to vector<1024xf32>
    %broadcast_in_dim3A_82 = vector.shape_cast %reduce_sum3A_81 : vector<1024xf32> to vector<1x1024xf32>
    %div3A_83 = arith.constant 6.400000e+01 : f32
    %div3A_84 = vector.broadcast %div3A_83 : f32 to vector<1x1024xf32>
    %div3A_85 = arith.divf %broadcast_in_dim3A_82, %div3A_84 : vector<1x1024xf32>
    %mul3A_86 = vector.broadcast %get3A_70 : vector<64x1xf32> to vector<64x1024xf32>
    %mul3A_87 = arith.mulf %mul3A_86, %sub3A_78 : vector<64x1024xf32>
    %add3A_88 = arith.constant 9.99999974E-6 : f32
    %add3A_89 = vector.broadcast %add3A_88 : f32 to vector<1x1024xf32>
    %add3A_90 = arith.addf %div3A_85, %add3A_89 : vector<1x1024xf32>
    %rsqrt3A = math.rsqrt %add3A_90 : vector<1x1024xf32>
    %mul3A_91 = vector.broadcast %rsqrt3A : vector<1x1024xf32> to vector<64x1024xf32>
    %mul3A_92 = arith.mulf %mul3A_87, %mul3A_91 : vector<64x1024xf32>
    %add3A_93 = vector.broadcast %get3A_73 : vector<64x1xf32> to vector<64x1024xf32>
    %add3A_94 = arith.addf %mul3A_92, %add3A_93 : vector<64x1024xf32>
    %gt3A_95 = arith.constant 0.000000e+00 : f32
    %gt3A_96 = vector.broadcast %gt3A_95 : f32 to vector<64x1024xf32>
    %gt3A_97 = arith.cmpf ogt, %add3A_94, %gt3A_96 : vector<64x1024xf32>
    %mul3A_98 = arith.constant 1.000000e-01 : f32
    %mul3A_99 = vector.broadcast %mul3A_98 : f32 to vector<64x1024xf32>
    %mul3A_100 = arith.mulf %mul3A_99, %add3A_94 : vector<64x1024xf32>
    %select_n3A = arith.select %gt3A_97, %add3A_94, %mul3A_100 : vector<64x1024xi1>, vector<64x1024xf32>
    %slice3A_101 = vector.extract_strided_slice %dot_general3A_54 {offsets = [64, 0], sizes = [64, 1024], strides = [1, 1]} : vector<192x1024xf32> to vector<64x1024xf32>
    %get3A_102 = arith.constant 0 : index
    %get3A_103 = arith.constant 2 : index
    %get3A_104 = vector.load %arg5[%get3A_102, %get3A_103] : memref<64x16xf32, #tpu.memory_space<vmem>>, vector<64x1xf32>
    %mul3A_105 = vector.broadcast %get3A_104 : vector<64x1xf32> to vector<64x1024xf32>
    %mul3A_106 = vector.broadcast %convert_element_type3A_24 : vector<1x1024xf32> to vector<64x1024xf32>
    %mul3A_107 = arith.mulf %mul3A_105, %mul3A_106 : vector<64x1024xf32>
    %add3A_108 = arith.addf %slice3A_101, %mul3A_107 : vector<64x1024xf32>
    %get3A_109 = arith.constant 0 : index
    %get3A_110 = arith.constant 3 : index
    %get3A_111 = vector.load %arg5[%get3A_109, %get3A_110] : memref<64x16xf32, #tpu.memory_space<vmem>>, vector<64x1xf32>
    %mul3A_112 = vector.broadcast %get3A_111 : vector<64x1xf32> to vector<64x1024xf32>
    %mul3A_113 = vector.broadcast %convert_element_type3A_29 : vector<1x1024xf32> to vector<64x1024xf32>
    %mul3A_114 = arith.mulf %mul3A_112, %mul3A_113 : vector<64x1024xf32>
    %add3A_115 = arith.addf %add3A_108, %mul3A_114 : vector<64x1024xf32>
    %get3A_116 = arith.constant 0 : index
    %get3A_117 = arith.constant 4 : index
    %get3A_118 = vector.load %arg5[%get3A_116, %get3A_117] : memref<64x16xf32, #tpu.memory_space<vmem>>, vector<64x1xf32>
    %add3A_119 = vector.broadcast %get3A_118 : vector<64x1xf32> to vector<64x1024xf32>
    %add3A_120 = arith.addf %add3A_115, %add3A_119 : vector<64x1024xf32>
    %get3A_121 = arith.constant 0 : index
    %get3A_122 = arith.constant 8 : index
    %get3A_123 = vector.load %arg5[%get3A_121, %get3A_122] : memref<64x16xf32, #tpu.memory_space<vmem>>, vector<64x1xf32>
    %get3A_124 = arith.constant 0 : index
    %get3A_125 = arith.constant 9 : index
    %get3A_126 = vector.load %arg5[%get3A_124, %get3A_125] : memref<64x16xf32, #tpu.memory_space<vmem>>, vector<64x1xf32>
    %reduce_sum3A_127 = arith.constant dense<0.000000e+00> : vector<1024xf32>
    %reduce_sum3A_128 = vector.multi_reduction <add>, %add3A_120, %reduce_sum3A_127 [0] : vector<64x1024xf32> to vector<1024xf32>
    %broadcast_in_dim3A_129 = vector.shape_cast %reduce_sum3A_128 : vector<1024xf32> to vector<1x1024xf32>
    %div3A_130 = arith.constant 6.400000e+01 : f32
    %div3A_131 = vector.broadcast %div3A_130 : f32 to vector<1x1024xf32>
    %div3A_132 = arith.divf %broadcast_in_dim3A_129, %div3A_131 : vector<1x1024xf32>
    %sub3A_133 = vector.broadcast %div3A_132 : vector<1x1024xf32> to vector<64x1024xf32>
    %sub3A_134 = arith.subf %add3A_120, %sub3A_133 : vector<64x1024xf32>
    %mul3A_135 = arith.mulf %sub3A_134, %sub3A_134 : vector<64x1024xf32>
    %reduce_sum3A_136 = arith.constant dense<0.000000e+00> : vector<1024xf32>
    %reduce_sum3A_137 = vector.multi_reduction <add>, %mul3A_135, %reduce_sum3A_136 [0] : vector<64x1024xf32> to vector<1024xf32>
    %broadcast_in_dim3A_138 = vector.shape_cast %reduce_sum3A_137 : vector<1024xf32> to vector<1x1024xf32>
    %div3A_139 = arith.constant 6.400000e+01 : f32
    %div3A_140 = vector.broadcast %div3A_139 : f32 to vector<1x1024xf32>
    %div3A_141 = arith.divf %broadcast_in_dim3A_138, %div3A_140 : vector<1x1024xf32>
    %mul3A_142 = vector.broadcast %get3A_123 : vector<64x1xf32> to vector<64x1024xf32>
    %mul3A_143 = arith.mulf %mul3A_142, %sub3A_134 : vector<64x1024xf32>
    %add3A_144 = arith.constant 9.99999974E-6 : f32
    %add3A_145 = vector.broadcast %add3A_144 : f32 to vector<1x1024xf32>
    %add3A_146 = arith.addf %div3A_141, %add3A_145 : vector<1x1024xf32>
    %rsqrt3A_147 = math.rsqrt %add3A_146 : vector<1x1024xf32>
    %mul3A_148 = vector.broadcast %rsqrt3A_147 : vector<1x1024xf32> to vector<64x1024xf32>
    %mul3A_149 = arith.mulf %mul3A_143, %mul3A_148 : vector<64x1024xf32>
    %add3A_150 = vector.broadcast %get3A_126 : vector<64x1xf32> to vector<64x1024xf32>
    %add3A_151 = arith.addf %mul3A_149, %add3A_150 : vector<64x1024xf32>
    %mul3A_152 = arith.constant 5.000000e-01 : f32
    %mul3A_153 = vector.broadcast %mul3A_152 : f32 to vector<64x1024xf32>
    %mul3A_154 = arith.mulf %mul3A_153, %add3A_151 : vector<64x1024xf32>
    %mul3A_155 = arith.constant 4.471500e-02 : f32
    %mul3A_156 = vector.broadcast %mul3A_155 : f32 to vector<64x1024xf32>
    %mul3A_157 = arith.mulf %mul3A_156, %add3A_151 : vector<64x1024xf32>
    %mul3A_158 = arith.mulf %mul3A_157, %add3A_151 : vector<64x1024xf32>
    %mul3A_159 = arith.mulf %mul3A_158, %add3A_151 : vector<64x1024xf32>
    %add3A_160 = arith.addf %add3A_151, %mul3A_159 : vector<64x1024xf32>
    %mul3A_161 = arith.constant 0.797884583 : f32
    %mul3A_162 = vector.broadcast %mul3A_161 : f32 to vector<64x1024xf32>
    %mul3A_163 = arith.mulf %mul3A_162, %add3A_160 : vector<64x1024xf32>
    %tanh3A = math.tanh %mul3A_163 : vector<64x1024xf32>
    %add3A_164 = arith.constant 1.000000e+00 : f32
    %add3A_165 = vector.broadcast %add3A_164 : f32 to vector<64x1024xf32>
    %add3A_166 = arith.addf %add3A_165, %tanh3A : vector<64x1024xf32>
    %mul3A_167 = arith.mulf %mul3A_154, %add3A_166 : vector<64x1024xf32>
    %slice3A_168 = vector.extract_strided_slice %dot_general3A_54 {offsets = [128, 0], sizes = [64, 1024], strides = [1, 1]} : vector<192x1024xf32> to vector<64x1024xf32>
    %get3A_169 = arith.constant 0 : index
    %get3A_170 = arith.constant 5 : index
    %get3A_171 = vector.load %arg5[%get3A_169, %get3A_170] : memref<64x16xf32, #tpu.memory_space<vmem>>, vector<64x1xf32>
    %add3A_172 = vector.broadcast %get3A_171 : vector<64x1xf32> to vector<64x1024xf32>
    %add3A_173 = arith.addf %slice3A_168, %add3A_172 : vector<64x1024xf32>
    %get3A_174 = arith.constant 0 : index
    %get3A_175 = arith.constant 10 : index
    %get3A_176 = vector.load %arg5[%get3A_174, %get3A_175] : memref<64x16xf32, #tpu.memory_space<vmem>>, vector<64x1xf32>
    %get3A_177 = arith.constant 0 : index
    %get3A_178 = arith.constant 11 : index
    %get3A_179 = vector.load %arg5[%get3A_177, %get3A_178] : memref<64x16xf32, #tpu.memory_space<vmem>>, vector<64x1xf32>
    %reduce_sum3A_180 = arith.constant dense<0.000000e+00> : vector<1024xf32>
    %reduce_sum3A_181 = vector.multi_reduction <add>, %add3A_173, %reduce_sum3A_180 [0] : vector<64x1024xf32> to vector<1024xf32>
    %broadcast_in_dim3A_182 = vector.shape_cast %reduce_sum3A_181 : vector<1024xf32> to vector<1x1024xf32>
    %div3A_183 = arith.constant 6.400000e+01 : f32
    %div3A_184 = vector.broadcast %div3A_183 : f32 to vector<1x1024xf32>
    %div3A_185 = arith.divf %broadcast_in_dim3A_182, %div3A_184 : vector<1x1024xf32>
    %sub3A_186 = vector.broadcast %div3A_185 : vector<1x1024xf32> to vector<64x1024xf32>
    %sub3A_187 = arith.subf %add3A_173, %sub3A_186 : vector<64x1024xf32>
    %mul3A_188 = arith.mulf %sub3A_187, %sub3A_187 : vector<64x1024xf32>
    %reduce_sum3A_189 = arith.constant dense<0.000000e+00> : vector<1024xf32>
    %reduce_sum3A_190 = vector.multi_reduction <add>, %mul3A_188, %reduce_sum3A_189 [0] : vector<64x1024xf32> to vector<1024xf32>
    %broadcast_in_dim3A_191 = vector.shape_cast %reduce_sum3A_190 : vector<1024xf32> to vector<1x1024xf32>
    %div3A_192 = arith.constant 6.400000e+01 : f32
    %div3A_193 = vector.broadcast %div3A_192 : f32 to vector<1x1024xf32>
    %div3A_194 = arith.divf %broadcast_in_dim3A_191, %div3A_193 : vector<1x1024xf32>
    %mul3A_195 = vector.broadcast %get3A_176 : vector<64x1xf32> to vector<64x1024xf32>
    %mul3A_196 = arith.mulf %mul3A_195, %sub3A_187 : vector<64x1024xf32>
    %add3A_197 = arith.constant 9.99999974E-6 : f32
    %add3A_198 = vector.broadcast %add3A_197 : f32 to vector<1x1024xf32>
    %add3A_199 = arith.addf %div3A_194, %add3A_198 : vector<1x1024xf32>
    %rsqrt3A_200 = math.rsqrt %add3A_199 : vector<1x1024xf32>
    %mul3A_201 = vector.broadcast %rsqrt3A_200 : vector<1x1024xf32> to vector<64x1024xf32>
    %mul3A_202 = arith.mulf %mul3A_196, %mul3A_201 : vector<64x1024xf32>
    %add3A_203 = vector.broadcast %get3A_179 : vector<64x1xf32> to vector<64x1024xf32>
    %add3A_204 = arith.addf %mul3A_202, %add3A_203 : vector<64x1024xf32>
    %get3A_205 = arith.constant 0 : index
    %get3A_206 = arith.constant 12 : index
    %get3A_207 = vector.load %arg5[%get3A_205, %get3A_206] : memref<64x16xf32, #tpu.memory_space<vmem>>, vector<64x1xf32>
    %mul3A_208 = vector.broadcast %get3A_207 : vector<64x1xf32> to vector<64x1024xf32>
    %mul3A_209 = arith.mulf %select_n3A, %mul3A_208 : vector<64x1024xf32>
    %reduce_sum3A_210 = arith.constant dense<0.000000e+00> : vector<1024xf32>
    %reduce_sum3A_211 = vector.multi_reduction <add>, %mul3A_209, %reduce_sum3A_210 [0] : vector<64x1024xf32> to vector<1024xf32>
    %broadcast_in_dim3A_212 = vector.shape_cast %reduce_sum3A_211 : vector<1024xf32> to vector<1x1024xf32>
    %get3A_213 = arith.constant 0 : index
    %get3A_214 = arith.constant 13 : index
    %get3A_215 = vector.load %arg5[%get3A_213, %get3A_214] : memref<64x16xf32, #tpu.memory_space<vmem>>, vector<64x1xf32>
    %mul3A_216 = vector.broadcast %get3A_215 : vector<64x1xf32> to vector<64x1024xf32>
    %mul3A_217 = arith.mulf %mul3A_167, %mul3A_216 : vector<64x1024xf32>
    %reduce_sum3A_218 = arith.constant dense<0.000000e+00> : vector<1024xf32>
    %reduce_sum3A_219 = vector.multi_reduction <add>, %mul3A_217, %reduce_sum3A_218 [0] : vector<64x1024xf32> to vector<1024xf32>
    %broadcast_in_dim3A_220 = vector.shape_cast %reduce_sum3A_219 : vector<1024xf32> to vector<1x1024xf32>
    %add3A_221 = arith.addf %broadcast_in_dim3A_212, %broadcast_in_dim3A_220 : vector<1x1024xf32>
    %add3A_222 = vector.broadcast %get3A_42 : vector<1x1xf32> to vector<1x1024xf32>
    %add3A_223 = arith.addf %add3A_221, %add3A_222 : vector<1x1024xf32>
    %neg3A = arith.constant 0.000000e+00 : f32
    %neg3A_224 = vector.broadcast %neg3A : f32 to vector<1x1024xf32>
    %neg3A_225 = arith.subf %neg3A_224, %add3A_223 : vector<1x1024xf32>
    %exp3A = math.exp %neg3A_225 : vector<1x1024xf32>
    %add3A_226 = arith.constant 1.000000e+00 : f32
    %add3A_227 = vector.broadcast %add3A_226 : f32 to vector<1x1024xf32>
    %add3A_228 = arith.addf %add3A_227, %exp3A : vector<1x1024xf32>
    %div3A_229 = arith.constant 1.000000e+00 : f32
    %div3A_230 = vector.broadcast %div3A_229 : f32 to vector<1x1024xf32>
    %div3A_231 = arith.divf %div3A_230, %add3A_228 : vector<1x1024xf32>
    %add3A_232 = arith.constant 3.000000e-01 : f32
    %add3A_233 = vector.broadcast %add3A_232 : f32 to vector<1x1024xf32>
    %add3A_234 = arith.addf %div3A_231, %add3A_233 : vector<1x1024xf32>
    %mul3A_235 = vector.broadcast %add3A_234 : vector<1x1024xf32> to vector<64x1024xf32>
    %mul3A_236 = arith.mulf %mul3A_235, %select_n3A : vector<64x1024xf32>
    %sub3A_237 = arith.constant 1.300000e+00 : f32
    %sub3A_238 = vector.broadcast %sub3A_237 : f32 to vector<1x1024xf32>
    %sub3A_239 = arith.subf %sub3A_238, %div3A_231 : vector<1x1024xf32>
    %mul3A_240 = vector.broadcast %sub3A_239 : vector<1x1024xf32> to vector<64x1024xf32>
    %mul3A_241 = arith.mulf %mul3A_240, %mul3A_167 : vector<64x1024xf32>
    %add3A_242 = arith.addf %mul3A_236, %mul3A_241 : vector<64x1024xf32>
    %mul3A_243 = arith.constant 1.000000e-01 : f32
    %mul3A_244 = vector.broadcast %mul3A_243 : f32 to vector<64x1024xf32>
    %mul3A_245 = arith.mulf %mul3A_244, %add3A_204 : vector<64x1024xf32>
    %add3A_246 = arith.addf %add3A_242, %mul3A_245 : vector<64x1024xf32>
    %swap3A = arith.constant 0 : index
    %swap3A_247 = arith.constant 0 : index
    %swap3A_248 = arith.constant 0 : index
    %swap3A_249 = vector.load %arg6[%swap3A, %swap3A_247, %swap3A_248] : memref<4x64x1024xf32, #tpu.memory_space<vmem>>, vector<1x64x1024xf32>
    %swap3A_250 = vector.shape_cast %swap3A_249 : vector<1x64x1024xf32> to vector<64x1024xf32>
    %swap3A_251 = vector.shape_cast %add3A_246 : vector<64x1024xf32> to vector<1x64x1024xf32>
    tpu.vector_store %arg6[%swap3A, %swap3A_247, %swap3A_248], %swap3A_251 {strides = array<i32>} : memref<4x64x1024xf32, #tpu.memory_space<vmem>>, vector<1x64x1024xf32>,
    %swap3A_252 = arith.constant 0 : index
    %swap3A_253 = arith.constant 0 : index
    %swap3A_254 = arith.constant 0 : index
    %swap3A_255 = vector.load %arg7[%swap3A_252, %swap3A_253, %swap3A_254] : memref<4x64x1024xf32, #tpu.memory_space<vmem>>, vector<1x64x1024xf32>
    %swap3A_256 = vector.shape_cast %swap3A_255 : vector<1x64x1024xf32> to vector<64x1024xf32>
    %swap3A_257 = vector.shape_cast %select_n3A : vector<64x1024xf32> to vector<1x64x1024xf32>
    tpu.vector_store %arg7[%swap3A_252, %swap3A_253, %swap3A_254], %swap3A_257 {strides = array<i32>} : memref<4x64x1024xf32, #tpu.memory_space<vmem>>, vector<1x64x1024xf32>,
    %swap3A_258 = arith.constant 0 : index
    %swap3A_259 = arith.constant 0 : index
    %swap3A_260 = arith.constant 0 : index
    %swap3A_261 = vector.load %arg8[%swap3A_258, %swap3A_259, %swap3A_260] : memref<4x64x1024xf32, #tpu.memory_space<vmem>>, vector<1x64x1024xf32>
    %swap3A_262 = vector.shape_cast %swap3A_261 : vector<1x64x1024xf32> to vector<64x1024xf32>
    %swap3A_263 = vector.shape_cast %mul3A_167 : vector<64x1024xf32> to vector<1x64x1024xf32>
    tpu.vector_store %arg8[%swap3A_258, %swap3A_259, %swap3A_260], %swap3A_263 {strides = array<i32>} : memref<4x64x1024xf32, #tpu.memory_space<vmem>>, vector<1x64x1024xf32>,
    %get3A_264 = arith.constant 12 : index
    %get3A_265 = arith.constant 0 : index
    %get3A_266 = vector.load %arg1[%get3A_264, %get3A_265] : memref<48x1024xf32, #tpu.memory_space<vmem>>, vector<12x1024xf32>
    %slice3A_267 = vector.extract_strided_slice %transpose3A {offsets = [12, 0], sizes = [12, 1024], strides = [1, 1]} : vector<64x1024xf32> to vector<12x1024xf32>
    %mul3A_268 = vector.broadcast %div3A_33 : vector<1x1024xf32> to vector<12x1024xf32>
    %mul3A_269 = arith.mulf %slice3A_267, %mul3A_268 : vector<12x1024xf32>
    %slice3A_270 = vector.extract_strided_slice %transpose3A_20 {offsets = [12, 0], sizes = [12, 1024], strides = [1, 1]} : vector<64x1024xf32> to vector<12x1024xf32>
    %mul3A_271 = vector.broadcast %div3A_39 : vector<1x1024xf32> to vector<12x1024xf32>
    %mul3A_272 = arith.mulf %slice3A_270, %mul3A_271 : vector<12x1024xf32>
    %concatenate3A_273 = tpu.concatenate %mul3A_269, %mul3A_272, %get3A_266 in 0 : vector<12x1024xf32>, vector<12x1024xf32>, vector<12x1024xf32> -> vector<36x1024xf32>
    %get3A_274 = arith.constant 0 : index
    %get3A_275 = arith.constant 0 : index
    %get3A_276 = vector.load %arg4[%get3A_274, %get3A_275] : memref<192x36xf32, #tpu.memory_space<vmem>>, vector<192x36xf32>
    %dot_general3A_277 = arith.constant dense<0.000000e+00> : vector<192x1024xf32>
    %dot_general3A_278 = tpu.matmul %get3A_276, %concatenate3A_273, %dot_general3A_277 {dimension_numbers = #tpu.dot_dimension_numbers<[1], [0], [0], [1], [0, 0, 1, 1], [], []>, precision = #tpu.contract_precision<fp32>, transpose_lhs_hint = false} : vector<192x36xf32>, vector<36x1024xf32>, vector<192x1024xf32> -> vector<192x1024xf32>
    %slice3A_279 = vector.extract_strided_slice %dot_general3A_278 {offsets = [0, 0], sizes = [64, 1024], strides = [1, 1]} : vector<192x1024xf32> to vector<64x1024xf32>
    %get3A_280 = arith.constant 0 : index
    %get3A_281 = arith.constant 0 : index
    %get3A_282 = vector.load %arg5[%get3A_280, %get3A_281] : memref<64x16xf32, #tpu.memory_space<vmem>>, vector<64x1xf32>
    %mul3A_283 = vector.broadcast %get3A_282 : vector<64x1xf32> to vector<64x1024xf32>
    %mul3A_284 = vector.broadcast %convert_element_type3A_24 : vector<1x1024xf32> to vector<64x1024xf32>
    %mul3A_285 = arith.mulf %mul3A_283, %mul3A_284 : vector<64x1024xf32>
    %add3A_286 = arith.addf %slice3A_279, %mul3A_285 : vector<64x1024xf32>
    %get3A_287 = arith.constant 0 : index
    %get3A_288 = arith.constant 1 : index
    %get3A_289 = vector.load %arg5[%get3A_287, %get3A_288] : memref<64x16xf32, #tpu.memory_space<vmem>>, vector<64x1xf32>
    %add3A_290 = vector.broadcast %get3A_289 : vector<64x1xf32> to vector<64x1024xf32>
    %add3A_291 = arith.addf %add3A_286, %add3A_290 : vector<64x1024xf32>
    %get3A_292 = arith.constant 0 : index
    %get3A_293 = arith.constant 6 : index
    %get3A_294 = vector.load %arg5[%get3A_292, %get3A_293] : memref<64x16xf32, #tpu.memory_space<vmem>>, vector<64x1xf32>
    %get3A_295 = arith.constant 0 : index
    %get3A_296 = arith.constant 7 : index
    %get3A_297 = vector.load %arg5[%get3A_295, %get3A_296] : memref<64x16xf32, #tpu.memory_space<vmem>>, vector<64x1xf32>
    %reduce_sum3A_298 = arith.constant dense<0.000000e+00> : vector<1024xf32>
    %reduce_sum3A_299 = vector.multi_reduction <add>, %add3A_291, %reduce_sum3A_298 [0] : vector<64x1024xf32> to vector<1024xf32>
    %broadcast_in_dim3A_300 = vector.shape_cast %reduce_sum3A_299 : vector<1024xf32> to vector<1x1024xf32>
    %div3A_301 = arith.constant 6.400000e+01 : f32
    %div3A_302 = vector.broadcast %div3A_301 : f32 to vector<1x1024xf32>
    %div3A_303 = arith.divf %broadcast_in_dim3A_300, %div3A_302 : vector<1x1024xf32>
    %sub3A_304 = vector.broadcast %div3A_303 : vector<1x1024xf32> to vector<64x1024xf32>
    %sub3A_305 = arith.subf %add3A_291, %sub3A_304 : vector<64x1024xf32>
    %mul3A_306 = arith.mulf %sub3A_305, %sub3A_305 : vector<64x1024xf32>
    %reduce_sum3A_307 = arith.constant dense<0.000000e+00> : vector<1024xf32>
    %reduce_sum3A_308 = vector.multi_reduction <add>, %mul3A_306, %reduce_sum3A_307 [0] : vector<64x1024xf32> to vector<1024xf32>
    %broadcast_in_dim3A_309 = vector.shape_cast %reduce_sum3A_308 : vector<1024xf32> to vector<1x1024xf32>
    %div3A_310 = arith.constant 6.400000e+01 : f32
    %div3A_311 = vector.broadcast %div3A_310 : f32 to vector<1x1024xf32>
    %div3A_312 = arith.divf %broadcast_in_dim3A_309, %div3A_311 : vector<1x1024xf32>
    %mul3A_313 = vector.broadcast %get3A_294 : vector<64x1xf32> to vector<64x1024xf32>
    %mul3A_314 = arith.mulf %mul3A_313, %sub3A_305 : vector<64x1024xf32>
    %add3A_315 = arith.constant 9.99999974E-6 : f32
    %add3A_316 = vector.broadcast %add3A_315 : f32 to vector<1x1024xf32>
    %add3A_317 = arith.addf %div3A_312, %add3A_316 : vector<1x1024xf32>
    %rsqrt3A_318 = math.rsqrt %add3A_317 : vector<1x1024xf32>
    %mul3A_319 = vector.broadcast %rsqrt3A_318 : vector<1x1024xf32> to vector<64x1024xf32>
    %mul3A_320 = arith.mulf %mul3A_314, %mul3A_319 : vector<64x1024xf32>
    %add3A_321 = vector.broadcast %get3A_297 : vector<64x1xf32> to vector<64x1024xf32>
    %add3A_322 = arith.addf %mul3A_320, %add3A_321 : vector<64x1024xf32>
    %gt3A_323 = arith.constant 0.000000e+00 : f32
    %gt3A_324 = vector.broadcast %gt3A_323 : f32 to vector<64x1024xf32>
    %gt3A_325 = arith.cmpf ogt, %add3A_322, %gt3A_324 : vector<64x1024xf32>
    %mul3A_326 = arith.constant 1.000000e-01 : f32
    %mul3A_327 = vector.broadcast %mul3A_326 : f32 to vector<64x1024xf32>
    %mul3A_328 = arith.mulf %mul3A_327, %add3A_322 : vector<64x1024xf32>
    %select_n3A_329 = arith.select %gt3A_325, %add3A_322, %mul3A_328 : vector<64x1024xi1>, vector<64x1024xf32>
    %slice3A_330 = vector.extract_strided_slice %dot_general3A_278 {offsets = [64, 0], sizes = [64, 1024], strides = [1, 1]} : vector<192x1024xf32> to vector<64x1024xf32>
    %get3A_331 = arith.constant 0 : index
    %get3A_332 = arith.constant 2 : index
    %get3A_333 = vector.load %arg5[%get3A_331, %get3A_332] : memref<64x16xf32, #tpu.memory_space<vmem>>, vector<64x1xf32>
    %mul3A_334 = vector.broadcast %get3A_333 : vector<64x1xf32> to vector<64x1024xf32>
    %mul3A_335 = vector.broadcast %convert_element_type3A_24 : vector<1x1024xf32> to vector<64x1024xf32>
    %mul3A_336 = arith.mulf %mul3A_334, %mul3A_335 : vector<64x1024xf32>
    %add3A_337 = arith.addf %slice3A_330, %mul3A_336 : vector<64x1024xf32>
    %get3A_338 = arith.constant 0 : index
    %get3A_339 = arith.constant 3 : index
    %get3A_340 = vector.load %arg5[%get3A_338, %get3A_339] : memref<64x16xf32, #tpu.memory_space<vmem>>, vector<64x1xf32>
    %mul3A_341 = vector.broadcast %get3A_340 : vector<64x1xf32> to vector<64x1024xf32>
    %mul3A_342 = vector.broadcast %convert_element_type3A_29 : vector<1x1024xf32> to vector<64x1024xf32>
    %mul3A_343 = arith.mulf %mul3A_341, %mul3A_342 : vector<64x1024xf32>
    %add3A_344 = arith.addf %add3A_337, %mul3A_343 : vector<64x1024xf32>
    %get3A_345 = arith.constant 0 : index
    %get3A_346 = arith.constant 4 : index
    %get3A_347 = vector.load %arg5[%get3A_345, %get3A_346] : memref<64x16xf32, #tpu.memory_space<vmem>>, vector<64x1xf32>
    %add3A_348 = vector.broadcast %get3A_347 : vector<64x1xf32> to vector<64x1024xf32>
    %add3A_349 = arith.addf %add3A_344, %add3A_348 : vector<64x1024xf32>
    %get3A_350 = arith.constant 0 : index
    %get3A_351 = arith.constant 8 : index
    %get3A_352 = vector.load %arg5[%get3A_350, %get3A_351] : memref<64x16xf32, #tpu.memory_space<vmem>>, vector<64x1xf32>
    %get3A_353 = arith.constant 0 : index
    %get3A_354 = arith.constant 9 : index
    %get3A_355 = vector.load %arg5[%get3A_353, %get3A_354] : memref<64x16xf32, #tpu.memory_space<vmem>>, vector<64x1xf32>
    %reduce_sum3A_356 = arith.constant dense<0.000000e+00> : vector<1024xf32>
    %reduce_sum3A_357 = vector.multi_reduction <add>, %add3A_349, %reduce_sum3A_356 [0] : vector<64x1024xf32> to vector<1024xf32>
    %broadcast_in_dim3A_358 = vector.shape_cast %reduce_sum3A_357 : vector<1024xf32> to vector<1x1024xf32>
    %div3A_359 = arith.constant 6.400000e+01 : f32
    %div3A_360 = vector.broadcast %div3A_359 : f32 to vector<1x1024xf32>
    %div3A_361 = arith.divf %broadcast_in_dim3A_358, %div3A_360 : vector<1x1024xf32>
    %sub3A_362 = vector.broadcast %div3A_361 : vector<1x1024xf32> to vector<64x1024xf32>
    %sub3A_363 = arith.subf %add3A_349, %sub3A_362 : vector<64x1024xf32>
    %mul3A_364 = arith.mulf %sub3A_363, %sub3A_363 : vector<64x1024xf32>
    %reduce_sum3A_365 = arith.constant dense<0.000000e+00> : vector<1024xf32>
    %reduce_sum3A_366 = vector.multi_reduction <add>, %mul3A_364, %reduce_sum3A_365 [0] : vector<64x1024xf32> to vector<1024xf32>
    %broadcast_in_dim3A_367 = vector.shape_cast %reduce_sum3A_366 : vector<1024xf32> to vector<1x1024xf32>
    %div3A_368 = arith.constant 6.400000e+01 : f32
    %div3A_369 = vector.broadcast %div3A_368 : f32 to vector<1x1024xf32>
    %div3A_370 = arith.divf %broadcast_in_dim3A_367, %div3A_369 : vector<1x1024xf32>
    %mul3A_371 = vector.broadcast %get3A_352 : vector<64x1xf32> to vector<64x1024xf32>
    %mul3A_372 = arith.mulf %mul3A_371, %sub3A_363 : vector<64x1024xf32>
    %add3A_373 = arith.constant 9.99999974E-6 : f32
    %add3A_374 = vector.broadcast %add3A_373 : f32 to vector<1x1024xf32>
    %add3A_375 = arith.addf %div3A_370, %add3A_374 : vector<1x1024xf32>
    %rsqrt3A_376 = math.rsqrt %add3A_375 : vector<1x1024xf32>
    %mul3A_377 = vector.broadcast %rsqrt3A_376 : vector<1x1024xf32> to vector<64x1024xf32>
    %mul3A_378 = arith.mulf %mul3A_372, %mul3A_377 : vector<64x1024xf32>
    %add3A_379 = vector.broadcast %get3A_355 : vector<64x1xf32> to vector<64x1024xf32>
    %add3A_380 = arith.addf %mul3A_378, %add3A_379 : vector<64x1024xf32>
    %mul3A_381 = arith.constant 5.000000e-01 : f32
    %mul3A_382 = vector.broadcast %mul3A_381 : f32 to vector<64x1024xf32>
    %mul3A_383 = arith.mulf %mul3A_382, %add3A_380 : vector<64x1024xf32>
    %mul3A_384 = arith.constant 4.471500e-02 : f32
    %mul3A_385 = vector.broadcast %mul3A_384 : f32 to vector<64x1024xf32>
    %mul3A_386 = arith.mulf %mul3A_385, %add3A_380 : vector<64x1024xf32>
    %mul3A_387 = arith.mulf %mul3A_386, %add3A_380 : vector<64x1024xf32>
    %mul3A_388 = arith.mulf %mul3A_387, %add3A_380 : vector<64x1024xf32>
    %add3A_389 = arith.addf %add3A_380, %mul3A_388 : vector<64x1024xf32>
    %mul3A_390 = arith.constant 0.797884583 : f32
    %mul3A_391 = vector.broadcast %mul3A_390 : f32 to vector<64x1024xf32>
    %mul3A_392 = arith.mulf %mul3A_391, %add3A_389 : vector<64x1024xf32>
    %tanh3A_393 = math.tanh %mul3A_392 : vector<64x1024xf32>
    %add3A_394 = arith.constant 1.000000e+00 : f32
    %add3A_395 = vector.broadcast %add3A_394 : f32 to vector<64x1024xf32>
    %add3A_396 = arith.addf %add3A_395, %tanh3A_393 : vector<64x1024xf32>
    %mul3A_397 = arith.mulf %mul3A_383, %add3A_396 : vector<64x1024xf32>
    %slice3A_398 = vector.extract_strided_slice %dot_general3A_278 {offsets = [128, 0], sizes = [64, 1024], strides = [1, 1]} : vector<192x1024xf32> to vector<64x1024xf32>
    %get3A_399 = arith.constant 0 : index
    %get3A_400 = arith.constant 5 : index
    %get3A_401 = vector.load %arg5[%get3A_399, %get3A_400] : memref<64x16xf32, #tpu.memory_space<vmem>>, vector<64x1xf32>
    %add3A_402 = vector.broadcast %get3A_401 : vector<64x1xf32> to vector<64x1024xf32>
    %add3A_403 = arith.addf %slice3A_398, %add3A_402 : vector<64x1024xf32>
    %get3A_404 = arith.constant 0 : index
    %get3A_405 = arith.constant 10 : index
    %get3A_406 = vector.load %arg5[%get3A_404, %get3A_405] : memref<64x16xf32, #tpu.memory_space<vmem>>, vector<64x1xf32>
    %get3A_407 = arith.constant 0 : index
    %get3A_408 = arith.constant 11 : index
    %get3A_409 = vector.load %arg5[%get3A_407, %get3A_408] : memref<64x16xf32, #tpu.memory_space<vmem>>, vector<64x1xf32>
    %reduce_sum3A_410 = arith.constant dense<0.000000e+00> : vector<1024xf32>
    %reduce_sum3A_411 = vector.multi_reduction <add>, %add3A_403, %reduce_sum3A_410 [0] : vector<64x1024xf32> to vector<1024xf32>
    %broadcast_in_dim3A_412 = vector.shape_cast %reduce_sum3A_411 : vector<1024xf32> to vector<1x1024xf32>
    %div3A_413 = arith.constant 6.400000e+01 : f32
    %div3A_414 = vector.broadcast %div3A_413 : f32 to vector<1x1024xf32>
    %div3A_415 = arith.divf %broadcast_in_dim3A_412, %div3A_414 : vector<1x1024xf32>
    %sub3A_416 = vector.broadcast %div3A_415 : vector<1x1024xf32> to vector<64x1024xf32>
    %sub3A_417 = arith.subf %add3A_403, %sub3A_416 : vector<64x1024xf32>
    %mul3A_418 = arith.mulf %sub3A_417, %sub3A_417 : vector<64x1024xf32>
    %reduce_sum3A_419 = arith.constant dense<0.000000e+00> : vector<1024xf32>
    %reduce_sum3A_420 = vector.multi_reduction <add>, %mul3A_418, %reduce_sum3A_419 [0] : vector<64x1024xf32> to vector<1024xf32>
    %broadcast_in_dim3A_421 = vector.shape_cast %reduce_sum3A_420 : vector<1024xf32> to vector<1x1024xf32>
    %div3A_422 = arith.constant 6.400000e+01 : f32
    %div3A_423 = vector.broadcast %div3A_422 : f32 to vector<1x1024xf32>
    %div3A_424 = arith.divf %broadcast_in_dim3A_421, %div3A_423 : vector<1x1024xf32>
    %mul3A_425 = vector.broadcast %get3A_406 : vector<64x1xf32> to vector<64x1024xf32>
    %mul3A_426 = arith.mulf %mul3A_425, %sub3A_417 : vector<64x1024xf32>
    %add3A_427 = arith.constant 9.99999974E-6 : f32
    %add3A_428 = vector.broadcast %add3A_427 : f32 to vector<1x1024xf32>
    %add3A_429 = arith.addf %div3A_424, %add3A_428 : vector<1x1024xf32>
    %rsqrt3A_430 = math.rsqrt %add3A_429 : vector<1x1024xf32>
    %mul3A_431 = vector.broadcast %rsqrt3A_430 : vector<1x1024xf32> to vector<64x1024xf32>
    %mul3A_432 = arith.mulf %mul3A_426, %mul3A_431 : vector<64x1024xf32>
    %add3A_433 = vector.broadcast %get3A_409 : vector<64x1xf32> to vector<64x1024xf32>
    %add3A_434 = arith.addf %mul3A_432, %add3A_433 : vector<64x1024xf32>
    %get3A_435 = arith.constant 0 : index
    %get3A_436 = arith.constant 12 : index
    %get3A_437 = vector.load %arg5[%get3A_435, %get3A_436] : memref<64x16xf32, #tpu.memory_space<vmem>>, vector<64x1xf32>
    %mul3A_438 = vector.broadcast %get3A_437 : vector<64x1xf32> to vector<64x1024xf32>
    %mul3A_439 = arith.mulf %select_n3A_329, %mul3A_438 : vector<64x1024xf32>
    %reduce_sum3A_440 = arith.constant dense<0.000000e+00> : vector<1024xf32>
    %reduce_sum3A_441 = vector.multi_reduction <add>, %mul3A_439, %reduce_sum3A_440 [0] : vector<64x1024xf32> to vector<1024xf32>
    %broadcast_in_dim3A_442 = vector.shape_cast %reduce_sum3A_441 : vector<1024xf32> to vector<1x1024xf32>
    %get3A_443 = arith.constant 0 : index
    %get3A_444 = arith.constant 13 : index
    %get3A_445 = vector.load %arg5[%get3A_443, %get3A_444] : memref<64x16xf32, #tpu.memory_space<vmem>>, vector<64x1xf32>
    %mul3A_446 = vector.broadcast %get3A_445 : vector<64x1xf32> to vector<64x1024xf32>
    %mul3A_447 = arith.mulf %mul3A_397, %mul3A_446 : vector<64x1024xf32>
    %reduce_sum3A_448 = arith.constant dense<0.000000e+00> : vector<1024xf32>
    %reduce_sum3A_449 = vector.multi_reduction <add>, %mul3A_447, %reduce_sum3A_448 [0] : vector<64x1024xf32> to vector<1024xf32>
    %broadcast_in_dim3A_450 = vector.shape_cast %reduce_sum3A_449 : vector<1024xf32> to vector<1x1024xf32>
    %add3A_451 = arith.addf %broadcast_in_dim3A_442, %broadcast_in_dim3A_450 : vector<1x1024xf32>
    %add3A_452 = vector.broadcast %get3A_42 : vector<1x1xf32> to vector<1x1024xf32>
    %add3A_453 = arith.addf %add3A_451, %add3A_452 : vector<1x1024xf32>
    %neg3A_454 = arith.constant 0.000000e+00 : f32
    %neg3A_455 = vector.broadcast %neg3A_454 : f32 to vector<1x1024xf32>
    %neg3A_456 = arith.subf %neg3A_455, %add3A_453 : vector<1x1024xf32>
    %exp3A_457 = math.exp %neg3A_456 : vector<1x1024xf32>
    %add3A_458 = arith.constant 1.000000e+00 : f32
    %add3A_459 = vector.broadcast %add3A_458 : f32 to vector<1x1024xf32>
    %add3A_460 = arith.addf %add3A_459, %exp3A_457 : vector<1x1024xf32>
    %div3A_461 = arith.constant 1.000000e+00 : f32
    %div3A_462 = vector.broadcast %div3A_461 : f32 to vector<1x1024xf32>
    %div3A_463 = arith.divf %div3A_462, %add3A_460 : vector<1x1024xf32>
    %add3A_464 = arith.constant 3.000000e-01 : f32
    %add3A_465 = vector.broadcast %add3A_464 : f32 to vector<1x1024xf32>
    %add3A_466 = arith.addf %div3A_463, %add3A_465 : vector<1x1024xf32>
    %mul3A_467 = vector.broadcast %add3A_466 : vector<1x1024xf32> to vector<64x1024xf32>
    %mul3A_468 = arith.mulf %mul3A_467, %select_n3A_329 : vector<64x1024xf32>
    %sub3A_469 = arith.constant 1.300000e+00 : f32
    %sub3A_470 = vector.broadcast %sub3A_469 : f32 to vector<1x1024xf32>
    %sub3A_471 = arith.subf %sub3A_470, %div3A_463 : vector<1x1024xf32>
    %mul3A_472 = vector.broadcast %sub3A_471 : vector<1x1024xf32> to vector<64x1024xf32>
    %mul3A_473 = arith.mulf %mul3A_472, %mul3A_397 : vector<64x1024xf32>
    %add3A_474 = arith.addf %mul3A_468, %mul3A_473 : vector<64x1024xf32>
    %mul3A_475 = arith.constant 1.000000e-01 : f32
    %mul3A_476 = vector.broadcast %mul3A_475 : f32 to vector<64x1024xf32>
    %mul3A_477 = arith.mulf %mul3A_476, %add3A_434 : vector<64x1024xf32>
    %add3A_478 = arith.addf %add3A_474, %mul3A_477 : vector<64x1024xf32>
    %swap3A_479 = arith.constant 1 : index
    %swap3A_480 = arith.constant 0 : index
    %swap3A_481 = arith.constant 0 : index
    %swap3A_482 = vector.load %arg6[%swap3A_479, %swap3A_480, %swap3A_481] : memref<4x64x1024xf32, #tpu.memory_space<vmem>>, vector<1x64x1024xf32>
    %swap3A_483 = vector.shape_cast %swap3A_482 : vector<1x64x1024xf32> to vector<64x1024xf32>
    %swap3A_484 = vector.shape_cast %add3A_478 : vector<64x1024xf32> to vector<1x64x1024xf32>
    tpu.vector_store %arg6[%swap3A_479, %swap3A_480, %swap3A_481], %swap3A_484 {strides = array<i32>} : memref<4x64x1024xf32, #tpu.memory_space<vmem>>, vector<1x64x1024xf32>,
    %swap3A_485 = arith.constant 1 : index
    %swap3A_486 = arith.constant 0 : index
    %swap3A_487 = arith.constant 0 : index
    %swap3A_488 = vector.load %arg7[%swap3A_485, %swap3A_486, %swap3A_487] : memref<4x64x1024xf32, #tpu.memory_space<vmem>>, vector<1x64x1024xf32>
    %swap3A_489 = vector.shape_cast %swap3A_488 : vector<1x64x1024xf32> to vector<64x1024xf32>
    %swap3A_490 = vector.shape_cast %select_n3A_329 : vector<64x1024xf32> to vector<1x64x1024xf32>
    tpu.vector_store %arg7[%swap3A_485, %swap3A_486, %swap3A_487], %swap3A_490 {strides = array<i32>} : memref<4x64x1024xf32, #tpu.memory_space<vmem>>, vector<1x64x1024xf32>,
    %swap3A_491 = arith.constant 1 : index
    %swap3A_492 = arith.constant 0 : index
    %swap3A_493 = arith.constant 0 : index
    %swap3A_494 = vector.load %arg8[%swap3A_491, %swap3A_492, %swap3A_493] : memref<4x64x1024xf32, #tpu.memory_space<vmem>>, vector<1x64x1024xf32>
    %swap3A_495 = vector.shape_cast %swap3A_494 : vector<1x64x1024xf32> to vector<64x1024xf32>
    %swap3A_496 = vector.shape_cast %mul3A_397 : vector<64x1024xf32> to vector<1x64x1024xf32>
    tpu.vector_store %arg8[%swap3A_491, %swap3A_492, %swap3A_493], %swap3A_496 {strides = array<i32>} : memref<4x64x1024xf32, #tpu.memory_space<vmem>>, vector<1x64x1024xf32>,
    %get3A_497 = arith.constant 24 : index
    %get3A_498 = arith.constant 0 : index
    %get3A_499 = vector.load %arg1[%get3A_497, %get3A_498] : memref<48x1024xf32, #tpu.memory_space<vmem>>, vector<12x1024xf32>
    %slice3A_500 = vector.extract_strided_slice %transpose3A {offsets = [24, 0], sizes = [12, 1024], strides = [1, 1]} : vector<64x1024xf32> to vector<12x1024xf32>
    %mul3A_501 = vector.broadcast %div3A_33 : vector<1x1024xf32> to vector<12x1024xf32>
    %mul3A_502 = arith.mulf %slice3A_500, %mul3A_501 : vector<12x1024xf32>
    %slice3A_503 = vector.extract_strided_slice %transpose3A_20 {offsets = [24, 0], sizes = [12, 1024], strides = [1, 1]} : vector<64x1024xf32> to vector<12x1024xf32>
    %mul3A_504 = vector.broadcast %div3A_39 : vector<1x1024xf32> to vector<12x1024xf32>
    %mul3A_505 = arith.mulf %slice3A_503, %mul3A_504 : vector<12x1024xf32>
    %concatenate3A_506 = tpu.concatenate %mul3A_502, %mul3A_505, %get3A_499 in 0 : vector<12x1024xf32>, vector<12x1024xf32>, vector<12x1024xf32> -> vector<36x1024xf32>
    %get3A_507 = arith.constant 0 : index
    %get3A_508 = arith.constant 0 : index
    %get3A_509 = vector.load %arg4[%get3A_507, %get3A_508] : memref<192x36xf32, #tpu.memory_space<vmem>>, vector<192x36xf32>
    %dot_general3A_510 = arith.constant dense<0.000000e+00> : vector<192x1024xf32>
    %dot_general3A_511 = tpu.matmul %get3A_509, %concatenate3A_506, %dot_general3A_510 {dimension_numbers = #tpu.dot_dimension_numbers<[1], [0], [0], [1], [0, 0, 1, 1], [], []>, precision = #tpu.contract_precision<fp32>, transpose_lhs_hint = false} : vector<192x36xf32>, vector<36x1024xf32>, vector<192x1024xf32> -> vector<192x1024xf32>
    %slice3A_512 = vector.extract_strided_slice %dot_general3A_511 {offsets = [0, 0], sizes = [64, 1024], strides = [1, 1]} : vector<192x1024xf32> to vector<64x1024xf32>
    %get3A_513 = arith.constant 0 : index
    %get3A_514 = arith.constant 0 : index
    %get3A_515 = vector.load %arg5[%get3A_513, %get3A_514] : memref<64x16xf32, #tpu.memory_space<vmem>>, vector<64x1xf32>
    %mul3A_516 = vector.broadcast %get3A_515 : vector<64x1xf32> to vector<64x1024xf32>
    %mul3A_517 = vector.broadcast %convert_element_type3A_24 : vector<1x1024xf32> to vector<64x1024xf32>
    %mul3A_518 = arith.mulf %mul3A_516, %mul3A_517 : vector<64x1024xf32>
    %add3A_519 = arith.addf %slice3A_512, %mul3A_518 : vector<64x1024xf32>
    %get3A_520 = arith.constant 0 : index
    %get3A_521 = arith.constant 1 : index
    %get3A_522 = vector.load %arg5[%get3A_520, %get3A_521] : memref<64x16xf32, #tpu.memory_space<vmem>>, vector<64x1xf32>
    %add3A_523 = vector.broadcast %get3A_522 : vector<64x1xf32> to vector<64x1024xf32>
    %add3A_524 = arith.addf %add3A_519, %add3A_523 : vector<64x1024xf32>
    %get3A_525 = arith.constant 0 : index
    %get3A_526 = arith.constant 6 : index
    %get3A_527 = vector.load %arg5[%get3A_525, %get3A_526] : memref<64x16xf32, #tpu.memory_space<vmem>>, vector<64x1xf32>
    %get3A_528 = arith.constant 0 : index
    %get3A_529 = arith.constant 7 : index
    %get3A_530 = vector.load %arg5[%get3A_528, %get3A_529] : memref<64x16xf32, #tpu.memory_space<vmem>>, vector<64x1xf32>
    %reduce_sum3A_531 = arith.constant dense<0.000000e+00> : vector<1024xf32>
    %reduce_sum3A_532 = vector.multi_reduction <add>, %add3A_524, %reduce_sum3A_531 [0] : vector<64x1024xf32> to vector<1024xf32>
    %broadcast_in_dim3A_533 = vector.shape_cast %reduce_sum3A_532 : vector<1024xf32> to vector<1x1024xf32>
    %div3A_534 = arith.constant 6.400000e+01 : f32
    %div3A_535 = vector.broadcast %div3A_534 : f32 to vector<1x1024xf32>
    %div3A_536 = arith.divf %broadcast_in_dim3A_533, %div3A_535 : vector<1x1024xf32>
    %sub3A_537 = vector.broadcast %div3A_536 : vector<1x1024xf32> to vector<64x1024xf32>
    %sub3A_538 = arith.subf %add3A_524, %sub3A_537 : vector<64x1024xf32>
    %mul3A_539 = arith.mulf %sub3A_538, %sub3A_538 : vector<64x1024xf32>
    %reduce_sum3A_540 = arith.constant dense<0.000000e+00> : vector<1024xf32>
    %reduce_sum3A_541 = vector.multi_reduction <add>, %mul3A_539, %reduce_sum3A_540 [0] : vector<64x1024xf32> to vector<1024xf32>
    %broadcast_in_dim3A_542 = vector.shape_cast %reduce_sum3A_541 : vector<1024xf32> to vector<1x1024xf32>
    %div3A_543 = arith.constant 6.400000e+01 : f32
    %div3A_544 = vector.broadcast %div3A_543 : f32 to vector<1x1024xf32>
    %div3A_545 = arith.divf %broadcast_in_dim3A_542, %div3A_544 : vector<1x1024xf32>
    %mul3A_546 = vector.broadcast %get3A_527 : vector<64x1xf32> to vector<64x1024xf32>
    %mul3A_547 = arith.mulf %mul3A_546, %sub3A_538 : vector<64x1024xf32>
    %add3A_548 = arith.constant 9.99999974E-6 : f32
    %add3A_549 = vector.broadcast %add3A_548 : f32 to vector<1x1024xf32>
    %add3A_550 = arith.addf %div3A_545, %add3A_549 : vector<1x1024xf32>
    %rsqrt3A_551 = math.rsqrt %add3A_550 : vector<1x1024xf32>
    %mul3A_552 = vector.broadcast %rsqrt3A_551 : vector<1x1024xf32> to vector<64x1024xf32>
    %mul3A_553 = arith.mulf %mul3A_547, %mul3A_552 : vector<64x1024xf32>
    %add3A_554 = vector.broadcast %get3A_530 : vector<64x1xf32> to vector<64x1024xf32>
    %add3A_555 = arith.addf %mul3A_553, %add3A_554 : vector<64x1024xf32>
    %gt3A_556 = arith.constant 0.000000e+00 : f32
    %gt3A_557 = vector.broadcast %gt3A_556 : f32 to vector<64x1024xf32>
    %gt3A_558 = arith.cmpf ogt, %add3A_555, %gt3A_557 : vector<64x1024xf32>
    %mul3A_559 = arith.constant 1.000000e-01 : f32
    %mul3A_560 = vector.broadcast %mul3A_559 : f32 to vector<64x1024xf32>
    %mul3A_561 = arith.mulf %mul3A_560, %add3A_555 : vector<64x1024xf32>
    %select_n3A_562 = arith.select %gt3A_558, %add3A_555, %mul3A_561 : vector<64x1024xi1>, vector<64x1024xf32>
    %slice3A_563 = vector.extract_strided_slice %dot_general3A_511 {offsets = [64, 0], sizes = [64, 1024], strides = [1, 1]} : vector<192x1024xf32> to vector<64x1024xf32>
    %get3A_564 = arith.constant 0 : index
    %get3A_565 = arith.constant 2 : index
    %get3A_566 = vector.load %arg5[%get3A_564, %get3A_565] : memref<64x16xf32, #tpu.memory_space<vmem>>, vector<64x1xf32>
    %mul3A_567 = vector.broadcast %get3A_566 : vector<64x1xf32> to vector<64x1024xf32>
    %mul3A_568 = vector.broadcast %convert_element_type3A_24 : vector<1x1024xf32> to vector<64x1024xf32>
    %mul3A_569 = arith.mulf %mul3A_567, %mul3A_568 : vector<64x1024xf32>
    %add3A_570 = arith.addf %slice3A_563, %mul3A_569 : vector<64x1024xf32>
    %get3A_571 = arith.constant 0 : index
    %get3A_572 = arith.constant 3 : index
    %get3A_573 = vector.load %arg5[%get3A_571, %get3A_572] : memref<64x16xf32, #tpu.memory_space<vmem>>, vector<64x1xf32>
    %mul3A_574 = vector.broadcast %get3A_573 : vector<64x1xf32> to vector<64x1024xf32>
    %mul3A_575 = vector.broadcast %convert_element_type3A_29 : vector<1x1024xf32> to vector<64x1024xf32>
    %mul3A_576 = arith.mulf %mul3A_574, %mul3A_575 : vector<64x1024xf32>
    %add3A_577 = arith.addf %add3A_570, %mul3A_576 : vector<64x1024xf32>
    %get3A_578 = arith.constant 0 : index
    %get3A_579 = arith.constant 4 : index
    %get3A_580 = vector.load %arg5[%get3A_578, %get3A_579] : memref<64x16xf32, #tpu.memory_space<vmem>>, vector<64x1xf32>
    %add3A_581 = vector.broadcast %get3A_580 : vector<64x1xf32> to vector<64x1024xf32>
    %add3A_582 = arith.addf %add3A_577, %add3A_581 : vector<64x1024xf32>
    %get3A_583 = arith.constant 0 : index
    %get3A_584 = arith.constant 8 : index
    %get3A_585 = vector.load %arg5[%get3A_583, %get3A_584] : memref<64x16xf32, #tpu.memory_space<vmem>>, vector<64x1xf32>
    %get3A_586 = arith.constant 0 : index
    %get3A_587 = arith.constant 9 : index
    %get3A_588 = vector.load %arg5[%get3A_586, %get3A_587] : memref<64x16xf32, #tpu.memory_space<vmem>>, vector<64x1xf32>
    %reduce_sum3A_589 = arith.constant dense<0.000000e+00> : vector<1024xf32>
    %reduce_sum3A_590 = vector.multi_reduction <add>, %add3A_582, %reduce_sum3A_589 [0] : vector<64x1024xf32> to vector<1024xf32>
    %broadcast_in_dim3A_591 = vector.shape_cast %reduce_sum3A_590 : vector<1024xf32> to vector<1x1024xf32>
    %div3A_592 = arith.constant 6.400000e+01 : f32
    %div3A_593 = vector.broadcast %div3A_592 : f32 to vector<1x1024xf32>
    %div3A_594 = arith.divf %broadcast_in_dim3A_591, %div3A_593 : vector<1x1024xf32>
    %sub3A_595 = vector.broadcast %div3A_594 : vector<1x1024xf32> to vector<64x1024xf32>
    %sub3A_596 = arith.subf %add3A_582, %sub3A_595 : vector<64x1024xf32>
    %mul3A_597 = arith.mulf %sub3A_596, %sub3A_596 : vector<64x1024xf32>
    %reduce_sum3A_598 = arith.constant dense<0.000000e+00> : vector<1024xf32>
    %reduce_sum3A_599 = vector.multi_reduction <add>, %mul3A_597, %reduce_sum3A_598 [0] : vector<64x1024xf32> to vector<1024xf32>
    %broadcast_in_dim3A_600 = vector.shape_cast %reduce_sum3A_599 : vector<1024xf32> to vector<1x1024xf32>
    %div3A_601 = arith.constant 6.400000e+01 : f32
    %div3A_602 = vector.broadcast %div3A_601 : f32 to vector<1x1024xf32>
    %div3A_603 = arith.divf %broadcast_in_dim3A_600, %div3A_602 : vector<1x1024xf32>
    %mul3A_604 = vector.broadcast %get3A_585 : vector<64x1xf32> to vector<64x1024xf32>
    %mul3A_605 = arith.mulf %mul3A_604, %sub3A_596 : vector<64x1024xf32>
    %add3A_606 = arith.constant 9.99999974E-6 : f32
    %add3A_607 = vector.broadcast %add3A_606 : f32 to vector<1x1024xf32>
    %add3A_608 = arith.addf %div3A_603, %add3A_607 : vector<1x1024xf32>
    %rsqrt3A_609 = math.rsqrt %add3A_608 : vector<1x1024xf32>
    %mul3A_610 = vector.broadcast %rsqrt3A_609 : vector<1x1024xf32> to vector<64x1024xf32>
    %mul3A_611 = arith.mulf %mul3A_605, %mul3A_610 : vector<64x1024xf32>
    %add3A_612 = vector.broadcast %get3A_588 : vector<64x1xf32> to vector<64x1024xf32>
    %add3A_613 = arith.addf %mul3A_611, %add3A_612 : vector<64x1024xf32>
    %mul3A_614 = arith.constant 5.000000e-01 : f32
    %mul3A_615 = vector.broadcast %mul3A_614 : f32 to vector<64x1024xf32>
    %mul3A_616 = arith.mulf %mul3A_615, %add3A_613 : vector<64x1024xf32>
    %mul3A_617 = arith.constant 4.471500e-02 : f32
    %mul3A_618 = vector.broadcast %mul3A_617 : f32 to vector<64x1024xf32>
    %mul3A_619 = arith.mulf %mul3A_618, %add3A_613 : vector<64x1024xf32>
    %mul3A_620 = arith.mulf %mul3A_619, %add3A_613 : vector<64x1024xf32>
    %mul3A_621 = arith.mulf %mul3A_620, %add3A_613 : vector<64x1024xf32>
    %add3A_622 = arith.addf %add3A_613, %mul3A_621 : vector<64x1024xf32>
    %mul3A_623 = arith.constant 0.797884583 : f32
    %mul3A_624 = vector.broadcast %mul3A_623 : f32 to vector<64x1024xf32>
    %mul3A_625 = arith.mulf %mul3A_624, %add3A_622 : vector<64x1024xf32>
    %tanh3A_626 = math.tanh %mul3A_625 : vector<64x1024xf32>
    %add3A_627 = arith.constant 1.000000e+00 : f32
    %add3A_628 = vector.broadcast %add3A_627 : f32 to vector<64x1024xf32>
    %add3A_629 = arith.addf %add3A_628, %tanh3A_626 : vector<64x1024xf32>
    %mul3A_630 = arith.mulf %mul3A_616, %add3A_629 : vector<64x1024xf32>
    %slice3A_631 = vector.extract_strided_slice %dot_general3A_511 {offsets = [128, 0], sizes = [64, 1024], strides = [1, 1]} : vector<192x1024xf32> to vector<64x1024xf32>
    %get3A_632 = arith.constant 0 : index
    %get3A_633 = arith.constant 5 : index
    %get3A_634 = vector.load %arg5[%get3A_632, %get3A_633] : memref<64x16xf32, #tpu.memory_space<vmem>>, vector<64x1xf32>
    %add3A_635 = vector.broadcast %get3A_634 : vector<64x1xf32> to vector<64x1024xf32>
    %add3A_636 = arith.addf %slice3A_631, %add3A_635 : vector<64x1024xf32>
    %get3A_637 = arith.constant 0 : index
    %get3A_638 = arith.constant 10 : index
    %get3A_639 = vector.load %arg5[%get3A_637, %get3A_638] : memref<64x16xf32, #tpu.memory_space<vmem>>, vector<64x1xf32>
    %get3A_640 = arith.constant 0 : index
    %get3A_641 = arith.constant 11 : index
    %get3A_642 = vector.load %arg5[%get3A_640, %get3A_641] : memref<64x16xf32, #tpu.memory_space<vmem>>, vector<64x1xf32>
    %reduce_sum3A_643 = arith.constant dense<0.000000e+00> : vector<1024xf32>
    %reduce_sum3A_644 = vector.multi_reduction <add>, %add3A_636, %reduce_sum3A_643 [0] : vector<64x1024xf32> to vector<1024xf32>
    %broadcast_in_dim3A_645 = vector.shape_cast %reduce_sum3A_644 : vector<1024xf32> to vector<1x1024xf32>
    %div3A_646 = arith.constant 6.400000e+01 : f32
    %div3A_647 = vector.broadcast %div3A_646 : f32 to vector<1x1024xf32>
    %div3A_648 = arith.divf %broadcast_in_dim3A_645, %div3A_647 : vector<1x1024xf32>
    %sub3A_649 = vector.broadcast %div3A_648 : vector<1x1024xf32> to vector<64x1024xf32>
    %sub3A_650 = arith.subf %add3A_636, %sub3A_649 : vector<64x1024xf32>
    %mul3A_651 = arith.mulf %sub3A_650, %sub3A_650 : vector<64x1024xf32>
    %reduce_sum3A_652 = arith.constant dense<0.000000e+00> : vector<1024xf32>
    %reduce_sum3A_653 = vector.multi_reduction <add>, %mul3A_651, %reduce_sum3A_652 [0] : vector<64x1024xf32> to vector<1024xf32>
    %broadcast_in_dim3A_654 = vector.shape_cast %reduce_sum3A_653 : vector<1024xf32> to vector<1x1024xf32>
    %div3A_655 = arith.constant 6.400000e+01 : f32
    %div3A_656 = vector.broadcast %div3A_655 : f32 to vector<1x1024xf32>
    %div3A_657 = arith.divf %broadcast_in_dim3A_654, %div3A_656 : vector<1x1024xf32>
    %mul3A_658 = vector.broadcast %get3A_639 : vector<64x1xf32> to vector<64x1024xf32>
    %mul3A_659 = arith.mulf %mul3A_658, %sub3A_650 : vector<64x1024xf32>
    %add3A_660 = arith.constant 9.99999974E-6 : f32
    %add3A_661 = vector.broadcast %add3A_660 : f32 to vector<1x1024xf32>
    %add3A_662 = arith.addf %div3A_657, %add3A_661 : vector<1x1024xf32>
    %rsqrt3A_663 = math.rsqrt %add3A_662 : vector<1x1024xf32>
    %mul3A_664 = vector.broadcast %rsqrt3A_663 : vector<1x1024xf32> to vector<64x1024xf32>
    %mul3A_665 = arith.mulf %mul3A_659, %mul3A_664 : vector<64x1024xf32>
    %add3A_666 = vector.broadcast %get3A_642 : vector<64x1xf32> to vector<64x1024xf32>
    %add3A_667 = arith.addf %mul3A_665, %add3A_666 : vector<64x1024xf32>
    %get3A_668 = arith.constant 0 : index
    %get3A_669 = arith.constant 12 : index
    %get3A_670 = vector.load %arg5[%get3A_668, %get3A_669] : memref<64x16xf32, #tpu.memory_space<vmem>>, vector<64x1xf32>
    %mul3A_671 = vector.broadcast %get3A_670 : vector<64x1xf32> to vector<64x1024xf32>
    %mul3A_672 = arith.mulf %select_n3A_562, %mul3A_671 : vector<64x1024xf32>
    %reduce_sum3A_673 = arith.constant dense<0.000000e+00> : vector<1024xf32>
    %reduce_sum3A_674 = vector.multi_reduction <add>, %mul3A_672, %reduce_sum3A_673 [0] : vector<64x1024xf32> to vector<1024xf32>
    %broadcast_in_dim3A_675 = vector.shape_cast %reduce_sum3A_674 : vector<1024xf32> to vector<1x1024xf32>
    %get3A_676 = arith.constant 0 : index
    %get3A_677 = arith.constant 13 : index
    %get3A_678 = vector.load %arg5[%get3A_676, %get3A_677] : memref<64x16xf32, #tpu.memory_space<vmem>>, vector<64x1xf32>
    %mul3A_679 = vector.broadcast %get3A_678 : vector<64x1xf32> to vector<64x1024xf32>
    %mul3A_680 = arith.mulf %mul3A_630, %mul3A_679 : vector<64x1024xf32>
    %reduce_sum3A_681 = arith.constant dense<0.000000e+00> : vector<1024xf32>
    %reduce_sum3A_682 = vector.multi_reduction <add>, %mul3A_680, %reduce_sum3A_681 [0] : vector<64x1024xf32> to vector<1024xf32>
    %broadcast_in_dim3A_683 = vector.shape_cast %reduce_sum3A_682 : vector<1024xf32> to vector<1x1024xf32>
    %add3A_684 = arith.addf %broadcast_in_dim3A_675, %broadcast_in_dim3A_683 : vector<1x1024xf32>
    %add3A_685 = vector.broadcast %get3A_42 : vector<1x1xf32> to vector<1x1024xf32>
    %add3A_686 = arith.addf %add3A_684, %add3A_685 : vector<1x1024xf32>
    %neg3A_687 = arith.constant 0.000000e+00 : f32
    %neg3A_688 = vector.broadcast %neg3A_687 : f32 to vector<1x1024xf32>
    %neg3A_689 = arith.subf %neg3A_688, %add3A_686 : vector<1x1024xf32>
    %exp3A_690 = math.exp %neg3A_689 : vector<1x1024xf32>
    %add3A_691 = arith.constant 1.000000e+00 : f32
    %add3A_692 = vector.broadcast %add3A_691 : f32 to vector<1x1024xf32>
    %add3A_693 = arith.addf %add3A_692, %exp3A_690 : vector<1x1024xf32>
    %div3A_694 = arith.constant 1.000000e+00 : f32
    %div3A_695 = vector.broadcast %div3A_694 : f32 to vector<1x1024xf32>
    %div3A_696 = arith.divf %div3A_695, %add3A_693 : vector<1x1024xf32>
    %add3A_697 = arith.constant 3.000000e-01 : f32
    %add3A_698 = vector.broadcast %add3A_697 : f32 to vector<1x1024xf32>
    %add3A_699 = arith.addf %div3A_696, %add3A_698 : vector<1x1024xf32>
    %mul3A_700 = vector.broadcast %add3A_699 : vector<1x1024xf32> to vector<64x1024xf32>
    %mul3A_701 = arith.mulf %mul3A_700, %select_n3A_562 : vector<64x1024xf32>
    %sub3A_702 = arith.constant 1.300000e+00 : f32
    %sub3A_703 = vector.broadcast %sub3A_702 : f32 to vector<1x1024xf32>
    %sub3A_704 = arith.subf %sub3A_703, %div3A_696 : vector<1x1024xf32>
    %mul3A_705 = vector.broadcast %sub3A_704 : vector<1x1024xf32> to vector<64x1024xf32>
    %mul3A_706 = arith.mulf %mul3A_705, %mul3A_630 : vector<64x1024xf32>
    %add3A_707 = arith.addf %mul3A_701, %mul3A_706 : vector<64x1024xf32>
    %mul3A_708 = arith.constant 1.000000e-01 : f32
    %mul3A_709 = vector.broadcast %mul3A_708 : f32 to vector<64x1024xf32>
    %mul3A_710 = arith.mulf %mul3A_709, %add3A_667 : vector<64x1024xf32>
    %add3A_711 = arith.addf %add3A_707, %mul3A_710 : vector<64x1024xf32>
    %swap3A_712 = arith.constant 2 : index
    %swap3A_713 = arith.constant 0 : index
    %swap3A_714 = arith.constant 0 : index
    %swap3A_715 = vector.load %arg6[%swap3A_712, %swap3A_713, %swap3A_714] : memref<4x64x1024xf32, #tpu.memory_space<vmem>>, vector<1x64x1024xf32>
    %swap3A_716 = vector.shape_cast %swap3A_715 : vector<1x64x1024xf32> to vector<64x1024xf32>
    %swap3A_717 = vector.shape_cast %add3A_711 : vector<64x1024xf32> to vector<1x64x1024xf32>
    tpu.vector_store %arg6[%swap3A_712, %swap3A_713, %swap3A_714], %swap3A_717 {strides = array<i32>} : memref<4x64x1024xf32, #tpu.memory_space<vmem>>, vector<1x64x1024xf32>,
    %swap3A_718 = arith.constant 2 : index
    %swap3A_719 = arith.constant 0 : index
    %swap3A_720 = arith.constant 0 : index
    %swap3A_721 = vector.load %arg7[%swap3A_718, %swap3A_719, %swap3A_720] : memref<4x64x1024xf32, #tpu.memory_space<vmem>>, vector<1x64x1024xf32>
    %swap3A_722 = vector.shape_cast %swap3A_721 : vector<1x64x1024xf32> to vector<64x1024xf32>
    %swap3A_723 = vector.shape_cast %select_n3A_562 : vector<64x1024xf32> to vector<1x64x1024xf32>
    tpu.vector_store %arg7[%swap3A_718, %swap3A_719, %swap3A_720], %swap3A_723 {strides = array<i32>} : memref<4x64x1024xf32, #tpu.memory_space<vmem>>, vector<1x64x1024xf32>,
    %swap3A_724 = arith.constant 2 : index
    %swap3A_725 = arith.constant 0 : index
    %swap3A_726 = arith.constant 0 : index
    %swap3A_727 = vector.load %arg8[%swap3A_724, %swap3A_725, %swap3A_726] : memref<4x64x1024xf32, #tpu.memory_space<vmem>>, vector<1x64x1024xf32>
    %swap3A_728 = vector.shape_cast %swap3A_727 : vector<1x64x1024xf32> to vector<64x1024xf32>
    %swap3A_729 = vector.shape_cast %mul3A_630 : vector<64x1024xf32> to vector<1x64x1024xf32>
    tpu.vector_store %arg8[%swap3A_724, %swap3A_725, %swap3A_726], %swap3A_729 {strides = array<i32>} : memref<4x64x1024xf32, #tpu.memory_space<vmem>>, vector<1x64x1024xf32>,
    %get3A_730 = arith.constant 36 : index
    %get3A_731 = arith.constant 0 : index
    %get3A_732 = vector.load %arg1[%get3A_730, %get3A_731] : memref<48x1024xf32, #tpu.memory_space<vmem>>, vector<12x1024xf32>
    %slice3A_733 = vector.extract_strided_slice %transpose3A {offsets = [36, 0], sizes = [12, 1024], strides = [1, 1]} : vector<64x1024xf32> to vector<12x1024xf32>
    %mul3A_734 = vector.broadcast %div3A_33 : vector<1x1024xf32> to vector<12x1024xf32>
    %mul3A_735 = arith.mulf %slice3A_733, %mul3A_734 : vector<12x1024xf32>
    %slice3A_736 = vector.extract_strided_slice %transpose3A_20 {offsets = [36, 0], sizes = [12, 1024], strides = [1, 1]} : vector<64x1024xf32> to vector<12x1024xf32>
    %mul3A_737 = vector.broadcast %div3A_39 : vector<1x1024xf32> to vector<12x1024xf32>
    %mul3A_738 = arith.mulf %slice3A_736, %mul3A_737 : vector<12x1024xf32>
    %concatenate3A_739 = tpu.concatenate %mul3A_735, %mul3A_738, %get3A_732 in 0 : vector<12x1024xf32>, vector<12x1024xf32>, vector<12x1024xf32> -> vector<36x1024xf32>
    %get3A_740 = arith.constant 0 : index
    %get3A_741 = arith.constant 0 : index
    %get3A_742 = vector.load %arg4[%get3A_740, %get3A_741] : memref<192x36xf32, #tpu.memory_space<vmem>>, vector<192x36xf32>
    %dot_general3A_743 = arith.constant dense<0.000000e+00> : vector<192x1024xf32>
    %dot_general3A_744 = tpu.matmul %get3A_742, %concatenate3A_739, %dot_general3A_743 {dimension_numbers = #tpu.dot_dimension_numbers<[1], [0], [0], [1], [0, 0, 1, 1], [], []>, precision = #tpu.contract_precision<fp32>, transpose_lhs_hint = false} : vector<192x36xf32>, vector<36x1024xf32>, vector<192x1024xf32> -> vector<192x1024xf32>
    %slice3A_745 = vector.extract_strided_slice %dot_general3A_744 {offsets = [0, 0], sizes = [64, 1024], strides = [1, 1]} : vector<192x1024xf32> to vector<64x1024xf32>
    %get3A_746 = arith.constant 0 : index
    %get3A_747 = arith.constant 0 : index
    %get3A_748 = vector.load %arg5[%get3A_746, %get3A_747] : memref<64x16xf32, #tpu.memory_space<vmem>>, vector<64x1xf32>
    %mul3A_749 = vector.broadcast %get3A_748 : vector<64x1xf32> to vector<64x1024xf32>
    %mul3A_750 = vector.broadcast %convert_element_type3A_24 : vector<1x1024xf32> to vector<64x1024xf32>
    %mul3A_751 = arith.mulf %mul3A_749, %mul3A_750 : vector<64x1024xf32>
    %add3A_752 = arith.addf %slice3A_745, %mul3A_751 : vector<64x1024xf32>
    %get3A_753 = arith.constant 0 : index
    %get3A_754 = arith.constant 1 : index
    %get3A_755 = vector.load %arg5[%get3A_753, %get3A_754] : memref<64x16xf32, #tpu.memory_space<vmem>>, vector<64x1xf32>
    %add3A_756 = vector.broadcast %get3A_755 : vector<64x1xf32> to vector<64x1024xf32>
    %add3A_757 = arith.addf %add3A_752, %add3A_756 : vector<64x1024xf32>
    %get3A_758 = arith.constant 0 : index
    %get3A_759 = arith.constant 6 : index
    %get3A_760 = vector.load %arg5[%get3A_758, %get3A_759] : memref<64x16xf32, #tpu.memory_space<vmem>>, vector<64x1xf32>
    %get3A_761 = arith.constant 0 : index
    %get3A_762 = arith.constant 7 : index
    %get3A_763 = vector.load %arg5[%get3A_761, %get3A_762] : memref<64x16xf32, #tpu.memory_space<vmem>>, vector<64x1xf32>
    %reduce_sum3A_764 = arith.constant dense<0.000000e+00> : vector<1024xf32>
    %reduce_sum3A_765 = vector.multi_reduction <add>, %add3A_757, %reduce_sum3A_764 [0] : vector<64x1024xf32> to vector<1024xf32>
    %broadcast_in_dim3A_766 = vector.shape_cast %reduce_sum3A_765 : vector<1024xf32> to vector<1x1024xf32>
    %div3A_767 = arith.constant 6.400000e+01 : f32
    %div3A_768 = vector.broadcast %div3A_767 : f32 to vector<1x1024xf32>
    %div3A_769 = arith.divf %broadcast_in_dim3A_766, %div3A_768 : vector<1x1024xf32>
    %sub3A_770 = vector.broadcast %div3A_769 : vector<1x1024xf32> to vector<64x1024xf32>
    %sub3A_771 = arith.subf %add3A_757, %sub3A_770 : vector<64x1024xf32>
    %mul3A_772 = arith.mulf %sub3A_771, %sub3A_771 : vector<64x1024xf32>
    %reduce_sum3A_773 = arith.constant dense<0.000000e+00> : vector<1024xf32>
    %reduce_sum3A_774 = vector.multi_reduction <add>, %mul3A_772, %reduce_sum3A_773 [0] : vector<64x1024xf32> to vector<1024xf32>
    %broadcast_in_dim3A_775 = vector.shape_cast %reduce_sum3A_774 : vector<1024xf32> to vector<1x1024xf32>
    %div3A_776 = arith.constant 6.400000e+01 : f32
    %div3A_777 = vector.broadcast %div3A_776 : f32 to vector<1x1024xf32>
    %div3A_778 = arith.divf %broadcast_in_dim3A_775, %div3A_777 : vector<1x1024xf32>
    %mul3A_779 = vector.broadcast %get3A_760 : vector<64x1xf32> to vector<64x1024xf32>
    %mul3A_780 = arith.mulf %mul3A_779, %sub3A_771 : vector<64x1024xf32>
    %add3A_781 = arith.constant 9.99999974E-6 : f32
    %add3A_782 = vector.broadcast %add3A_781 : f32 to vector<1x1024xf32>
    %add3A_783 = arith.addf %div3A_778, %add3A_782 : vector<1x1024xf32>
    %rsqrt3A_784 = math.rsqrt %add3A_783 : vector<1x1024xf32>
    %mul3A_785 = vector.broadcast %rsqrt3A_784 : vector<1x1024xf32> to vector<64x1024xf32>
    %mul3A_786 = arith.mulf %mul3A_780, %mul3A_785 : vector<64x1024xf32>
    %add3A_787 = vector.broadcast %get3A_763 : vector<64x1xf32> to vector<64x1024xf32>
    %add3A_788 = arith.addf %mul3A_786, %add3A_787 : vector<64x1024xf32>
    %gt3A_789 = arith.constant 0.000000e+00 : f32
    %gt3A_790 = vector.broadcast %gt3A_789 : f32 to vector<64x1024xf32>
    %gt3A_791 = arith.cmpf ogt, %add3A_788, %gt3A_790 : vector<64x1024xf32>
    %mul3A_792 = arith.constant 1.000000e-01 : f32
    %mul3A_793 = vector.broadcast %mul3A_792 : f32 to vector<64x1024xf32>
    %mul3A_794 = arith.mulf %mul3A_793, %add3A_788 : vector<64x1024xf32>
    %select_n3A_795 = arith.select %gt3A_791, %add3A_788, %mul3A_794 : vector<64x1024xi1>, vector<64x1024xf32>
    %slice3A_796 = vector.extract_strided_slice %dot_general3A_744 {offsets = [64, 0], sizes = [64, 1024], strides = [1, 1]} : vector<192x1024xf32> to vector<64x1024xf32>
    %get3A_797 = arith.constant 0 : index
    %get3A_798 = arith.constant 2 : index
    %get3A_799 = vector.load %arg5[%get3A_797, %get3A_798] : memref<64x16xf32, #tpu.memory_space<vmem>>, vector<64x1xf32>
    %mul3A_800 = vector.broadcast %get3A_799 : vector<64x1xf32> to vector<64x1024xf32>
    %mul3A_801 = vector.broadcast %convert_element_type3A_24 : vector<1x1024xf32> to vector<64x1024xf32>
    %mul3A_802 = arith.mulf %mul3A_800, %mul3A_801 : vector<64x1024xf32>
    %add3A_803 = arith.addf %slice3A_796, %mul3A_802 : vector<64x1024xf32>
    %get3A_804 = arith.constant 0 : index
    %get3A_805 = arith.constant 3 : index
    %get3A_806 = vector.load %arg5[%get3A_804, %get3A_805] : memref<64x16xf32, #tpu.memory_space<vmem>>, vector<64x1xf32>
    %mul3A_807 = vector.broadcast %get3A_806 : vector<64x1xf32> to vector<64x1024xf32>
    %mul3A_808 = vector.broadcast %convert_element_type3A_29 : vector<1x1024xf32> to vector<64x1024xf32>
    %mul3A_809 = arith.mulf %mul3A_807, %mul3A_808 : vector<64x1024xf32>
    %add3A_810 = arith.addf %add3A_803, %mul3A_809 : vector<64x1024xf32>
    %get3A_811 = arith.constant 0 : index
    %get3A_812 = arith.constant 4 : index
    %get3A_813 = vector.load %arg5[%get3A_811, %get3A_812] : memref<64x16xf32, #tpu.memory_space<vmem>>, vector<64x1xf32>
    %add3A_814 = vector.broadcast %get3A_813 : vector<64x1xf32> to vector<64x1024xf32>
    %add3A_815 = arith.addf %add3A_810, %add3A_814 : vector<64x1024xf32>
    %get3A_816 = arith.constant 0 : index
    %get3A_817 = arith.constant 8 : index
    %get3A_818 = vector.load %arg5[%get3A_816, %get3A_817] : memref<64x16xf32, #tpu.memory_space<vmem>>, vector<64x1xf32>
    %get3A_819 = arith.constant 0 : index
    %get3A_820 = arith.constant 9 : index
    %get3A_821 = vector.load %arg5[%get3A_819, %get3A_820] : memref<64x16xf32, #tpu.memory_space<vmem>>, vector<64x1xf32>
    %reduce_sum3A_822 = arith.constant dense<0.000000e+00> : vector<1024xf32>
    %reduce_sum3A_823 = vector.multi_reduction <add>, %add3A_815, %reduce_sum3A_822 [0] : vector<64x1024xf32> to vector<1024xf32>
    %broadcast_in_dim3A_824 = vector.shape_cast %reduce_sum3A_823 : vector<1024xf32> to vector<1x1024xf32>
    %div3A_825 = arith.constant 6.400000e+01 : f32
    %div3A_826 = vector.broadcast %div3A_825 : f32 to vector<1x1024xf32>
    %div3A_827 = arith.divf %broadcast_in_dim3A_824, %div3A_826 : vector<1x1024xf32>
    %sub3A_828 = vector.broadcast %div3A_827 : vector<1x1024xf32> to vector<64x1024xf32>
    %sub3A_829 = arith.subf %add3A_815, %sub3A_828 : vector<64x1024xf32>
    %mul3A_830 = arith.mulf %sub3A_829, %sub3A_829 : vector<64x1024xf32>
    %reduce_sum3A_831 = arith.constant dense<0.000000e+00> : vector<1024xf32>
    %reduce_sum3A_832 = vector.multi_reduction <add>, %mul3A_830, %reduce_sum3A_831 [0] : vector<64x1024xf32> to vector<1024xf32>
    %broadcast_in_dim3A_833 = vector.shape_cast %reduce_sum3A_832 : vector<1024xf32> to vector<1x1024xf32>
    %div3A_834 = arith.constant 6.400000e+01 : f32
    %div3A_835 = vector.broadcast %div3A_834 : f32 to vector<1x1024xf32>
    %div3A_836 = arith.divf %broadcast_in_dim3A_833, %div3A_835 : vector<1x1024xf32>
    %mul3A_837 = vector.broadcast %get3A_818 : vector<64x1xf32> to vector<64x1024xf32>
    %mul3A_838 = arith.mulf %mul3A_837, %sub3A_829 : vector<64x1024xf32>
    %add3A_839 = arith.constant 9.99999974E-6 : f32
    %add3A_840 = vector.broadcast %add3A_839 : f32 to vector<1x1024xf32>
    %add3A_841 = arith.addf %div3A_836, %add3A_840 : vector<1x1024xf32>
    %rsqrt3A_842 = math.rsqrt %add3A_841 : vector<1x1024xf32>
    %mul3A_843 = vector.broadcast %rsqrt3A_842 : vector<1x1024xf32> to vector<64x1024xf32>
    %mul3A_844 = arith.mulf %mul3A_838, %mul3A_843 : vector<64x1024xf32>
    %add3A_845 = vector.broadcast %get3A_821 : vector<64x1xf32> to vector<64x1024xf32>
    %add3A_846 = arith.addf %mul3A_844, %add3A_845 : vector<64x1024xf32>
    %mul3A_847 = arith.constant 5.000000e-01 : f32
    %mul3A_848 = vector.broadcast %mul3A_847 : f32 to vector<64x1024xf32>
    %mul3A_849 = arith.mulf %mul3A_848, %add3A_846 : vector<64x1024xf32>
    %mul3A_850 = arith.constant 4.471500e-02 : f32
    %mul3A_851 = vector.broadcast %mul3A_850 : f32 to vector<64x1024xf32>
    %mul3A_852 = arith.mulf %mul3A_851, %add3A_846 : vector<64x1024xf32>
    %mul3A_853 = arith.mulf %mul3A_852, %add3A_846 : vector<64x1024xf32>
    %mul3A_854 = arith.mulf %mul3A_853, %add3A_846 : vector<64x1024xf32>
    %add3A_855 = arith.addf %add3A_846, %mul3A_854 : vector<64x1024xf32>
    %mul3A_856 = arith.constant 0.797884583 : f32
    %mul3A_857 = vector.broadcast %mul3A_856 : f32 to vector<64x1024xf32>
    %mul3A_858 = arith.mulf %mul3A_857, %add3A_855 : vector<64x1024xf32>
    %tanh3A_859 = math.tanh %mul3A_858 : vector<64x1024xf32>
    %add3A_860 = arith.constant 1.000000e+00 : f32
    %add3A_861 = vector.broadcast %add3A_860 : f32 to vector<64x1024xf32>
    %add3A_862 = arith.addf %add3A_861, %tanh3A_859 : vector<64x1024xf32>
    %mul3A_863 = arith.mulf %mul3A_849, %add3A_862 : vector<64x1024xf32>
    %slice3A_864 = vector.extract_strided_slice %dot_general3A_744 {offsets = [128, 0], sizes = [64, 1024], strides = [1, 1]} : vector<192x1024xf32> to vector<64x1024xf32>
    %get3A_865 = arith.constant 0 : index
    %get3A_866 = arith.constant 5 : index
    %get3A_867 = vector.load %arg5[%get3A_865, %get3A_866] : memref<64x16xf32, #tpu.memory_space<vmem>>, vector<64x1xf32>
    %add3A_868 = vector.broadcast %get3A_867 : vector<64x1xf32> to vector<64x1024xf32>
    %add3A_869 = arith.addf %slice3A_864, %add3A_868 : vector<64x1024xf32>
    %get3A_870 = arith.constant 0 : index
    %get3A_871 = arith.constant 10 : index
    %get3A_872 = vector.load %arg5[%get3A_870, %get3A_871] : memref<64x16xf32, #tpu.memory_space<vmem>>, vector<64x1xf32>
    %get3A_873 = arith.constant 0 : index
    %get3A_874 = arith.constant 11 : index
    %get3A_875 = vector.load %arg5[%get3A_873, %get3A_874] : memref<64x16xf32, #tpu.memory_space<vmem>>, vector<64x1xf32>
    %reduce_sum3A_876 = arith.constant dense<0.000000e+00> : vector<1024xf32>
    %reduce_sum3A_877 = vector.multi_reduction <add>, %add3A_869, %reduce_sum3A_876 [0] : vector<64x1024xf32> to vector<1024xf32>
    %broadcast_in_dim3A_878 = vector.shape_cast %reduce_sum3A_877 : vector<1024xf32> to vector<1x1024xf32>
    %div3A_879 = arith.constant 6.400000e+01 : f32
    %div3A_880 = vector.broadcast %div3A_879 : f32 to vector<1x1024xf32>
    %div3A_881 = arith.divf %broadcast_in_dim3A_878, %div3A_880 : vector<1x1024xf32>
    %sub3A_882 = vector.broadcast %div3A_881 : vector<1x1024xf32> to vector<64x1024xf32>
    %sub3A_883 = arith.subf %add3A_869, %sub3A_882 : vector<64x1024xf32>
    %mul3A_884 = arith.mulf %sub3A_883, %sub3A_883 : vector<64x1024xf32>
    %reduce_sum3A_885 = arith.constant dense<0.000000e+00> : vector<1024xf32>
    %reduce_sum3A_886 = vector.multi_reduction <add>, %mul3A_884, %reduce_sum3A_885 [0] : vector<64x1024xf32> to vector<1024xf32>
    %broadcast_in_dim3A_887 = vector.shape_cast %reduce_sum3A_886 : vector<1024xf32> to vector<1x1024xf32>
    %div3A_888 = arith.constant 6.400000e+01 : f32
    %div3A_889 = vector.broadcast %div3A_888 : f32 to vector<1x1024xf32>
    %div3A_890 = arith.divf %broadcast_in_dim3A_887, %div3A_889 : vector<1x1024xf32>
    %mul3A_891 = vector.broadcast %get3A_872 : vector<64x1xf32> to vector<64x1024xf32>
    %mul3A_892 = arith.mulf %mul3A_891, %sub3A_883 : vector<64x1024xf32>
    %add3A_893 = arith.constant 9.99999974E-6 : f32
    %add3A_894 = vector.broadcast %add3A_893 : f32 to vector<1x1024xf32>
    %add3A_895 = arith.addf %div3A_890, %add3A_894 : vector<1x1024xf32>
    %rsqrt3A_896 = math.rsqrt %add3A_895 : vector<1x1024xf32>
    %mul3A_897 = vector.broadcast %rsqrt3A_896 : vector<1x1024xf32> to vector<64x1024xf32>
    %mul3A_898 = arith.mulf %mul3A_892, %mul3A_897 : vector<64x1024xf32>
    %add3A_899 = vector.broadcast %get3A_875 : vector<64x1xf32> to vector<64x1024xf32>
    %add3A_900 = arith.addf %mul3A_898, %add3A_899 : vector<64x1024xf32>
    %get3A_901 = arith.constant 0 : index
    %get3A_902 = arith.constant 12 : index
    %get3A_903 = vector.load %arg5[%get3A_901, %get3A_902] : memref<64x16xf32, #tpu.memory_space<vmem>>, vector<64x1xf32>
    %mul3A_904 = vector.broadcast %get3A_903 : vector<64x1xf32> to vector<64x1024xf32>
    %mul3A_905 = arith.mulf %select_n3A_795, %mul3A_904 : vector<64x1024xf32>
    %reduce_sum3A_906 = arith.constant dense<0.000000e+00> : vector<1024xf32>
    %reduce_sum3A_907 = vector.multi_reduction <add>, %mul3A_905, %reduce_sum3A_906 [0] : vector<64x1024xf32> to vector<1024xf32>
    %broadcast_in_dim3A_908 = vector.shape_cast %reduce_sum3A_907 : vector<1024xf32> to vector<1x1024xf32>
    %get3A_909 = arith.constant 0 : index
    %get3A_910 = arith.constant 13 : index
    %get3A_911 = vector.load %arg5[%get3A_909, %get3A_910] : memref<64x16xf32, #tpu.memory_space<vmem>>, vector<64x1xf32>
    %mul3A_912 = vector.broadcast %get3A_911 : vector<64x1xf32> to vector<64x1024xf32>
    %mul3A_913 = arith.mulf %mul3A_863, %mul3A_912 : vector<64x1024xf32>
    %reduce_sum3A_914 = arith.constant dense<0.000000e+00> : vector<1024xf32>
    %reduce_sum3A_915 = vector.multi_reduction <add>, %mul3A_913, %reduce_sum3A_914 [0] : vector<64x1024xf32> to vector<1024xf32>
    %broadcast_in_dim3A_916 = vector.shape_cast %reduce_sum3A_915 : vector<1024xf32> to vector<1x1024xf32>
    %add3A_917 = arith.addf %broadcast_in_dim3A_908, %broadcast_in_dim3A_916 : vector<1x1024xf32>
    %add3A_918 = vector.broadcast %get3A_42 : vector<1x1xf32> to vector<1x1024xf32>
    %add3A_919 = arith.addf %add3A_917, %add3A_918 : vector<1x1024xf32>
    %neg3A_920 = arith.constant 0.000000e+00 : f32
    %neg3A_921 = vector.broadcast %neg3A_920 : f32 to vector<1x1024xf32>
    %neg3A_922 = arith.subf %neg3A_921, %add3A_919 : vector<1x1024xf32>
    %exp3A_923 = math.exp %neg3A_922 : vector<1x1024xf32>
    %add3A_924 = arith.constant 1.000000e+00 : f32
    %add3A_925 = vector.broadcast %add3A_924 : f32 to vector<1x1024xf32>
    %add3A_926 = arith.addf %add3A_925, %exp3A_923 : vector<1x1024xf32>
    %div3A_927 = arith.constant 1.000000e+00 : f32
    %div3A_928 = vector.broadcast %div3A_927 : f32 to vector<1x1024xf32>
    %div3A_929 = arith.divf %div3A_928, %add3A_926 : vector<1x1024xf32>
    %add3A_930 = arith.constant 3.000000e-01 : f32
    %add3A_931 = vector.broadcast %add3A_930 : f32 to vector<1x1024xf32>
    %add3A_932 = arith.addf %div3A_929, %add3A_931 : vector<1x1024xf32>
    %mul3A_933 = vector.broadcast %add3A_932 : vector<1x1024xf32> to vector<64x1024xf32>
    %mul3A_934 = arith.mulf %mul3A_933, %select_n3A_795 : vector<64x1024xf32>
    %sub3A_935 = arith.constant 1.300000e+00 : f32
    %sub3A_936 = vector.broadcast %sub3A_935 : f32 to vector<1x1024xf32>
    %sub3A_937 = arith.subf %sub3A_936, %div3A_929 : vector<1x1024xf32>
    %mul3A_938 = vector.broadcast %sub3A_937 : vector<1x1024xf32> to vector<64x1024xf32>
    %mul3A_939 = arith.mulf %mul3A_938, %mul3A_863 : vector<64x1024xf32>
    %add3A_940 = arith.addf %mul3A_934, %mul3A_939 : vector<64x1024xf32>
    %mul3A_941 = arith.constant 1.000000e-01 : f32
    %mul3A_942 = vector.broadcast %mul3A_941 : f32 to vector<64x1024xf32>
    %mul3A_943 = arith.mulf %mul3A_942, %add3A_900 : vector<64x1024xf32>
    %add3A_944 = arith.addf %add3A_940, %mul3A_943 : vector<64x1024xf32>
    %swap3A_945 = arith.constant 3 : index
    %swap3A_946 = arith.constant 0 : index
    %swap3A_947 = arith.constant 0 : index
    %swap3A_948 = vector.load %arg6[%swap3A_945, %swap3A_946, %swap3A_947] : memref<4x64x1024xf32, #tpu.memory_space<vmem>>, vector<1x64x1024xf32>
    %swap3A_949 = vector.shape_cast %swap3A_948 : vector<1x64x1024xf32> to vector<64x1024xf32>
    %swap3A_950 = vector.shape_cast %add3A_944 : vector<64x1024xf32> to vector<1x64x1024xf32>
    tpu.vector_store %arg6[%swap3A_945, %swap3A_946, %swap3A_947], %swap3A_950 {strides = array<i32>} : memref<4x64x1024xf32, #tpu.memory_space<vmem>>, vector<1x64x1024xf32>,
    %swap3A_951 = arith.constant 3 : index
    %swap3A_952 = arith.constant 0 : index
    %swap3A_953 = arith.constant 0 : index
    %swap3A_954 = vector.load %arg7[%swap3A_951, %swap3A_952, %swap3A_953] : memref<4x64x1024xf32, #tpu.memory_space<vmem>>, vector<1x64x1024xf32>
    %swap3A_955 = vector.shape_cast %swap3A_954 : vector<1x64x1024xf32> to vector<64x1024xf32>
    %swap3A_956 = vector.shape_cast %select_n3A_795 : vector<64x1024xf32> to vector<1x64x1024xf32>
    tpu.vector_store %arg7[%swap3A_951, %swap3A_952, %swap3A_953], %swap3A_956 {strides = array<i32>} : memref<4x64x1024xf32, #tpu.memory_space<vmem>>, vector<1x64x1024xf32>,
    %swap3A_957 = arith.constant 3 : index
    %swap3A_958 = arith.constant 0 : index
    %swap3A_959 = arith.constant 0 : index
    %swap3A_960 = vector.load %arg8[%swap3A_957, %swap3A_958, %swap3A_959] : memref<4x64x1024xf32, #tpu.memory_space<vmem>>, vector<1x64x1024xf32>
    %swap3A_961 = vector.shape_cast %swap3A_960 : vector<1x64x1024xf32> to vector<64x1024xf32>
    %swap3A_962 = vector.shape_cast %mul3A_863 : vector<64x1024xf32> to vector<1x64x1024xf32>
    tpu.vector_store %arg8[%swap3A_957, %swap3A_958, %swap3A_959], %swap3A_962 {strides = array<i32>} : memref<4x64x1024xf32, #tpu.memory_space<vmem>>, vector<1x64x1024xf32>,
    return
  }
  func.func @transform_0(%arg0: i32) -> (i32, i32) {
    %c0_i32 = arith.constant 0 : i32
    %c0_i32_0 = arith.constant 0 : i32
    return %c0_i32, %arg0 : i32, i32
  }
  func.func @transform_1(%arg0: i32) -> (i32, i32, i32) {
    %c0_i32 = arith.constant 0 : i32
    %c0_i32_0 = arith.constant 0 : i32
    %c0_i32_1 = arith.constant 0 : i32
    return %c0_i32, %arg0, %c0_i32_0 : i32, i32, i32
  }
  func.func @transform_2(%arg0: i32) -> (i32, i32, i32) {
    %c0_i32 = arith.constant 0 : i32
    %c0_i32_0 = arith.constant 0 : i32
    %c0_i32_1 = arith.constant 0 : i32
    return %c0_i32, %arg0, %c0_i32_0 : i32, i32, i32
  }
  func.func @transform_3(%arg0: i32) -> (i32, i32) {
    %c0_i32 = arith.constant 0 : i32
    %c0_i32_0 = arith.constant 0 : i32
    %c0_i32_1 = arith.constant 0 : i32
    return %c0_i32, %c0_i32_0 : i32, i32
  }
  func.func @transform_4(%arg0: i32) -> (i32, i32) {
    %c0_i32 = arith.constant 0 : i32
    %c0_i32_0 = arith.constant 0 : i32
    %c0_i32_1 = arith.constant 0 : i32
    return %c0_i32, %c0_i32_0 : i32, i32
  }
  func.func @transform_5(%arg0: i32) -> (i32, i32, i32) {
    %c0_i32 = arith.constant 0 : i32
    %c0_i32_0 = arith.constant 0 : i32
    %c0_i32_1 = arith.constant 0 : i32
    return %c0_i32, %c0_i32_0, %arg0 : i32, i32, i32
  }
  func.func @transform_6(%arg0: i32) -> (i32, i32, i32) {
    %c0_i32 = arith.constant 0 : i32
    %c0_i32_0 = arith.constant 0 : i32
    %c0_i32_1 = arith.constant 0 : i32
    return %c0_i32, %c0_i32_0, %arg0 : i32, i32, i32
  }
  func.func @transform_7(%arg0: i32) -> (i32, i32, i32) {
    %c0_i32 = arith.constant 0 : i32
    %c0_i32_0 = arith.constant 0 : i32
    %c0_i32_1 = arith.constant 0 : i32
    return %c0_i32, %c0_i32_0, %arg0 : i32, i32, i32
  }
}

</mosaic_0001>

<sc_bundles>
// kernel: kernel.4.cloned.1.call-start
scs
__scs_entry_jumppad:
0x0: {  	(pc) =	sbr.rel $0x88, $3  }
0x1: {  	(tag) =	ssettag $0x0;
	lr =	simm.s32 $0x1  }
0x2: {  	[smem:$0x3F85] =	sst lr;
	_ =	strace $0xD0000000  }
0x3: {  	_ = 	snop  }
0x4: {  	_ = 	snop  }
0x5: {  	_ = 	snop  }
0x6: {  	_ = 	snop  }
0x7: {  	_ = 	snop  }
__scs_overlays_trampoline_lowered:
0x8: {  	[smem:$0x3F94] =	sst s0  }
0x9: {  	[smem:$0x3F95] =	sst s1  }
0xa: {  	[smem:$0x3F96] =	sst s2  }
0xb: {  	[smem:$0x3F97] =	sst s3  }
0xc: {  	[smem:$0x3F98] =	sst s4  }
0xd: {  	[smem:$0x3F99] =	sst s5  }
0xe: {  	[smem:$0x3F9A] =	sst s6  }
0xf: {  	[smem:$0x3F9B] =	sst s7  }
0x10: {  	[smem:$0x3F9C] =	sst s8  }
0x11: {  	[smem:$0x3F9D] =	sst s9;
	s0 =	simm.s32 @!p0 $0x0  }
0x12: {  	s1 =	sld [smem:$0x3F83];
	s0 =	simm.s32 @p0 $0x1  }
0x13: {  	[smem:$0x3F9E] =	sst s0;
	s0 =	simm.s32 @!p1 $0x0  }
0x14: {  	s2 =	sld [smem:$0x3F82];
	s0 =	simm.s32 @p1 $0x1  }
0x15: {  	[smem:$0x3F9F] =	sst s0;
	s0 =	simm.s32 @!p2 $0x0  }
0x16: {  	s3 =	sld [smem:$0x3FDB];
	s0 =	simm.s32 @p2 $0x1  }
0x17: {  	s4 =	simm.s32 $0x1BF5;
	[smem:$0x3FA1] =	sst s0  }
0x18: {  	s0 =	sld [smem:$0x3F84];
	_ =	swait.ge [sflag:s4], $0x0  }
0x19: {  	s7 =	sld [smem:$0x3F85]  }
0x1a: {  	s8 =	sadd.s32 $0xFFFFE003, lr  }
0x1b: {  	s9 =	sadd.s32 $0xFFFFFEF7, lr;
	s5 =	simm.s32 $0xFFFFFFFF;
	p2 =	slt.u32 s8, $0xFFFFF086  }
0x1c: {  	p1 =	slt.u32 s9, $0xF7A;
	s5 =	simm.s32 @!p2 $0x0  }
0x1d: {  	s5 =	simm.s32 @p1 $0x1;
	p0 =	seq.s32 s7, s2  }
0x1e: {  	s7 =	smul.u32 @!p0 $0xF7A, s2;
	p2 =	seq.s32 @!p0 s5, $0x0  }
0x1f: {  	s9 =	smul.u32 $0xF7A, s1;
	s8 =	simm.s32 @!p0 $0x1BF5;
	p2 =	por !p2, p0  }
0x20: {  	[sflag:s8] =	ssyncset.s32 @!p0 $0xFFFFF086;
	s6 =	sadd.s32 @!p0 s3, s7;
	s7 =	simm.s32 @!p0 $0x108  }
0x21: {  	s3 =	sadd.s32 s3, s9;
	s6 =	sadd.s32 @!p0 $0x88, s6;
	s7 =	simm.s32 @p2 $0x1082  }
0x22: {  	[simem:s7], [sflag:s8] =	dma.local @!p0 [hbm:s6], $0xF7A  }
0x23: {  	s9 =	sor.u32 $0xD0000000, s2;
	s6 =	simm.s32 $0x108;
	_ =	swait.ge @!p0 [sflag:s8], $0x0  }
0x24: {  	s3 =	sadd.s32 $0x88, s3;
	s6 =	simm.s32 @!p1 $0x1082;
	[sflag:s4] =	ssyncset.s32 $0xFFFFF086  }
0x25: {  	[simem:s6], [sflag:s4] =	dma.local [hbm:s3], $0xF7A  }
0x26: {  	[smem:$0x3F85] =	sst s1;
	(tag) =	ssettag s2;
	_ =	strace s9  }
0x27: {  	s1 =	sld [smem:$0x3F95]  }
0x28: {  	s2 =	sld [smem:$0x3F96]  }
0x29: {  	s4 =	sld [smem:$0x3F98]  }
0x2a: {  	p0 =	seq.s32 s5, $0x0;
	s5 =	sld [smem:$0x3F99]  }
0x2b: {  	s6 =	sld [smem:$0x3F9A]  }
0x2c: {  	s7 =	sld [smem:$0x3F9B]  }
0x2d: {  	s3 =	simm.s32 $0x108;
	s8 =	sld [smem:$0x3F9C]  }
0x2e: {  	s3 =	simm.s32 @!p0 $0x1082;
	s9 =	sld [smem:$0x3F9D]  }
0x2f: {  	lr =	sadd.s32 s0, s3;
	s0 =	sld [smem:$0x3F94]  }
0x30: {  	s3 =	sld [smem:$0x3F97]  }
0x31: {  	[smem:$0x3FA0] =	sst s10  }
0x32: {  	s10 =	sld [smem:$0x3F9E];
	_ =	sdelay $0x3  }
0x33: {  	p0 =	seq.s32 s10, $0x1;
	s10 =	sld [smem:$0x3FA0];
	_ =	sdelay $0x3  }
0x34: {  	[smem:$0x3FA0] =	sst s10  }
0x35: {  	s10 =	sld [smem:$0x3F9F];
	_ =	sdelay $0x3  }
0x36: {  	p1 =	seq.s32 s10, $0x1;
	s10 =	sld [smem:$0x3FA0];
	_ =	sdelay $0x3  }
0x37: {  	[smem:$0x3FA0] =	sst s10  }
0x38: {  	s10 =	sld [smem:$0x3FA1]  }
0x39: {  	_ = 	snop;
	(pc) =	sbr.ind lr, $3  }
0x3a: {  	_ = 	snop  }
0x3b: {  	_ = 	snop  }
0x3c: {  	p2 =	seq.s32 s10, $0x1;
	s10 =	sld [smem:$0x3FA0]  }
0x3d: {  	_ =	shalt  }
0x3e: {  	_ =	shalt  }
0x3f: {  	_ =	shalt  }
0x40: {  	_ =	shalt  }
0x41: {  	_ =	shalt  }
0x42: {  	_ =	shalt  }
0x43: {  	_ =	shalt  }
0x44: {  	_ =	shalt  }
0x45: {  	_ =	shalt  }
0x46: {  	_ =	shalt  }
0x47: {  	_ =	shalt  }
0x48: {  	_ =	shalt  }
0x49: {  	_ =	shalt  }
0x4a: {  	_ =	shalt  }
0x4b: {  	_ =	shalt  }
0x4c: {  	_ =	shalt  }
0x4d: {  	_ =	shalt  }
0x4e: {  	_ =	shalt  }
0x4f: {  	_ =	shalt  }
0x50: {  	_ =	shalt  }
0x51: {  	_ =	shalt  }
0x52: {  	_ =	shalt  }
0x53: {  	_ =	shalt  }
0x54: {  	_ =	shalt  }
0x55: {  	_ =	shalt  }
0x56: {  	_ =	shalt  }
0x57: {  	_ =	shalt  }
0x58: {  	_ =	shalt  }
0x59: {  	_ =	shalt  }
0x5a: {  	_ =	shalt  }
0x5b: {  	_ =	shalt  }
0x5c: {  	_ =	shalt  }
0x5d: {  	_ =	shalt  }
0x5e: {  	_ =	shalt  }
0x5f: {  	_ =	shalt  }
0x60: {  	_ =	shalt  }
0x61: {  	_ =	shalt  }
0x62: {  	_ =	shalt  }
0x63: {  	_ =	shalt  }
0x64: {  	_ =	shalt  }
0x65: {  	_ =	shalt  }
0x66: {  	_ =	shalt  }
0x67: {  	_ =	shalt  }
0x68: {  	_ =	shalt  }
0x69: {  	_ =	shalt  }
0x6a: {  	_ =	shalt  }
0x6b: {  	_ =	shalt  }
0x6c: {  	_ =	shalt  }
0x6d: {  	_ =	shalt  }
0x6e: {  	_ =	shalt  }
0x6f: {  	_ =	shalt  }
0x70: {  	_ =	shalt  }
0x71: {  	_ =	shalt  }
0x72: {  	_ =	shalt  }
0x73: {  	_ =	shalt  }
0x74: {  	_ =	shalt  }
0x75: {  	_ =	shalt  }
0x76: {  	_ =	shalt  }
0x77: {  	_ =	shalt  }
0x78: {  	_ =	shalt  }
0x79: {  	_ =	shalt  }
0x7a: {  	_ =	shalt  }
0x7b: {  	_ =	shalt  }
0x7c: {  	_ =	shalt  }
0x7d: {  	_ =	shalt  }
0x7e: {  	_ =	shalt  }
0x7f: {  	_ =	shalt  }
0x80: {  	_ =	shalt  }
0x81: {  	_ =	shalt  }
0x82: {  	_ =	shalt  }
0x83: {  	_ =	shalt  }
0x84: {  	_ =	shalt  }
0x85: {  	_ =	shalt  }
0x86: {  	_ =	shalt  }
0x87: {  	_ =	shalt  }
.Lfunc_end0:
.L_simem_size_0:
called_computation_lowered:
.L_overlay_start_0:
0x88: {  	s2 =	sld [smem:$0x3FD9]  }
0x89: {  	s3 =	sld [smem:$0x3FFE];
	_ =	sdelay $0x1  }
0x8a: {  	s1 =	srdreg.scid  }
0x8b: {  	s0 =	sand.u32 $0x1, s1  }
0x8c: {  	s14 =	sshll.u32 s0, $0xA;
	s2 =	sadd.s32 s3, s2  }
0x8d: {  	s2 =	sadd.s32 s2, s14  }
0x8e: {  	[smem:$0x3FAC] =	sst s2  }
0x8f: {  	_ = 	snop  }
0x90: {  	s2 =	sld [smem:$0x3FD0];
	_ =	sdelay $0x2  }
0x91: {  	s15 =	simm.s32 $0xA;
	s4 =	simm.s32 $0x10  }
0x92: {  	[smem:s4], [sflag:s15] =	dma.local [hbm:s2], $0x1  }
0x93: {  	_ =	swait.eq [sflag:s15], $0x1  }
0x94: {  	s16 =	sld [smem:$0x10];
	[sflag:s15] =	ssyncset.done $0x0  }
0x95: {  	s17 =	sld [smem:$0x11];
	[sflag:s15] =	ssyncadd.s32 $0xFFFFFFFF  }
0x96: {  	s18 =	sld [smem:$0x12];
	(tm) =	ssettm $0x1  }
0x97: {  	s5 =	sld [smem:$0x3FFB];
	_ =	sdelay $0x3  }
0x98: {  	_ =	strace s5  }
0x99: {  	s5 =	sld [smem:$0x3FFC];
	_ =	sdelay $0x3  }
0x9a: {  	_ =	strace s5  }
0x9b: {  	s5 =	sld [smem:$0x3FFD];
	_ =	sdelay $0x3  }
0x9c: {  	_ =	strace s5  }
0x9d: {  	_ =	strace $0x8FFFFFFF  }
0x9e: {  	s19 =	sld [smem:$0x3FDB];
	_ =	sdelay $0x1  }
0x9f: {  	s6 =	simm.s32 $_scs_section_size  }
0xa0: {  	s7 =	simm.s32 $_size__tile_overlayer_lowered;
	s8 =	simm.s32 $_tile_overlayer_lowered  }
0xa1: {  	s22 =	simm.s32 $0x1BFF;
	s21 =	sshll.u32 s8, $0x1;
	s5 =	sadd.s32 s6, s19  }
0xa2: {  	s9 =	simm.s32 $0x0;
	s20 =	sshll.u32 s7, $0x1;
	s7 =	sadd.s32 s21, s5  }
0xa3: {  	[timem:s9], [sflag:s22] =	dma.local [hbm:s7], s20  }
0xa4: {  	_ =	swait.ge [sflag:s22], s20  }
0xa5: {  	s6 =	ssub.s32 $0x0, s20;
	[sflag:s22] =	ssyncset.done $0x0  }
0xa6: {  	[sflag:s22] =	ssyncadd.s32 s6;
	_ =	sdelay $0x1  }
0xa7: {  	s23 =	simm.s32 $0x1B8B  }
0xa8: {  	_ =	swait.ge [sflag:s23], $0x1  }
0xa9: {  	[sflag:s23] =	ssyncset.done $0x0  }
0xaa: {  	s25 =	simm.s32 $0x1B8E;
	s24 =	sld [smem:$0x3FFE];
	[sflag:s23] =	ssyncadd.s32 $0xFFFFFFFF  }
0xab: {  	s26 =	simm.s32 $execute0_lowered;
	[smem:$0x3FD2] =	sst s25  }
0xac: {  	s7 =	sshll.u32 s26, $0x1;
	_ =	strace $0x80000046;
	[dreg:$0x1] =	wrdreg $0xFFFFFFFF  }
0xad: {  	s28 =	simm.s32 $_size_execute0_lowered;
	s5 =	sadd.s32 s5, s7;
	[dreg:$0x0] =	wrdreg $0x0  }
0xae: {  	s7 =	sshll.u32 s28, $0x1;
	[dreg:$0x2] =	wrdreg s5  }
0xaf: {  	[dreg:$0x3] =	wrdreg s7  }
0xb0: {  	[dreg:$0x4] =	wrdreg $0xC0  }
0xb1: {  	_ =	task [dreg:s9], $0x5FFFF  }
0xb2: {  	[dreg:$0x1] =	wrdreg $0xFFFFFFFF  }
0xb3: {  	[dreg:$0x0] =	wrdreg $0x60  }
0xb4: {  	[dreg:$0x2] =	wrdreg s16  }
0xb5: {  	[dreg:$0x3] =	wrdreg s24  }
0xb6: {  	[dreg:$0x4] =	wrdreg s18  }
0xb7: {  	[dreg:$0x5] =	wrdreg s17  }
0xb8: {  	[dreg:$0x6] =	wrdreg $0x0  }
0xb9: {  	[dreg:$0x7] =	wrdreg $0xA0000  }
0xba: {  	[dreg:$0x8] =	wrdreg $0x9  }
0xbb: {  	_ =	task.clear_ibuf [dreg:s9], $0x9FFFF;
	_ =	strace $0x90000046  }
0xbc: {  	s29 =	simm.s32 $0x9;
	_ =	strace $0x80000048  }
0xbd: {  	_ =	swait.ge [sflag:s29], $0x1  }
0xbe: {  	[sflag:s29] =	ssyncadd.s32 $0xFFFFFFFF  }
0xbf: {  	_ =	strace $0x90000048  }
0xc0: {  	_ =	sfence  }
0xc1: {  	s30 =	sld [smem:$0x0];
	_ =	sdelay $0x2  }
0xc2: {  	s31 =	sshll.u32 s1, $0xD;
	s1 =	sshrl.u32 s1, $0x2  }
0xc3: {  	s3 =	sand.u32 $0x4000, s31;
	s1 =	sadd.s32 s1, s30  }
0xc4: {  	s0 =	sor.u32 s3, s0;
	s1 =	sshll.u32 s1, $0x11  }
0xc5: {  	s0 =	sor.u32 s1, s0  }
0xc6: {  	s0 =	sadd.s32 $0x8F2B, s0  }
0xc7: {  	[sflag:s0] =	ssyncadd.remote.s32 $0x1  }
0xc8: {  	_ =	sfence.sel $0xFFFF  }
0xc9: {  	[dreg:$0x0] =	wrdreg $0xFFFFFFFF;
	(pc) =	sbr.abs _section_cstart, $3  }
0xca: {  	[dreg:$0x1] =	wrdreg $0xFFFFFFFF  }
0xcb: {  	_ =	task.clear_ibuf [dreg:s9], $0x2FFFF;
	_ =	strace $0x9FFFFFFF  }
0xcc: {  	(tm) =	ssettm $0x7FFFFFFF  }
0xcd: {  	_ =	shalt  }
tec
execute0_lowered:
.L_overlay_start_1:
0x0: {  	(tag) =	ssettag $0x1  }
0x1: {  	s0 =	rddreg [dreg:$0x0]  }
0x2: {  	s1 =	rddreg [dreg:$0x1]  }
0x3: {  	s2 =	rddreg [dreg:$0x2]  }
0x4: {  	s6 =	rddreg [dreg:$0x3]  }
0x5: {  	s3 =	rddreg [dreg:$0x4];
	s12 =	stileid.u32  }
0x6: {  	s4 =	rddreg [dreg:$0x5];
	s7 =	smul.u32 $0x88, s12  }
0x7: {  	s8 =	srdreg.scid;
	s5 =	simm.s32 $0x0;
	s9 =	smul.u32 $0x18, s12  }
0x8: {  	s28 =	simm.s32 $0x14000;
	s29 =	simm.s32 $0x14200;
	s10 =	smul.u32 $0xC, s12  }
0x9: {  	s30 =	simm.s32 $0x80;
	s31 =	simm.s32 $0x14400;
	s11 =	smul.u32 $0x44, s12  }
0xa: {  	s8 =	sand.u32 $0x1, s8;
	[smem:$0x7FF] =	sst s5;
	s26 =	smul.u32 $0xA000, s12  }
0xb: {  	p0 =	seq.s32 s8, $0x0;
	_ =	strace $0x80000047;
	s25 =	ssub.s32 $0x2, s8  }
0xc: {  	s8 =	smul.u32 $0xA0000, s8;
	s9 =	sadd.s32 $0x880, s9;
	s13 =	sshrl.u32 s25, $0x1  }
0xd: {  	s24 =	sadd.s32 s26, s3;
	s14 =	sadd.s32 $0x2000, s26;
	s12 =	sadd.s32 s26, s4  }
0xe: {  	s16 =	sadd.s32 $0x4000, s26;
	s19 =	sadd.s32 $0x6000, s26;
	s20 =	sadd.s32 $0x8000, s26  }
0xf: {  	s9 =	smov.u32 @p0 s7;
	s7 =	sadd.s32 $0x440, s10;
	[dreg:$0x7] =	wrdreg s12  }
0x10: {  	s15 =	sadd.s32 s14, s3;
	s10 =	sadd.s32 s14, s4;
	s17 =	sadd.s32 s16, s3  }
0x11: {  	s18 =	sadd.s32 s16, s4;
	s21 =	sadd.s32 s20, s3;
	[dreg:$0x8] =	wrdreg s15  }
0x12: {  	s22 =	sadd.s32 s20, s4;
	s8 =	sadd.s32 s26, s8;
	[dreg:$0x9] =	wrdreg s10  }
0x13: {  	s12 =	simm.s32 $0x1;
	s14 =	simm.s32 $0x14300;
	[dreg:$0xa] =	wrdreg s17  }
0x14: {  	s20 =	simm.s32 $0x0;
	s9 =	sshll.u32 s9, $0x4;
	[dreg:$0xb] =	wrdreg s18  }
0x15: {  	s7 =	smov.u32 @p0 s11;
	s10 =	sadd.s32 s19, s4;
	[dreg:$0xe] =	wrdreg s21  }
0x16: {  	[dreg:$0xf] =	wrdreg s22;
	s8 =	sshrl.u32 s8, $0x3;
	s17 =	simm.s32 $0x11  }
0x17: {  	s11 =	simm.s32 $0x1A400;
	s15 =	simm.s32 $0x14380;
	s18 =	simm.s32 $0x2  }
0x18: {  	s7 =	sshll.u32 s7, $0x4;
	s9 =	sadd.s32 s9, s1;
	[dreg:$0xd] =	wrdreg s10  }
0x19: {  	s10 =	simm.s32 $0x22;
	s2 =	sadd.s32 s2, s8;
	s17 =	simm.s32 @!p0 $0x3  }
0x1a: {  	s23 =	sadd.s32 s6, s8;
	s8 =	simm.s32 $0x14100;
	s1 =	sadd.s32 s7, s1  }
0x1b: {  	s7 =	ssub.s32 s25, s13;
	s13 =	sadd.s32 s19, s3;
	[dreg:$0x11] =	wrdreg s2  }
0x1c: {  	s10 =	simm.s32 @!p0 $0x6;
	[dreg:$0x12] =	wrdreg s23;
	s26 =	sadd.s32 $0x8000, s9  }
0x1d: {  	s22 =	sadd.s32 $0x17000, s9;
	s2 =	simm.s32 $0x16400;
	[dreg:$0xc] =	wrdreg s13  }
0x1e: {  	s9 =	simm.s32 $0x18400;
	[dreg:$0x10] =	wrdreg s10;
	s25 =	smax.u32 s7, $0x1  }
0x1f: {  	[dreg:$0x14] =	wrdreg s26;
	s7 =	sadd.s32 $0x3000, s1;
	s16 =	sadd.s32 $0x12000, s1  }
0x20: {  	s26 =	simm.s32 $0x4;
	s1 =	simm.s32 $0x14080;
	s10 =	simm.s32 $0x14180  }
0x21: {  	v0 =	vimm.f32 $0.0e+00;
	s13 =	simm.s32 $0x14280;
	[dreg:$0x13] =	wrdreg s25;
	s25 =	simm.s32 $0x1C400  }
.LBB2_1:
0x22: {  	s19 =	simm.s32 $0x100;
	s6 =	simm.s32 $0x0  }
.LBB2_2:
0x23: {  	p0 =	sne.s32 s19, $0x7F00;
	[tilespmem:s6+$0x1C430] =	vst v0;
	s23 =	smov.u32 s19;
	s19 =	sadd.s32 $0x100, s19  }
.Ltmp0:
0x24: {  	[tilespmem:s6+$0x1C420] =	vst v0;
	(pc) =	sbr.rel @p0 .LBB2_2-.Ltmp0, $3  }
0x25: {  	[tilespmem:s6+$0x1C400] =	vst v0  }
0x26: {  	[tilespmem:s6+$0x1C410] =	vst v0;
	_ =	sdelay $0x1  }
0x27: {  	s6 =	sshra.s32 s23, $0x2  }
0x28: {  	[tilespmem:s6+$0x1C430] =	vst v0  }
0x29: {  	[tilespmem:s6+$0x1C420] =	vst v0  }
0x2a: {  	[tilespmem:s6+$0x1C400] =	vst v0  }
0x2b: {  	[tilespmem:s6+$0x1C410] =	vst v0  }
0x2c: {  	[spmem:s24] =	stream.linear.scatter [tilespmem:s25], [sflag:$0x4], $0x2000, $0x38;
	[tilespmem:$0x1E400] =	vst v63  }
0x2d: {  	_ =	swait.ge [sflag:s26], $0x2000  }
0x2e: {  	[sflag:s26] =	ssyncset.done $0x0  }
0x2f: {  	s23 =	rddreg [dreg:$0x7];
	[sflag:s26] =	ssyncadd.s32 $0xFFFFE000  }
0x30: {  	[spmem:s23] =	stream.linear.scatter [tilespmem:s25], [sflag:$0x4], $0x2000, $0x38;
	[tilespmem:$0x1E400] =	vst v63  }
0x31: {  	_ =	swait.ge [sflag:s26], $0x2000  }
0x32: {  	[sflag:s26] =	ssyncset.done $0x0  }
0x33: {  	s19 =	rddreg [dreg:$0x8];
	[sflag:s26] =	ssyncadd.s32 $0xFFFFE000  }
0x34: {  	[spmem:s19] =	stream.linear.scatter [tilespmem:s25], [sflag:$0x4], $0x2000, $0x38;
	[tilespmem:$0x1E400] =	vst v63  }
0x35: {  	_ =	swait.ge [sflag:s26], $0x2000  }
0x36: {  	[sflag:s26] =	ssyncset.done $0x0  }
0x37: {  	s21 =	rddreg [dreg:$0x9];
	[sflag:s26] =	ssyncadd.s32 $0xFFFFE000  }
0x38: {  	[spmem:s21] =	stream.linear.scatter [tilespmem:s25], [sflag:$0x4], $0x2000, $0x38;
	[tilespmem:$0x1E400] =	vst v63  }
0x39: {  	_ =	swait.ge [sflag:s26], $0x2000  }
0x3a: {  	[sflag:s26] =	ssyncset.done $0x0  }
0x3b: {  	s23 =	rddreg [dreg:$0xa];
	[sflag:s26] =	ssyncadd.s32 $0xFFFFE000  }
0x3c: {  	[spmem:s23] =	stream.linear.scatter [tilespmem:s25], [sflag:$0x4], $0x2000, $0x38;
	[tilespmem:$0x1E400] =	vst v63  }
0x3d: {  	_ =	swait.ge [sflag:s26], $0x2000  }
0x3e: {  	[sflag:s26] =	ssyncset.done $0x0  }
0x3f: {  	s19 =	rddreg [dreg:$0xb];
	[sflag:s26] =	ssyncadd.s32 $0xFFFFE000  }
0x40: {  	[spmem:s19] =	stream.linear.scatter [tilespmem:s25], [sflag:$0x4], $0x2000, $0x38;
	[tilespmem:$0x1E400] =	vst v63  }
0x41: {  	_ =	swait.ge [sflag:s26], $0x2000  }
0x42: {  	[sflag:s26] =	ssyncset.done $0x0  }
0x43: {  	s21 =	rddreg [dreg:$0xc];
	[sflag:s26] =	ssyncadd.s32 $0xFFFFE000  }
0x44: {  	[spmem:s21] =	stream.linear.scatter [tilespmem:s25], [sflag:$0x4], $0x2000, $0x38;
	[tilespmem:$0x1E400] =	vst v63  }
0x45: {  	_ =	swait.ge [sflag:s26], $0x2000  }
0x46: {  	[sflag:s26] =	ssyncset.done $0x0  }
0x47: {  	s23 =	rddreg [dreg:$0xd];
	[sflag:s26] =	ssyncadd.s32 $0xFFFFE000  }
0x48: {  	[spmem:s23] =	stream.linear.scatter [tilespmem:s25], [sflag:$0x4], $0x2000, $0x38;
	[tilespmem:$0x1E400] =	vst v63  }
0x49: {  	_ =	swait.ge [sflag:s26], $0x2000  }
0x4a: {  	[sflag:s26] =	ssyncset.done $0x0  }
0x4b: {  	s19 =	rddreg [dreg:$0xe];
	[sflag:s26] =	ssyncadd.s32 $0xFFFFE000  }
0x4c: {  	[spmem:s19] =	stream.linear.scatter [tilespmem:s25], [sflag:$0x4], $0x2000, $0x38;
	[tilespmem:$0x1E400] =	vst v63  }
0x4d: {  	_ =	swait.ge [sflag:s26], $0x2000  }
0x4e: {  	[sflag:s26] =	ssyncset.done $0x0  }
0x4f: {  	s21 =	rddreg [dreg:$0xf];
	[sflag:s26] =	ssyncadd.s32 $0xFFFFE000  }
0x50: {  	[spmem:s21] =	stream.linear.scatter [tilespmem:s25], [sflag:$0x4], $0x2000, $0x38;
	[tilespmem:$0x1E400] =	vst v63  }
0x51: {  	_ =	swait.ge [sflag:s26], $0x2000  }
0x52: {  	[sflag:s26] =	ssyncset.done $0x0  }
0x53: {  	[sflag:s26] =	ssyncadd.s32 $0xFFFFE000  }
0x54: {  	[bflag:$0x0] =	sbarrier.arrive $0xFFFF  }
0x55: {  	[tilespmem:s28], [sflag:$0x4] =	stream.linear.gather [hbm4b:s22+s5], $0x200, $0x38;
	[tilespmem:$0x1E400] =	vst v63  }
0x56: {  	_ =	swait.ge [sflag:s26], $0x200  }
0x57: {  	[sflag:s26] =	ssyncset.done $0x0  }
0x58: {  	s21 =	rddreg [dreg:$0x14];
	[sflag:s26] =	ssyncadd.s32 $0xFFFFFE00  }
0x59: {  	[tilespmem:s29], [sflag:$0x4] =	stream.linear.gather [hbm4b:s21+s5], $0x200, $0x38;
	[tilespmem:$0x1E400] =	vst v63  }
0x5a: {  	_ =	swait.ge [sflag:s26], $0x200  }
0x5b: {  	[sflag:s26] =	ssyncset.done $0x0  }
0x5c: {  	[sflag:s26] =	ssyncadd.s32 $0xFFFFFE00  }
0x5d: {  	[tilespmem:s31], [sflag:$0x1] =	stream.indirect.gather [hbm4b:s0+s30], $0x40, s28, s30, $0xb8;
	[tilespmem:$0x1E400] =	vst v63  }
0x5e: {  	_ = 	snop  }
0x5f: {  	[tilespmem:s2], [sflag:$0x1] =	stream.indirect.gather [hbm4b:s0+s30], $0x40, s1, s30, $0xb8;
	[tilespmem:$0x1E400] =	vst v63  }
0x60: {  	_ = 	snop  }
0x61: {  	[tilespmem:s9], [sflag:$0x1] =	stream.indirect.gather [hbm4b:s0+s30], $0x40, s8, s30, $0xb8;
	[tilespmem:$0x1E400] =	vst v63  }
0x62: {  	_ = 	snop  }
0x63: {  	[tilespmem:s11], [sflag:$0x1] =	stream.indirect.gather [hbm4b:s0+s30], $0x40, s10, s30, $0xb8;
	[tilespmem:$0x1E400] =	vst v63  }
0x64: {  	_ =	swait.ge [sflag:s12], $0x2000  }
0x65: {  	[sflag:s12] =	ssyncset.done $0x0  }
0x66: {  	[sflag:s12] =	ssyncadd.s32 $0xFFFFE000  }
0x67: {  	_ =	swait.ge [sflag:s12], $0x2000  }
0x68: {  	[sflag:s12] =	ssyncset.done $0x0  }
0x69: {  	[sflag:s12] =	ssyncadd.s32 $0xFFFFE000  }
0x6a: {  	_ =	swait.ge [sflag:s12], $0x2000  }
0x6b: {  	[sflag:s12] =	ssyncset.done $0x0  }
0x6c: {  	[sflag:s12] =	ssyncadd.s32 $0xFFFFE000  }
0x6d: {  	_ =	swait.ge [sflag:s12], $0x2000  }
0x6e: {  	[sflag:s12] =	ssyncset.done $0x0  }
0x6f: {  	[sflag:s12] =	ssyncadd.s32 $0xFFFFE000  }
0x70: {  	[spmem:s3] =	stream.indirect.scatter.add.f32 [tilespmem:s31], [sflag:$0x2], $0x40, s29, s30, $0xb8;
	[tilespmem:$0x1E400] =	vst v63  }
0x71: {  	_ = 	snop  }
0x72: {  	[spmem:s3] =	stream.indirect.scatter.add.f32 [tilespmem:s2], [sflag:$0x2], $0x40, s13, s30, $0xb8;
	[tilespmem:$0x1E400] =	vst v63  }
0x73: {  	_ = 	snop  }
0x74: {  	[spmem:s3] =	stream.indirect.scatter.add.f32 [tilespmem:s9], [sflag:$0x2], $0x40, s14, s30, $0xb8;
	[tilespmem:$0x1E400] =	vst v63  }
0x75: {  	_ = 	snop  }
0x76: {  	[spmem:s3] =	stream.indirect.scatter.add.f32 [tilespmem:s11], [sflag:$0x2], $0x40, s15, s30, $0xb8;
	[tilespmem:$0x1E400] =	vst v63  }
0x77: {  	_ =	swait.ge [sflag:s18], $0x2000  }
0x78: {  	[sflag:s18] =	ssyncset.done $0x0  }
0x79: {  	[sflag:s18] =	ssyncadd.s32 $0xFFFFE000  }
0x7a: {  	_ =	swait.ge [sflag:s18], $0x2000  }
0x7b: {  	[sflag:s18] =	ssyncset.done $0x0  }
0x7c: {  	[sflag:s18] =	ssyncadd.s32 $0xFFFFE000  }
0x7d: {  	_ =	swait.ge [sflag:s18], $0x2000  }
0x7e: {  	s23 =	rddreg [dreg:$0x10]  }
0x7f: {  	p0 =	sne.s32 s23, $0x1  }
.Ltmp1:
0x80: {  	_ = 	snop;
	(pc) =	sbr.rel @!p0 .LBB2_5-.Ltmp1, $4  }
0x81: {  	[sflag:s18] =	ssyncset.done $0x0  }
0x82: {  	[sflag:s18] =	ssyncadd.s32 $0xFFFFE000  }
0x83: {  	s6 =	smov.u32 s21;
	_ =	swait.ge [sflag:s18], $0x2000  }
0x84: {  	s19 =	sadd.s32 $0xFFFFFFFF, s23;
	s23 =	smov.u32 s22;
	[sflag:s18] =	ssyncset.done $0x0  }
.LBB2_4:
0x85: {  	[sflag:s18] =	ssyncadd.s32 $0xFFFFE000;
	s6 =	sadd.s32 $0x40, s6;
	s23 =	sadd.s32 $0x40, s23  }
0x86: {  	[tilespmem:s28], [sflag:$0x4] =	stream.linear.gather [hbm4b:s23+s5], $0x200, $0x38;
	[tilespmem:$0x1E400] =	vst v63  }
0x87: {  	p0 =	sne.s32 s19, $0x1;
	s19 =	sadd.s32 $0xFFFFFFFF, s19;
	_ =	swait.ge [sflag:s26], $0x200  }
0x88: {  	[sflag:s26] =	ssyncset.done $0x0  }
0x89: {  	[sflag:s26] =	ssyncadd.s32 $0xFFFFFE00  }
0x8a: {  	[tilespmem:s29], [sflag:$0x4] =	stream.linear.gather [hbm4b:s6+s5], $0x200, $0x38;
	[tilespmem:$0x1E400] =	vst v63  }
0x8b: {  	_ =	swait.ge [sflag:s26], $0x200  }
0x8c: {  	[sflag:s26] =	ssyncset.done $0x0  }
0x8d: {  	[sflag:s26] =	ssyncadd.s32 $0xFFFFFE00  }
0x8e: {  	[tilespmem:s31], [sflag:$0x1] =	stream.indirect.gather [hbm4b:s0+s30], $0x40, s28, s30, $0xb8;
	[tilespmem:$0x1E400] =	vst v63  }
0x8f: {  	_ = 	snop  }
0x90: {  	[tilespmem:s2], [sflag:$0x1] =	stream.indirect.gather [hbm4b:s0+s30], $0x40, s1, s30, $0xb8;
	[tilespmem:$0x1E400] =	vst v63  }
0x91: {  	_ = 	snop  }
0x92: {  	[tilespmem:s9], [sflag:$0x1] =	stream.indirect.gather [hbm4b:s0+s30], $0x40, s8, s30, $0xb8;
	[tilespmem:$0x1E400] =	vst v63  }
0x93: {  	_ = 	snop  }
0x94: {  	[tilespmem:s11], [sflag:$0x1] =	stream.indirect.gather [hbm4b:s0+s30], $0x40, s10, s30, $0xb8;
	[tilespmem:$0x1E400] =	vst v63  }
0x95: {  	_ =	swait.ge [sflag:s12], $0x2000  }
0x96: {  	[sflag:s12] =	ssyncset.done $0x0  }
0x97: {  	[sflag:s12] =	ssyncadd.s32 $0xFFFFE000  }
0x98: {  	_ =	swait.ge [sflag:s12], $0x2000  }
0x99: {  	[sflag:s12] =	ssyncset.done $0x0  }
0x9a: {  	[sflag:s12] =	ssyncadd.s32 $0xFFFFE000  }
0x9b: {  	_ =	swait.ge [sflag:s12], $0x2000  }
0x9c: {  	[sflag:s12] =	ssyncset.done $0x0  }
0x9d: {  	[sflag:s12] =	ssyncadd.s32 $0xFFFFE000  }
0x9e: {  	_ =	swait.ge [sflag:s12], $0x2000  }
0x9f: {  	[sflag:s12] =	ssyncset.done $0x0  }
0xa0: {  	[sflag:s12] =	ssyncadd.s32 $0xFFFFE000  }
0xa1: {  	[spmem:s3] =	stream.indirect.scatter.add.f32 [tilespmem:s31], [sflag:$0x2], $0x40, s29, s30, $0xb8;
	[tilespmem:$0x1E400] =	vst v63  }
0xa2: {  	_ = 	snop  }
0xa3: {  	[spmem:s3] =	stream.indirect.scatter.add.f32 [tilespmem:s2], [sflag:$0x2], $0x40, s13, s30, $0xb8;
	[tilespmem:$0x1E400] =	vst v63  }
0xa4: {  	_ = 	snop  }
0xa5: {  	[spmem:s3] =	stream.indirect.scatter.add.f32 [tilespmem:s9], [sflag:$0x2], $0x40, s14, s30, $0xb8;
	[tilespmem:$0x1E400] =	vst v63  }
0xa6: {  	_ = 	snop  }
0xa7: {  	[spmem:s3] =	stream.indirect.scatter.add.f32 [tilespmem:s11], [sflag:$0x2], $0x40, s15, s30, $0xb8;
	[tilespmem:$0x1E400] =	vst v63  }
0xa8: {  	_ =	swait.ge [sflag:s18], $0x2000  }
0xa9: {  	[sflag:s18] =	ssyncset.done $0x0  }
0xaa: {  	[sflag:s18] =	ssyncadd.s32 $0xFFFFE000  }
0xab: {  	_ =	swait.ge [sflag:s18], $0x2000  }
0xac: {  	[sflag:s18] =	ssyncset.done $0x0  }
0xad: {  	[sflag:s18] =	ssyncadd.s32 $0xFFFFE000  }
.Ltmp2:
0xae: {  	_ =	swait.ge [sflag:s18], $0x2000;
	(pc) =	sbr.rel @p0 .LBB2_4-.Ltmp2, $4  }
0xaf: {  	[sflag:s18] =	ssyncset.done $0x0  }
0xb0: {  	[sflag:s18] =	ssyncadd.s32 $0xFFFFE000  }
0xb1: {  	_ =	swait.ge [sflag:s18], $0x2000  }
0xb2: {  	[sflag:s18] =	ssyncset.done $0x0  }
.LBB2_5:
0xb3: {  	[sflag:s18] =	ssyncadd.s32 $0xFFFFE000;
	s6 =	stileid.u32  }
0xb4: {  	s21 =	smov.u32 s24;
	s19 =	sshll.u32 s6, $0x6;
	[bflag:$0x0] =	sbarrier.arrive $0xFFFF  }
0xb5: {  	s23 =	sshrl.u32 s24, $0x3;
	s6 =	sor.u32 $0x1C03, s19;
	s24 =	rddreg [dreg:$0x11]  }
0xb6: {  	[hbm:s24], [sflag:s6] =	dma.local [spmem:s23], $0x1400  }
0xb7: {  	[tilespmem:s28], [sflag:$0x4] =	stream.linear.gather [hbm4b:s16+s5], $0x200, $0x38;
	[tilespmem:$0x1E400] =	vst v63  }
0xb8: {  	_ =	swait.ge [sflag:s26], $0x200  }
0xb9: {  	[sflag:s26] =	ssyncset.done $0x0  }
0xba: {  	[sflag:s26] =	ssyncadd.s32 $0xFFFFFE00  }
0xbb: {  	[tilespmem:s29], [sflag:$0x4] =	stream.linear.gather [hbm4b:s7+s5], $0x200, $0x38;
	[tilespmem:$0x1E400] =	vst v63  }
0xbc: {  	_ =	swait.ge [sflag:s26], $0x200  }
0xbd: {  	[sflag:s26] =	ssyncset.done $0x0  }
0xbe: {  	[sflag:s26] =	ssyncadd.s32 $0xFFFFFE00  }
0xbf: {  	[tilespmem:s31], [sflag:$0x1] =	stream.indirect.gather [hbm4b:s0+s30], $0x40, s28, s30, $0xb8;
	[tilespmem:$0x1E400] =	vst v63  }
0xc0: {  	_ = 	snop  }
0xc1: {  	[tilespmem:s2], [sflag:$0x1] =	stream.indirect.gather [hbm4b:s0+s30], $0x40, s1, s30, $0xb8;
	[tilespmem:$0x1E400] =	vst v63  }
0xc2: {  	_ = 	snop  }
0xc3: {  	[tilespmem:s9], [sflag:$0x1] =	stream.indirect.gather [hbm4b:s0+s30], $0x40, s8, s30, $0xb8;
	[tilespmem:$0x1E400] =	vst v63  }
0xc4: {  	_ = 	snop  }
0xc5: {  	[tilespmem:s11], [sflag:$0x1] =	stream.indirect.gather [hbm4b:s0+s30], $0x40, s10, s30, $0xb8;
	[tilespmem:$0x1E400] =	vst v63  }
0xc6: {  	_ =	swait.ge [sflag:s12], $0x2000  }
0xc7: {  	[sflag:s12] =	ssyncset.done $0x0  }
0xc8: {  	[sflag:s12] =	ssyncadd.s32 $0xFFFFE000  }
0xc9: {  	_ =	swait.ge [sflag:s12], $0x2000  }
0xca: {  	[sflag:s12] =	ssyncset.done $0x0  }
0xcb: {  	[sflag:s12] =	ssyncadd.s32 $0xFFFFE000  }
0xcc: {  	_ =	swait.ge [sflag:s12], $0x2000  }
0xcd: {  	[sflag:s12] =	ssyncset.done $0x0  }
0xce: {  	[sflag:s12] =	ssyncadd.s32 $0xFFFFE000  }
0xcf: {  	_ =	swait.ge [sflag:s12], $0x2000  }
0xd0: {  	[sflag:s12] =	ssyncset.done $0x0  }
0xd1: {  	[sflag:s12] =	ssyncadd.s32 $0xFFFFE000  }
0xd2: {  	[spmem:s4] =	stream.indirect.scatter.add.f32 [tilespmem:s31], [sflag:$0x2], $0x40, s29, s30, $0xb8;
	[tilespmem:$0x1E400] =	vst v63  }
0xd3: {  	_ = 	snop  }
0xd4: {  	[spmem:s4] =	stream.indirect.scatter.add.f32 [tilespmem:s2], [sflag:$0x2], $0x40, s13, s30, $0xb8;
	[tilespmem:$0x1E400] =	vst v63  }
0xd5: {  	_ = 	snop  }
0xd6: {  	[spmem:s4] =	stream.indirect.scatter.add.f32 [tilespmem:s9], [sflag:$0x2], $0x40, s14, s30, $0xb8;
	[tilespmem:$0x1E400] =	vst v63  }
0xd7: {  	_ = 	snop  }
0xd8: {  	[spmem:s4] =	stream.indirect.scatter.add.f32 [tilespmem:s11], [sflag:$0x2], $0x40, s15, s30, $0xb8;
	[tilespmem:$0x1E400] =	vst v63  }
0xd9: {  	_ =	swait.ge [sflag:s18], $0x2000  }
0xda: {  	[sflag:s18] =	ssyncset.done $0x0  }
0xdb: {  	[sflag:s18] =	ssyncadd.s32 $0xFFFFE000  }
0xdc: {  	_ =	swait.ge [sflag:s18], $0x2000  }
0xdd: {  	[sflag:s18] =	ssyncset.done $0x0  }
0xde: {  	p0 =	sne.s32 s17, $0x1;
	[sflag:s18] =	ssyncadd.s32 $0xFFFFE000  }
.Ltmp3:
0xdf: {  	_ =	swait.ge [sflag:s18], $0x2000;
	(pc) =	sbr.rel @!p0 .LBB2_7-.Ltmp3, $4  }
0xe0: {  	[sflag:s18] =	ssyncset.done $0x0  }
0xe1: {  	[sflag:s18] =	ssyncadd.s32 $0xFFFFE000  }
0xe2: {  	s6 =	sadd.s32 $0xFFFFFFFF, s17;
	_ =	swait.ge [sflag:s18], $0x2000  }
0xe3: {  	s23 =	smov.u32 s7;
	s24 =	smov.u32 s16;
	[sflag:s18] =	ssyncset.done $0x0  }
.LBB2_6:
0xe4: {  	[sflag:s18] =	ssyncadd.s32 $0xFFFFE000;
	s23 =	sadd.s32 $0x40, s23;
	s24 =	sadd.s32 $0x40, s24  }
0xe5: {  	[tilespmem:s28], [sflag:$0x4] =	stream.linear.gather [hbm4b:s24+s5], $0x200, $0x38;
	[tilespmem:$0x1E400] =	vst v63  }
0xe6: {  	p0 =	sne.s32 s6, $0x1;
	s6 =	sadd.s32 $0xFFFFFFFF, s6;
	_ =	swait.ge [sflag:s26], $0x200  }
0xe7: {  	[sflag:s26] =	ssyncset.done $0x0  }
0xe8: {  	[sflag:s26] =	ssyncadd.s32 $0xFFFFFE00  }
0xe9: {  	[tilespmem:s29], [sflag:$0x4] =	stream.linear.gather [hbm4b:s23+s5], $0x200, $0x38;
	[tilespmem:$0x1E400] =	vst v63  }
0xea: {  	_ =	swait.ge [sflag:s26], $0x200  }
0xeb: {  	[sflag:s26] =	ssyncset.done $0x0  }
0xec: {  	[sflag:s26] =	ssyncadd.s32 $0xFFFFFE00  }
0xed: {  	[tilespmem:s31], [sflag:$0x1] =	stream.indirect.gather [hbm4b:s0+s30], $0x40, s28, s30, $0xb8;
	[tilespmem:$0x1E400] =	vst v63  }
0xee: {  	_ = 	snop  }
0xef: {  	[tilespmem:s2], [sflag:$0x1] =	stream.indirect.gather [hbm4b:s0+s30], $0x40, s1, s30, $0xb8;
	[tilespmem:$0x1E400] =	vst v63  }
0xf0: {  	_ = 	snop  }
0xf1: {  	[tilespmem:s9], [sflag:$0x1] =	stream.indirect.gather [hbm4b:s0+s30], $0x40, s8, s30, $0xb8;
	[tilespmem:$0x1E400] =	vst v63  }
0xf2: {  	_ = 	snop  }
0xf3: {  	[tilespmem:s11], [sflag:$0x1] =	stream.indirect.gather [hbm4b:s0+s30], $0x40, s10, s30, $0xb8;
	[tilespmem:$0x1E400] =	vst v63  }
0xf4: {  	_ =	swait.ge [sflag:s12], $0x2000  }
0xf5: {  	[sflag:s12] =	ssyncset.done $0x0  }
0xf6: {  	[sflag:s12] =	ssyncadd.s32 $0xFFFFE000  }
0xf7: {  	_ =	swait.ge [sflag:s12], $0x2000  }
0xf8: {  	[sflag:s12] =	ssyncset.done $0x0  }
0xf9: {  	[sflag:s12] =	ssyncadd.s32 $0xFFFFE000  }
0xfa: {  	_ =	swait.ge [sflag:s12], $0x2000  }
0xfb: {  	[sflag:s12] =	ssyncset.done $0x0  }
0xfc: {  	[sflag:s12] =	ssyncadd.s32 $0xFFFFE000  }
0xfd: {  	_ =	swait.ge [sflag:s12], $0x2000  }
0xfe: {  	[sflag:s12] =	ssyncset.done $0x0  }
0xff: {  	[sflag:s12] =	ssyncadd.s32 $0xFFFFE000  }
0x100: {  	[spmem:s4] =	stream.indirect.scatter.add.f32 [tilespmem:s31], [sflag:$0x2], $0x40, s29, s30, $0xb8;
	[tilespmem:$0x1E400] =	vst v63  }
0x101: {  	_ = 	snop  }
0x102: {  	[spmem:s4] =	stream.indirect.scatter.add.f32 [tilespmem:s2], [sflag:$0x2], $0x40, s13, s30, $0xb8;
	[tilespmem:$0x1E400] =	vst v63  }
0x103: {  	_ = 	snop  }
0x104: {  	[spmem:s4] =	stream.indirect.scatter.add.f32 [tilespmem:s9], [sflag:$0x2], $0x40, s14, s30, $0xb8;
	[tilespmem:$0x1E400] =	vst v63  }
0x105: {  	_ = 	snop  }
0x106: {  	[spmem:s4] =	stream.indirect.scatter.add.f32 [tilespmem:s11], [sflag:$0x2], $0x40, s15, s30, $0xb8;
	[tilespmem:$0x1E400] =	vst v63  }
0x107: {  	_ =	swait.ge [sflag:s18], $0x2000  }
0x108: {  	[sflag:s18] =	ssyncset.done $0x0  }
0x109: {  	[sflag:s18] =	ssyncadd.s32 $0xFFFFE000  }
0x10a: {  	_ =	swait.ge [sflag:s18], $0x2000  }
0x10b: {  	[sflag:s18] =	ssyncset.done $0x0  }
0x10c: {  	[sflag:s18] =	ssyncadd.s32 $0xFFFFE000  }
.Ltmp4:
0x10d: {  	_ =	swait.ge [sflag:s18], $0x2000;
	(pc) =	sbr.rel @p0 .LBB2_6-.Ltmp4, $4  }
0x10e: {  	[sflag:s18] =	ssyncset.done $0x0  }
0x10f: {  	[sflag:s18] =	ssyncadd.s32 $0xFFFFE000  }
0x110: {  	_ =	swait.ge [sflag:s18], $0x2000  }
0x111: {  	[sflag:s18] =	ssyncset.done $0x0  }
.LBB2_7:
0x112: {  	[sflag:s18] =	ssyncadd.s32 $0xFFFFE000  }
0x113: {  	[bflag:$0x0] =	sbarrier.arrive $0xFFFF  }
0x114: {  	s24 =	rddreg [dreg:$0x7]  }
0x115: {  	s6 =	sor.u32 $0x1C04, s19;
	s23 =	rddreg [dreg:$0x12];
	s19 =	sshrl.u32 s24, $0x3  }
0x116: {  	[hbm:s23], [sflag:s6] =	dma.local [spmem:s19], $0x1400  }
0x117: {  	_ =	swait.ge [sflag:s26], $0x1400  }
0x118: {  	[sflag:s26] =	ssyncset.done $0x0  }
0x119: {  	s23 =	simm.s32 $0x3;
	[sflag:s26] =	ssyncadd.s32 $0xFFFFEC00  }
0x11a: {  	_ =	swait.ge [sflag:s23], $0x1400  }
0x11b: {  	s20 =	sadd.s32 $0x1, s20;
	s24 =	rddreg [dreg:$0x13]  }
0x11c: {  	p0 =	sne.s32 s20, s24  }
.Ltmp5:
0x11d: {  	_ = 	snop;
	(pc) =	sbr.rel @p0 .LBB2_1-.Ltmp5, $3  }
0x11e: {  	_ =	sdelay $0x1  }
0x11f: {  	[sflag:s23] =	ssyncset.done $0x0  }
0x120: {  	[sflag:s23] =	ssyncadd.s32 $0xFFFFEC00;
	s24 =	smov.u32 s21  }
0x121: {  	_ =	sfence.sel $0x180000  }
0x122: {  	[bflag:$0x0] =	sbarrier.arrive $0xFFFF  }
0x123: {  	_ =	strace $0x90000047  }
0x124: {  	s0 =	stileid.u32;
	[bflag:$0x2] =	sbarrier.arrive $0xFFFF  }
0x125: {  	p0 =	sne.s32 s0, $0x0;
	s0 =	rddreg [dreg:$0x6]  }
0x126: {  	s0 =	sadd.s32 @!p0 $0x100000, s0  }
0x127: {  	[sflag:s0] =	ssyncadd.tile.s32 @!p0 $0x1;
	_ =	shalt  }
.Lfunc_end2:
_tile_overlayer_lowered:
.L_overlay_start_2:
0x128: {  	(tag) =	ssettag $0x2  }
0x129: {  	s0 =	rddreg [dreg:$0x0];
	s2 =	stileid.u32  }
0x12a: {  	s1 =	rddreg [dreg:$0x1];
	p0 =	sne.s32 s2, $0x0  }
0x12b: {  	s3 =	rddreg [dreg:$0x2];
	[bflag:$0x3] =	sbarrier.arrive $0xFFFF;
	s2 =	simm.s32 @!p0 $0x1C04  }
0x12c: {  	[timem:s3], [sflag:s2] =	dma.local @!p0 [hbm:s0], s1  }
0x12d: {  	s0 =	simm.s32 @!p0 $0x4  }
0x12e: {  	_ =	swait.ge @!p0 [sflag:s0], s1  }
0x12f: {  	s1 =	ssub.s32 @!p0 $0x0, s1;
	[sflag:s0] =	ssyncset.done @!p0 $0x0  }
0x130: {  	[sflag:s0] =	ssyncadd.s32 @!p0 s1  }
0x131: {  	[bflag:$0x3] =	sbarrier.arrive $0xFFFF  }
0x132: {  	_ =	shalt  }

</sc_bundles>
